<compile_context>
chip_gen: v7x
topology: tpu7x:2x2x1
jax: 0.10.2.dev20260603
libtpu: 0.0.44.dev20260713+nightly
codegen_flags: <defaults>
</compile_context>

<pallas_src>
import functools

import jax
import jax.numpy as jnp
from jax import lax
from jax.experimental import pallas as pl
from jax.experimental.pallas import tpu as pltpu
from jax.experimental.pallas import tpu_sc as plsc

B = 16384
D = 128
NC = 2
NS = 16
NW = NC * NS
BPW = B // NW
CHUNK = 64
NCHUNK = BPW // CHUNK

_mesh = plsc.VectorSubcoreMesh(core_axis_name="c", subcore_axis_name="s")


@functools.partial(
    pl.kernel,
    mesh=_mesh,
    out_type=jax.ShapeDtypeStruct((B,), jnp.float32),
    scratch_types=[
        pltpu.VMEM((BPW,), jnp.int32),
        pltpu.VMEM((BPW,), jnp.int32),
        pltpu.VMEM((BPW,), jnp.int32),
        pltpu.VMEM((CHUNK, D), jnp.float32),
        pltpu.VMEM((CHUNK, D), jnp.float32),
        pltpu.VMEM((CHUNK, D), jnp.float32),
        pltpu.VMEM((CHUNK, D), jnp.float32),
        pltpu.VMEM((CHUNK, D), jnp.float32),
        pltpu.VMEM((CHUNK, D), jnp.float32),
        pltpu.VMEM((BPW,), jnp.float32),
        pltpu.SemaphoreType.DMA,
        pltpu.SemaphoreType.DMA,
    ],
)
def _score_kernel(hidx_hbm, ridx_hbm, tidx_hbm, etab_hbm, rtab_hbm, out_hbm,
                  hi_v, ri_v, ti_v, hA, rA, tA, hB, rB, tB, s_v, semA, semB):
    wid = lax.axis_index("s") * NC + lax.axis_index("c")
    base = wid * BPW

    pltpu.sync_copy(hidx_hbm.at[pl.ds(base, BPW)], hi_v)
    pltpu.sync_copy(ridx_hbm.at[pl.ds(base, BPW)], ri_v)
    pltpu.sync_copy(tidx_hbm.at[pl.ds(base, BPW)], ti_v)

    bufs = [(hA, rA, tA), (hB, rB, tB)]
    sems = [semA, semB]
    pend = [None, None]

    def issue(c, slot):
        sl = pl.ds(c * CHUNK, CHUNK)
        hb, rb, tb = bufs[slot]
        sem = sems[slot]
        ch = pltpu.async_copy(etab_hbm.at[hi_v.at[sl]], hb, sem)
        cr = pltpu.async_copy(rtab_hbm.at[ri_v.at[sl]], rb, sem)
        ct = pltpu.async_copy(etab_hbm.at[ti_v.at[sl]], tb, sem)
        return (ch, cr, ct)

    lane = lax.iota(jnp.int32, 16)
    perms = [lane ^ k for k in (1, 2, 4, 8)]

    pend[0] = issue(0, 0)

    for c in range(NCHUNK):
        cur = c % 2
        nxt = (c + 1) % 2
        if c + 1 < NCHUNK:
            pend[nxt] = issue(c + 1, nxt)
        for cp in pend[cur]:
            cp.wait()
        h_v, r_v, t_v = bufs[cur]
        coff = c * CHUNK

        def group_body(g, gc):
            def row_body(l, scores):
                i = g * 16 + l
                a = h_v[i, pl.ds(0, 16)] * r_v[i, pl.ds(0, 16)] * t_v[i, pl.ds(0, 16)]
                for j in range(1, 8):
                    sl = pl.ds(j * 16, 16)
                    a = a + h_v[i, sl] * r_v[i, sl] * t_v[i, sl]
                for p in perms:
                    a = a + a.at[p].get(mode="promise_in_bounds")
                return jnp.where(lane == l, a, scores)

            scores = lax.fori_loop(0, 16, row_body, jnp.zeros((16,), jnp.float32))
            s_v[pl.ds(coff + g * 16, 16)] = scores
            return gc

        lax.fori_loop(0, CHUNK // 16, group_body, 0)

    pltpu.sync_copy(s_v, out_hbm.at[pl.ds(base, BPW)])


def kernel(triples, entity_table, relation_table):
    t32 = triples.astype(jnp.int32)
    return _score_kernel(t32[:, 0], t32[:, 1], t32[:, 2],
                         entity_table, relation_table)

# --- scband reference (transcript-rebuilt; emitter-appended) ---
"""Pipeline reference for scband-triples-score-layer-9517647528096 (READ-ONLY COPY).

The authoritative reference and input builder live on the scoring server;
editing this copy changes nothing except your own understanding.
"""

import jax, jax.numpy as jnp
import numpy as np

NUM_ENTITIES = 100000
NUM_RELATIONS = 1000
EMBED_DIM = 128
BATCH = 16384

def setup_inputs(seed: int = 0) -> dict:
    key = jax.random.key(seed)
    k1, k2, k3 = jax.random.split(key, 3)
    # triples: (head_idx, rel_idx, tail_idx). fill_max=1000 keeps all columns
    # in-range for both the 100k entity table and the 1k relation table.
    triples = jax.random.randint(k1, (BATCH, 3), 0, 1000, dtype=jnp.int64)
    entity_table = jax.random.normal(k2, (NUM_ENTITIES, EMBED_DIM), dtype=jnp.float32) * 0.02
    relation_table = jax.random.normal(k3, (NUM_RELATIONS, EMBED_DIM), dtype=jnp.float32) * 0.02
    return {"triples": triples, "entity_table": entity_table, "relation_table": relation_table}

def reference(triples, entity_table, relation_table):
    # Embedding lookups (gather) -> SparseCore-friendly
    h = jnp.take(entity_table, triples[:, 0], axis=0)
    r = jnp.take(relation_table, triples[:, 1], axis=0)
    t = jnp.take(entity_table, triples[:, 2], axis=0)
    # DistMult interaction: score = sum_d h_d * r_d * t_d
    scores = jnp.sum(h * r * t, axis=-1)
    return scores

if __name__ == "__main__":
    import jax
    _d = setup_inputs()
    print(jax.jit(kernel)(*tuple(_d.values())))

</pallas_src>

<mosaic_0001>
#map = affine_map<(d0, d1) -> (0)>
#map1 = affine_map<(d0, d1) -> (0, 0)>
module attributes {stable_mosaic.version = 14 : i64} {
  func.func @_score_kernel(%arg0: i32, %arg1: i32, %arg2: memref<16384xi32, #tpu.memory_space<hbm>>, %arg3: memref<16384xi32, #tpu.memory_space<hbm>>, %arg4: memref<16384xi32, #tpu.memory_space<hbm>>, %arg5: memref<100000x128xf32, #tpu.memory_space<hbm>>, %arg6: memref<1000x128xf32, #tpu.memory_space<hbm>>, %arg7: memref<16384xf32, #tpu.memory_space<hbm>>, %arg8: memref<512xi32, #tpu.memory_space<vmem>>, %arg9: memref<512xi32, #tpu.memory_space<vmem>>, %arg10: memref<512xi32, #tpu.memory_space<vmem>>, %arg11: memref<64x128xf32, #tpu.memory_space<vmem>>, %arg12: memref<64x128xf32, #tpu.memory_space<vmem>>, %arg13: memref<64x128xf32, #tpu.memory_space<vmem>>, %arg14: memref<64x128xf32, #tpu.memory_space<vmem>>, %arg15: memref<64x128xf32, #tpu.memory_space<vmem>>, %arg16: memref<64x128xf32, #tpu.memory_space<vmem>>, %arg17: memref<512xf32, #tpu.memory_space<vmem>>, %arg18: memref<!tpu.dma_semaphore, #tpu.memory_space<semaphore_mem>>, %arg19: memref<!tpu.dma_semaphore, #tpu.memory_space<semaphore_mem>>) attributes {dimension_semantics = [#tpu.dimension_semantics<core_parallel>, #tpu.dimension_semantics<subcore_parallel>], iteration_bounds = array<i64: 2, 16>, scalar_prefetch = 0 : i64, scratch_operands = 12 : i64, tpu.core_type = #tpu.core_type<sc_vector_subcore>, window_params = [{transform_indices = #map}, {transform_indices = #map}, {transform_indices = #map}, {transform_indices = #map1}, {transform_indices = #map1}, {transform_indices = #map}]} {
    %mul3A = arith.constant 2 : i32
    %mul3A_0 = arith.muli %arg1, %mul3A : i32
    %add3A = arith.addi %mul3A_0, %arg0 : i32
    %mul3A_1 = arith.constant 512 : i32
    %mul3A_2 = arith.muli %add3A, %mul3A_1 : i32
    "tpu.region"() ({
      %run_scoped3A = tpu.sem_alloc : memref<!tpu.dma_semaphore, #tpu.memory_space<semaphore_mem>>
      %dma_start3A_299 = tpu.memref_slice %arg2[%mul3A_2] : memref<16384xi32, #tpu.memory_space<hbm>> -> memref<512xi32, #tpu.memory_space<hbm>>
      %dma_start3A_300 = tpu.memref_slice %arg2[%mul3A_2] : memref<16384xi32, #tpu.memory_space<hbm>> -> memref<512xi32, #tpu.memory_space<hbm>>
      tpu.enqueue_dma source(%dma_start3A_300 : memref<512xi32, #tpu.memory_space<hbm>>) target(%arg8 : memref<512xi32, #tpu.memory_space<vmem>>) target_semaphore(%run_scoped3A : memref<!tpu.dma_semaphore, #tpu.memory_space<semaphore_mem>>)
      %dma_wait3A_301 = tpu.memref_slice %arg2[%mul3A_2] : memref<16384xi32, #tpu.memory_space<hbm>> -> memref<512xi32, #tpu.memory_space<hbm>>
      %dma_wait3A_302 = tpu.memref_slice %arg2[%mul3A_2] : memref<16384xi32, #tpu.memory_space<hbm>> -> memref<512xi32, #tpu.memory_space<hbm>>
      tpu.wait_dma2 semaphore(%run_scoped3A : memref<!tpu.dma_semaphore, #tpu.memory_space<semaphore_mem>>) src(%dma_wait3A_302 : memref<512xi32, #tpu.memory_space<hbm>>) dst(%arg8 : memref<512xi32, #tpu.memory_space<vmem>>)
      tpu.yield
    }) : () -> ()
    "tpu.region"() ({
      %run_scoped3A = tpu.sem_alloc : memref<!tpu.dma_semaphore, #tpu.memory_space<semaphore_mem>>
      %dma_start3A_299 = tpu.memref_slice %arg3[%mul3A_2] : memref<16384xi32, #tpu.memory_space<hbm>> -> memref<512xi32, #tpu.memory_space<hbm>>
      %dma_start3A_300 = tpu.memref_slice %arg3[%mul3A_2] : memref<16384xi32, #tpu.memory_space<hbm>> -> memref<512xi32, #tpu.memory_space<hbm>>
      tpu.enqueue_dma source(%dma_start3A_300 : memref<512xi32, #tpu.memory_space<hbm>>) target(%arg9 : memref<512xi32, #tpu.memory_space<vmem>>) target_semaphore(%run_scoped3A : memref<!tpu.dma_semaphore, #tpu.memory_space<semaphore_mem>>)
      %dma_wait3A_301 = tpu.memref_slice %arg3[%mul3A_2] : memref<16384xi32, #tpu.memory_space<hbm>> -> memref<512xi32, #tpu.memory_space<hbm>>
      %dma_wait3A_302 = tpu.memref_slice %arg3[%mul3A_2] : memref<16384xi32, #tpu.memory_space<hbm>> -> memref<512xi32, #tpu.memory_space<hbm>>
      tpu.wait_dma2 semaphore(%run_scoped3A : memref<!tpu.dma_semaphore, #tpu.memory_space<semaphore_mem>>) src(%dma_wait3A_302 : memref<512xi32, #tpu.memory_space<hbm>>) dst(%arg9 : memref<512xi32, #tpu.memory_space<vmem>>)
      tpu.yield
    }) : () -> ()
    "tpu.region"() ({
      %run_scoped3A = tpu.sem_alloc : memref<!tpu.dma_semaphore, #tpu.memory_space<semaphore_mem>>
      %dma_start3A_299 = tpu.memref_slice %arg4[%mul3A_2] : memref<16384xi32, #tpu.memory_space<hbm>> -> memref<512xi32, #tpu.memory_space<hbm>>
      %dma_start3A_300 = tpu.memref_slice %arg4[%mul3A_2] : memref<16384xi32, #tpu.memory_space<hbm>> -> memref<512xi32, #tpu.memory_space<hbm>>
      tpu.enqueue_dma source(%dma_start3A_300 : memref<512xi32, #tpu.memory_space<hbm>>) target(%arg10 : memref<512xi32, #tpu.memory_space<vmem>>) target_semaphore(%run_scoped3A : memref<!tpu.dma_semaphore, #tpu.memory_space<semaphore_mem>>)
      %dma_wait3A_301 = tpu.memref_slice %arg4[%mul3A_2] : memref<16384xi32, #tpu.memory_space<hbm>> -> memref<512xi32, #tpu.memory_space<hbm>>
      %dma_wait3A_302 = tpu.memref_slice %arg4[%mul3A_2] : memref<16384xi32, #tpu.memory_space<hbm>> -> memref<512xi32, #tpu.memory_space<hbm>>
      tpu.wait_dma2 semaphore(%run_scoped3A : memref<!tpu.dma_semaphore, #tpu.memory_space<semaphore_mem>>) src(%dma_wait3A_302 : memref<512xi32, #tpu.memory_space<hbm>>) dst(%arg10 : memref<512xi32, #tpu.memory_space<vmem>>)
      tpu.yield
    }) : () -> ()
    %iota3A = tpu.iota {dimensions = array<i32: 0>} : vector<16xi32>
    %xor3A = arith.constant 1 : i32
    %xor3A_3 = vector.broadcast %xor3A : i32 to vector<16xi32>
    %xor3A_4 = arith.xori %iota3A, %xor3A_3 : vector<16xi32>
    %xor3A_5 = arith.constant 2 : i32
    %xor3A_6 = vector.broadcast %xor3A_5 : i32 to vector<16xi32>
    %xor3A_7 = arith.xori %iota3A, %xor3A_6 : vector<16xi32>
    %xor3A_8 = arith.constant 4 : i32
    %xor3A_9 = vector.broadcast %xor3A_8 : i32 to vector<16xi32>
    %xor3A_10 = arith.xori %iota3A, %xor3A_9 : vector<16xi32>
    %xor3A_11 = arith.constant 8 : i32
    %xor3A_12 = vector.broadcast %xor3A_11 : i32 to vector<16xi32>
    %xor3A_13 = arith.xori %iota3A, %xor3A_12 : vector<16xi32>
    %dma_start3A = arith.constant 0 : i32
    %dma_start3A_14 = tpu.memref_slice %arg8[%dma_start3A] : memref<512xi32, #tpu.memory_space<vmem>> -> memref<64xi32, #tpu.memory_space<vmem>>
    %dma_start3A_15 = arith.constant 0 : i32
    %dma_start3A_16 = arith.constant 0 : i32
    %dma_start3A_17 = tpu.memref_slice %arg5[%dma_start3A_15, %dma_start3A_16] : memref<100000x128xf32, #tpu.memory_space<hbm>> -> memref<100000x128xf32, #tpu.memory_space<hbm>>
    tpu.enqueue_indirect_dma source(%dma_start3A_17 : memref<100000x128xf32, #tpu.memory_space<hbm>>) target(%arg11 : memref<64x128xf32, #tpu.memory_space<vmem>>) offsets(%dma_start3A_14 : memref<64xi32, #tpu.memory_space<vmem>>) semaphore(%arg18 : memref<!tpu.dma_semaphore, #tpu.memory_space<semaphore_mem>>)
    %dma_start3A_18 = arith.constant 0 : i32
    %dma_start3A_19 = tpu.memref_slice %arg9[%dma_start3A_18] : memref<512xi32, #tpu.memory_space<vmem>> -> memref<64xi32, #tpu.memory_space<vmem>>
    %dma_start3A_20 = arith.constant 0 : i32
    %dma_start3A_21 = arith.constant 0 : i32
    %dma_start3A_22 = tpu.memref_slice %arg6[%dma_start3A_20, %dma_start3A_21] : memref<1000x128xf32, #tpu.memory_space<hbm>> -> memref<1000x128xf32, #tpu.memory_space<hbm>>
    tpu.enqueue_indirect_dma source(%dma_start3A_22 : memref<1000x128xf32, #tpu.memory_space<hbm>>) target(%arg12 : memref<64x128xf32, #tpu.memory_space<vmem>>) offsets(%dma_start3A_19 : memref<64xi32, #tpu.memory_space<vmem>>) semaphore(%arg18 : memref<!tpu.dma_semaphore, #tpu.memory_space<semaphore_mem>>)
    %dma_start3A_23 = arith.constant 0 : i32
    %dma_start3A_24 = tpu.memref_slice %arg10[%dma_start3A_23] : memref<512xi32, #tpu.memory_space<vmem>> -> memref<64xi32, #tpu.memory_space<vmem>>
    %dma_start3A_25 = arith.constant 0 : i32
    %dma_start3A_26 = arith.constant 0 : i32
    %dma_start3A_27 = tpu.memref_slice %arg5[%dma_start3A_25, %dma_start3A_26] : memref<100000x128xf32, #tpu.memory_space<hbm>> -> memref<100000x128xf32, #tpu.memory_space<hbm>>
    tpu.enqueue_indirect_dma source(%dma_start3A_27 : memref<100000x128xf32, #tpu.memory_space<hbm>>) target(%arg13 : memref<64x128xf32, #tpu.memory_space<vmem>>) offsets(%dma_start3A_24 : memref<64xi32, #tpu.memory_space<vmem>>) semaphore(%arg18 : memref<!tpu.dma_semaphore, #tpu.memory_space<semaphore_mem>>)
    %dma_start3A_28 = arith.constant 64 : i32
    %dma_start3A_29 = tpu.memref_slice %arg8[%dma_start3A_28] : memref<512xi32, #tpu.memory_space<vmem>> -> memref<64xi32, #tpu.memory_space<vmem>>
    %dma_start3A_30 = arith.constant 0 : i32
    %dma_start3A_31 = arith.constant 0 : i32
    %dma_start3A_32 = tpu.memref_slice %arg5[%dma_start3A_30, %dma_start3A_31] : memref<100000x128xf32, #tpu.memory_space<hbm>> -> memref<100000x128xf32, #tpu.memory_space<hbm>>
    tpu.enqueue_indirect_dma source(%dma_start3A_32 : memref<100000x128xf32, #tpu.memory_space<hbm>>) target(%arg14 : memref<64x128xf32, #tpu.memory_space<vmem>>) offsets(%dma_start3A_29 : memref<64xi32, #tpu.memory_space<vmem>>) semaphore(%arg19 : memref<!tpu.dma_semaphore, #tpu.memory_space<semaphore_mem>>)
    %dma_start3A_33 = arith.constant 64 : i32
    %dma_start3A_34 = tpu.memref_slice %arg9[%dma_start3A_33] : memref<512xi32, #tpu.memory_space<vmem>> -> memref<64xi32, #tpu.memory_space<vmem>>
    %dma_start3A_35 = arith.constant 0 : i32
    %dma_start3A_36 = arith.constant 0 : i32
    %dma_start3A_37 = tpu.memref_slice %arg6[%dma_start3A_35, %dma_start3A_36] : memref<1000x128xf32, #tpu.memory_space<hbm>> -> memref<1000x128xf32, #tpu.memory_space<hbm>>
    tpu.enqueue_indirect_dma source(%dma_start3A_37 : memref<1000x128xf32, #tpu.memory_space<hbm>>) target(%arg15 : memref<64x128xf32, #tpu.memory_space<vmem>>) offsets(%dma_start3A_34 : memref<64xi32, #tpu.memory_space<vmem>>) semaphore(%arg19 : memref<!tpu.dma_semaphore, #tpu.memory_space<semaphore_mem>>)
    %dma_start3A_38 = arith.constant 64 : i32
    %dma_start3A_39 = tpu.memref_slice %arg10[%dma_start3A_38] : memref<512xi32, #tpu.memory_space<vmem>> -> memref<64xi32, #tpu.memory_space<vmem>>
    %dma_start3A_40 = arith.constant 0 : i32
    %dma_start3A_41 = arith.constant 0 : i32
    %dma_start3A_42 = tpu.memref_slice %arg5[%dma_start3A_40, %dma_start3A_41] : memref<100000x128xf32, #tpu.memory_space<hbm>> -> memref<100000x128xf32, #tpu.memory_space<hbm>>
    tpu.enqueue_indirect_dma source(%dma_start3A_42 : memref<100000x128xf32, #tpu.memory_space<hbm>>) target(%arg16 : memref<64x128xf32, #tpu.memory_space<vmem>>) offsets(%dma_start3A_39 : memref<64xi32, #tpu.memory_space<vmem>>) semaphore(%arg19 : memref<!tpu.dma_semaphore, #tpu.memory_space<semaphore_mem>>)
    %dma_wait3A = arith.constant 0 : i32
    %dma_wait3A_43 = tpu.memref_slice %arg8[%dma_wait3A] : memref<512xi32, #tpu.memory_space<vmem>> -> memref<64xi32, #tpu.memory_space<vmem>>
    %dma_wait3A_44 = arith.constant 0 : i32
    %dma_wait3A_45 = arith.constant 0 : i32
    %dma_wait3A_46 = tpu.memref_slice %arg5[%dma_wait3A_44, %dma_wait3A_45] : memref<100000x128xf32, #tpu.memory_space<hbm>> -> memref<100000x128xf32, #tpu.memory_space<hbm>>
    tpu.wait_indirect_dma semaphore(%arg18 : memref<!tpu.dma_semaphore, #tpu.memory_space<semaphore_mem>>) src(%dma_wait3A_46 : memref<100000x128xf32, #tpu.memory_space<hbm>>) dst(%arg11 : memref<64x128xf32, #tpu.memory_space<vmem>>)
    %dma_wait3A_47 = arith.constant 0 : i32
    %dma_wait3A_48 = tpu.memref_slice %arg9[%dma_wait3A_47] : memref<512xi32, #tpu.memory_space<vmem>> -> memref<64xi32, #tpu.memory_space<vmem>>
    %dma_wait3A_49 = arith.constant 0 : i32
    %dma_wait3A_50 = arith.constant 0 : i32
    %dma_wait3A_51 = tpu.memref_slice %arg6[%dma_wait3A_49, %dma_wait3A_50] : memref<1000x128xf32, #tpu.memory_space<hbm>> -> memref<1000x128xf32, #tpu.memory_space<hbm>>
    tpu.wait_indirect_dma semaphore(%arg18 : memref<!tpu.dma_semaphore, #tpu.memory_space<semaphore_mem>>) src(%dma_wait3A_51 : memref<1000x128xf32, #tpu.memory_space<hbm>>) dst(%arg12 : memref<64x128xf32, #tpu.memory_space<vmem>>)
    %dma_wait3A_52 = arith.constant 0 : i32
    %dma_wait3A_53 = tpu.memref_slice %arg10[%dma_wait3A_52] : memref<512xi32, #tpu.memory_space<vmem>> -> memref<64xi32, #tpu.memory_space<vmem>>
    %dma_wait3A_54 = arith.constant 0 : i32
    %dma_wait3A_55 = arith.constant 0 : i32
    %dma_wait3A_56 = tpu.memref_slice %arg5[%dma_wait3A_54, %dma_wait3A_55] : memref<100000x128xf32, #tpu.memory_space<hbm>> -> memref<100000x128xf32, #tpu.memory_space<hbm>>
    tpu.wait_indirect_dma semaphore(%arg18 : memref<!tpu.dma_semaphore, #tpu.memory_space<semaphore_mem>>) src(%dma_wait3A_56 : memref<100000x128xf32, #tpu.memory_space<hbm>>) dst(%arg13 : memref<64x128xf32, #tpu.memory_space<vmem>>)
    %scan3A = arith.constant 0 : i32
    %scan3A_57 = arith.constant 0 : i32
    %scan3A_58 = arith.constant 4 : i32
    %scan3A_59 = arith.addi %scan3A_57, %scan3A_58 : i32
    %scan3A_60 = arith.constant 1 : i32
    scf.for %scan3A_299 = %scan3A_57 to %scan3A_59 step %scan3A_60  : i32 {
      %broadcast_in_dim3A = arith.constant 0.000000e+00 : f32
      %broadcast_in_dim3A_300 = vector.broadcast %broadcast_in_dim3A : f32 to vector<16xf32>
      %scan3A_301 = arith.constant 0 : i32
      %scan3A_302 = arith.constant 16 : i32
      %scan3A_303 = arith.addi %scan3A_301, %scan3A_302 : i32
      %scan3A_304 = arith.constant 1 : i32
      %scan3A_305 = scf.for %scan3A_314 = %scan3A_301 to %scan3A_303 step %scan3A_304 iter_args(%scan3A_315 = %broadcast_in_dim3A_300) -> (vector<16xf32>)  : i32 {
        %mul3A_316 = arith.constant 16 : i32
        %mul3A_317 = arith.muli %scan3A_299, %mul3A_316 : i32
        %add3A_318 = arith.addi %mul3A_317, %scan3A_314 : i32
        %get3A = arith.index_cast %add3A_318 : i32 to index
        %get3A_319 = arith.constant 0 : index
        %get3A_320 = tpu.vector_load %arg11[%get3A, %get3A_319] {strides = array<i32>} : memref<64x128xf32, #tpu.memory_space<vmem>>, vector<1x16xf32>,
        %get3A_321 = vector.shape_cast %get3A_320 : vector<1x16xf32> to vector<16xf32>
        %get3A_322 = arith.index_cast %add3A_318 : i32 to index
        %get3A_323 = arith.constant 0 : index
        %get3A_324 = tpu.vector_load %arg12[%get3A_322, %get3A_323] {strides = array<i32>} : memref<64x128xf32, #tpu.memory_space<vmem>>, vector<1x16xf32>,
        %get3A_325 = vector.shape_cast %get3A_324 : vector<1x16xf32> to vector<16xf32>
        %mul3A_326 = arith.mulf %get3A_321, %get3A_325 : vector<16xf32>
        %get3A_327 = arith.index_cast %add3A_318 : i32 to index
        %get3A_328 = arith.constant 0 : index
        %get3A_329 = tpu.vector_load %arg13[%get3A_327, %get3A_328] {strides = array<i32>} : memref<64x128xf32, #tpu.memory_space<vmem>>, vector<1x16xf32>,
        %get3A_330 = vector.shape_cast %get3A_329 : vector<1x16xf32> to vector<16xf32>
        %mul3A_331 = arith.mulf %mul3A_326, %get3A_330 : vector<16xf32>
        %get3A_332 = arith.index_cast %add3A_318 : i32 to index
        %get3A_333 = arith.constant 16 : index
        %get3A_334 = tpu.vector_load %arg11[%get3A_332, %get3A_333] {strides = array<i32>} : memref<64x128xf32, #tpu.memory_space<vmem>>, vector<1x16xf32>,
        %get3A_335 = vector.shape_cast %get3A_334 : vector<1x16xf32> to vector<16xf32>
        %get3A_336 = arith.index_cast %add3A_318 : i32 to index
        %get3A_337 = arith.constant 16 : index
        %get3A_338 = tpu.vector_load %arg12[%get3A_336, %get3A_337] {strides = array<i32>} : memref<64x128xf32, #tpu.memory_space<vmem>>, vector<1x16xf32>,
        %get3A_339 = vector.shape_cast %get3A_338 : vector<1x16xf32> to vector<16xf32>
        %mul3A_340 = arith.mulf %get3A_335, %get3A_339 : vector<16xf32>
        %get3A_341 = arith.index_cast %add3A_318 : i32 to index
        %get3A_342 = arith.constant 16 : index
        %get3A_343 = tpu.vector_load %arg13[%get3A_341, %get3A_342] {strides = array<i32>} : memref<64x128xf32, #tpu.memory_space<vmem>>, vector<1x16xf32>,
        %get3A_344 = vector.shape_cast %get3A_343 : vector<1x16xf32> to vector<16xf32>
        %mul3A_345 = arith.mulf %mul3A_340, %get3A_344 : vector<16xf32>
        %add3A_346 = arith.addf %mul3A_331, %mul3A_345 : vector<16xf32>
        %get3A_347 = arith.index_cast %add3A_318 : i32 to index
        %get3A_348 = arith.constant 32 : index
        %get3A_349 = tpu.vector_load %arg11[%get3A_347, %get3A_348] {strides = array<i32>} : memref<64x128xf32, #tpu.memory_space<vmem>>, vector<1x16xf32>,
        %get3A_350 = vector.shape_cast %get3A_349 : vector<1x16xf32> to vector<16xf32>
        %get3A_351 = arith.index_cast %add3A_318 : i32 to index
        %get3A_352 = arith.constant 32 : index
        %get3A_353 = tpu.vector_load %arg12[%get3A_351, %get3A_352] {strides = array<i32>} : memref<64x128xf32, #tpu.memory_space<vmem>>, vector<1x16xf32>,
        %get3A_354 = vector.shape_cast %get3A_353 : vector<1x16xf32> to vector<16xf32>
        %mul3A_355 = arith.mulf %get3A_350, %get3A_354 : vector<16xf32>
        %get3A_356 = arith.index_cast %add3A_318 : i32 to index
        %get3A_357 = arith.constant 32 : index
        %get3A_358 = tpu.vector_load %arg13[%get3A_356, %get3A_357] {strides = array<i32>} : memref<64x128xf32, #tpu.memory_space<vmem>>, vector<1x16xf32>,
        %get3A_359 = vector.shape_cast %get3A_358 : vector<1x16xf32> to vector<16xf32>
        %mul3A_360 = arith.mulf %mul3A_355, %get3A_359 : vector<16xf32>
        %add3A_361 = arith.addf %add3A_346, %mul3A_360 : vector<16xf32>
        %get3A_362 = arith.index_cast %add3A_318 : i32 to index
        %get3A_363 = arith.constant 48 : index
        %get3A_364 = tpu.vector_load %arg11[%get3A_362, %get3A_363] {strides = array<i32>} : memref<64x128xf32, #tpu.memory_space<vmem>>, vector<1x16xf32>,
        %get3A_365 = vector.shape_cast %get3A_364 : vector<1x16xf32> to vector<16xf32>
        %get3A_366 = arith.index_cast %add3A_318 : i32 to index
        %get3A_367 = arith.constant 48 : index
        %get3A_368 = tpu.vector_load %arg12[%get3A_366, %get3A_367] {strides = array<i32>} : memref<64x128xf32, #tpu.memory_space<vmem>>, vector<1x16xf32>,
        %get3A_369 = vector.shape_cast %get3A_368 : vector<1x16xf32> to vector<16xf32>
        %mul3A_370 = arith.mulf %get3A_365, %get3A_369 : vector<16xf32>
        %get3A_371 = arith.index_cast %add3A_318 : i32 to index
        %get3A_372 = arith.constant 48 : index
        %get3A_373 = tpu.vector_load %arg13[%get3A_371, %get3A_372] {strides = array<i32>} : memref<64x128xf32, #tpu.memory_space<vmem>>, vector<1x16xf32>,
        %get3A_374 = vector.shape_cast %get3A_373 : vector<1x16xf32> to vector<16xf32>
        %mul3A_375 = arith.mulf %mul3A_370, %get3A_374 : vector<16xf32>
        %add3A_376 = arith.addf %add3A_361, %mul3A_375 : vector<16xf32>
        %get3A_377 = arith.index_cast %add3A_318 : i32 to index
        %get3A_378 = arith.constant 64 : index
        %get3A_379 = tpu.vector_load %arg11[%get3A_377, %get3A_378] {strides = array<i32>} : memref<64x128xf32, #tpu.memory_space<vmem>>, vector<1x16xf32>,
        %get3A_380 = vector.shape_cast %get3A_379 : vector<1x16xf32> to vector<16xf32>
        %get3A_381 = arith.index_cast %add3A_318 : i32 to index
        %get3A_382 = arith.constant 64 : index
        %get3A_383 = tpu.vector_load %arg12[%get3A_381, %get3A_382] {strides = array<i32>} : memref<64x128xf32, #tpu.memory_space<vmem>>, vector<1x16xf32>,
        %get3A_384 = vector.shape_cast %get3A_383 : vector<1x16xf32> to vector<16xf32>
        %mul3A_385 = arith.mulf %get3A_380, %get3A_384 : vector<16xf32>
        %get3A_386 = arith.index_cast %add3A_318 : i32 to index
        %get3A_387 = arith.constant 64 : index
        %get3A_388 = tpu.vector_load %arg13[%get3A_386, %get3A_387] {strides = array<i32>} : memref<64x128xf32, #tpu.memory_space<vmem>>, vector<1x16xf32>,
        %get3A_389 = vector.shape_cast %get3A_388 : vector<1x16xf32> to vector<16xf32>
        %mul3A_390 = arith.mulf %mul3A_385, %get3A_389 : vector<16xf32>
        %add3A_391 = arith.addf %add3A_376, %mul3A_390 : vector<16xf32>
        %get3A_392 = arith.index_cast %add3A_318 : i32 to index
        %get3A_393 = arith.constant 80 : index
        %get3A_394 = tpu.vector_load %arg11[%get3A_392, %get3A_393] {strides = array<i32>} : memref<64x128xf32, #tpu.memory_space<vmem>>, vector<1x16xf32>,
        %get3A_395 = vector.shape_cast %get3A_394 : vector<1x16xf32> to vector<16xf32>
        %get3A_396 = arith.index_cast %add3A_318 : i32 to index
        %get3A_397 = arith.constant 80 : index
        %get3A_398 = tpu.vector_load %arg12[%get3A_396, %get3A_397] {strides = array<i32>} : memref<64x128xf32, #tpu.memory_space<vmem>>, vector<1x16xf32>,
        %get3A_399 = vector.shape_cast %get3A_398 : vector<1x16xf32> to vector<16xf32>
        %mul3A_400 = arith.mulf %get3A_395, %get3A_399 : vector<16xf32>
        %get3A_401 = arith.index_cast %add3A_318 : i32 to index
        %get3A_402 = arith.constant 80 : index
        %get3A_403 = tpu.vector_load %arg13[%get3A_401, %get3A_402] {strides = array<i32>} : memref<64x128xf32, #tpu.memory_space<vmem>>, vector<1x16xf32>,
        %get3A_404 = vector.shape_cast %get3A_403 : vector<1x16xf32> to vector<16xf32>
        %mul3A_405 = arith.mulf %mul3A_400, %get3A_404 : vector<16xf32>
        %add3A_406 = arith.addf %add3A_391, %mul3A_405 : vector<16xf32>
        %get3A_407 = arith.index_cast %add3A_318 : i32 to index
        %get3A_408 = arith.constant 96 : index
        %get3A_409 = tpu.vector_load %arg11[%get3A_407, %get3A_408] {strides = array<i32>} : memref<64x128xf32, #tpu.memory_space<vmem>>, vector<1x16xf32>,
        %get3A_410 = vector.shape_cast %get3A_409 : vector<1x16xf32> to vector<16xf32>
        %get3A_411 = arith.index_cast %add3A_318 : i32 to index
        %get3A_412 = arith.constant 96 : index
        %get3A_413 = tpu.vector_load %arg12[%get3A_411, %get3A_412] {strides = array<i32>} : memref<64x128xf32, #tpu.memory_space<vmem>>, vector<1x16xf32>,
        %get3A_414 = vector.shape_cast %get3A_413 : vector<1x16xf32> to vector<16xf32>
        %mul3A_415 = arith.mulf %get3A_410, %get3A_414 : vector<16xf32>
        %get3A_416 = arith.index_cast %add3A_318 : i32 to index
        %get3A_417 = arith.constant 96 : index
        %get3A_418 = tpu.vector_load %arg13[%get3A_416, %get3A_417] {strides = array<i32>} : memref<64x128xf32, #tpu.memory_space<vmem>>, vector<1x16xf32>,
        %get3A_419 = vector.shape_cast %get3A_418 : vector<1x16xf32> to vector<16xf32>
        %mul3A_420 = arith.mulf %mul3A_415, %get3A_419 : vector<16xf32>
        %add3A_421 = arith.addf %add3A_406, %mul3A_420 : vector<16xf32>
        %get3A_422 = arith.index_cast %add3A_318 : i32 to index
        %get3A_423 = arith.constant 112 : index
        %get3A_424 = tpu.vector_load %arg11[%get3A_422, %get3A_423] {strides = array<i32>} : memref<64x128xf32, #tpu.memory_space<vmem>>, vector<1x16xf32>,
        %get3A_425 = vector.shape_cast %get3A_424 : vector<1x16xf32> to vector<16xf32>
        %get3A_426 = arith.index_cast %add3A_318 : i32 to index
        %get3A_427 = arith.constant 112 : index
        %get3A_428 = tpu.vector_load %arg12[%get3A_426, %get3A_427] {strides = array<i32>} : memref<64x128xf32, #tpu.memory_space<vmem>>, vector<1x16xf32>,
        %get3A_429 = vector.shape_cast %get3A_428 : vector<1x16xf32> to vector<16xf32>
        %mul3A_430 = arith.mulf %get3A_425, %get3A_429 : vector<16xf32>
        %get3A_431 = arith.index_cast %add3A_318 : i32 to index
        %get3A_432 = arith.constant 112 : index
        %get3A_433 = tpu.vector_load %arg13[%get3A_431, %get3A_432] {strides = array<i32>} : memref<64x128xf32, #tpu.memory_space<vmem>>, vector<1x16xf32>,
        %get3A_434 = vector.shape_cast %get3A_433 : vector<1x16xf32> to vector<16xf32>
        %mul3A_435 = arith.mulf %mul3A_430, %get3A_434 : vector<16xf32>
        %add3A_436 = arith.addf %add3A_421, %mul3A_435 : vector<16xf32>
        %lt3A = arith.constant 0 : i32
        %lt3A_437 = vector.broadcast %lt3A : i32 to vector<16xi32>
        %lt3A_438 = arith.cmpi slt, %xor3A_4, %lt3A_437 : vector<16xi32>
        %add3A_439 = arith.constant 16 : i32
        %add3A_440 = vector.broadcast %add3A_439 : i32 to vector<16xi32>
        %add3A_441 = arith.addi %xor3A_4, %add3A_440 : vector<16xi32>
        %select_n3A = arith.select %lt3A_438, %add3A_441, %xor3A_4 : vector<16xi1>, vector<16xi32>
        %broadcast_in_dim3A_442 = vector.shape_cast %select_n3A : vector<16xi32> to vector<16x1xi32>
        %gather3A = vector.shape_cast %broadcast_in_dim3A_442 : vector<16x1xi32> to vector<16xi32>
        %gather3A_443 = tpu.dynamic_gather %add3A_436[%gather3A] in [0] : vector<16xf32>, vector<16xi32> -> vector<16xf32>
        %add3A_444 = arith.addf %add3A_436, %gather3A_443 : vector<16xf32>
        %lt3A_445 = arith.constant 0 : i32
        %lt3A_446 = vector.broadcast %lt3A_445 : i32 to vector<16xi32>
        %lt3A_447 = arith.cmpi slt, %xor3A_7, %lt3A_446 : vector<16xi32>
        %add3A_448 = arith.constant 16 : i32
        %add3A_449 = vector.broadcast %add3A_448 : i32 to vector<16xi32>
        %add3A_450 = arith.addi %xor3A_7, %add3A_449 : vector<16xi32>
        %select_n3A_451 = arith.select %lt3A_447, %add3A_450, %xor3A_7 : vector<16xi1>, vector<16xi32>
        %broadcast_in_dim3A_452 = vector.shape_cast %select_n3A_451 : vector<16xi32> to vector<16x1xi32>
        %gather3A_453 = vector.shape_cast %broadcast_in_dim3A_452 : vector<16x1xi32> to vector<16xi32>
        %gather3A_454 = tpu.dynamic_gather %add3A_444[%gather3A_453] in [0] : vector<16xf32>, vector<16xi32> -> vector<16xf32>
        %add3A_455 = arith.addf %add3A_444, %gather3A_454 : vector<16xf32>
        %lt3A_456 = arith.constant 0 : i32
        %lt3A_457 = vector.broadcast %lt3A_456 : i32 to vector<16xi32>
        %lt3A_458 = arith.cmpi slt, %xor3A_10, %lt3A_457 : vector<16xi32>
        %add3A_459 = arith.constant 16 : i32
        %add3A_460 = vector.broadcast %add3A_459 : i32 to vector<16xi32>
        %add3A_461 = arith.addi %xor3A_10, %add3A_460 : vector<16xi32>
        %select_n3A_462 = arith.select %lt3A_458, %add3A_461, %xor3A_10 : vector<16xi1>, vector<16xi32>
        %broadcast_in_dim3A_463 = vector.shape_cast %select_n3A_462 : vector<16xi32> to vector<16x1xi32>
        %gather3A_464 = vector.shape_cast %broadcast_in_dim3A_463 : vector<16x1xi32> to vector<16xi32>
        %gather3A_465 = tpu.dynamic_gather %add3A_455[%gather3A_464] in [0] : vector<16xf32>, vector<16xi32> -> vector<16xf32>
        %add3A_466 = arith.addf %add3A_455, %gather3A_465 : vector<16xf32>
        %lt3A_467 = arith.constant 0 : i32
        %lt3A_468 = vector.broadcast %lt3A_467 : i32 to vector<16xi32>
        %lt3A_469 = arith.cmpi slt, %xor3A_13, %lt3A_468 : vector<16xi32>
        %add3A_470 = arith.constant 16 : i32
        %add3A_471 = vector.broadcast %add3A_470 : i32 to vector<16xi32>
        %add3A_472 = arith.addi %xor3A_13, %add3A_471 : vector<16xi32>
        %select_n3A_473 = arith.select %lt3A_469, %add3A_472, %xor3A_13 : vector<16xi1>, vector<16xi32>
        %broadcast_in_dim3A_474 = vector.shape_cast %select_n3A_473 : vector<16xi32> to vector<16x1xi32>
        %gather3A_475 = vector.shape_cast %broadcast_in_dim3A_474 : vector<16x1xi32> to vector<16xi32>
        %gather3A_476 = tpu.dynamic_gather %add3A_466[%gather3A_475] in [0] : vector<16xf32>, vector<16xi32> -> vector<16xf32>
        %add3A_477 = arith.addf %add3A_466, %gather3A_476 : vector<16xf32>
        %eq3A = vector.broadcast %scan3A_314 : i32 to vector<16xi32>
        %eq3A_478 = arith.cmpi eq, %iota3A, %eq3A : vector<16xi32>
        %select_n3A_479 = arith.select %eq3A_478, %add3A_477, %scan3A_315 : vector<16xi1>, vector<16xf32>
        scf.yield %select_n3A_479 : vector<16xf32>
      }
      %scan3A_306 = arith.constant 16 : i32
      %mul3A_307 = arith.constant 16 : i32
      %mul3A_308 = arith.muli %scan3A_299, %mul3A_307 : i32
      %add3A_309 = arith.constant 0 : i32
      %add3A_310 = arith.addi %add3A_309, %mul3A_308 : i32
      %swap3A = arith.index_cast %add3A_310 : i32 to index
      %swap3A_311 = tpu.vector_load %arg17[%swap3A] {strides = array<i32>} : memref<512xf32, #tpu.memory_space<vmem>>, vector<16xf32>,
      %swap3A_312 = vector.shape_cast %swap3A_311 : vector<16xf32> to vector<16xf32>
      %swap3A_313 = vector.shape_cast %scan3A_305 : vector<16xf32> to vector<16xf32>
      tpu.vector_store %arg17[%swap3A], %swap3A_313 {strides = array<i32>} : memref<512xf32, #tpu.memory_space<vmem>>, vector<16xf32>,
    }
    %scan3A_61 = arith.constant 4 : i32
    %dma_start3A_62 = arith.constant 128 : i32
    %dma_start3A_63 = tpu.memref_slice %arg8[%dma_start3A_62] : memref<512xi32, #tpu.memory_space<vmem>> -> memref<64xi32, #tpu.memory_space<vmem>>
    %dma_start3A_64 = arith.constant 0 : i32
    %dma_start3A_65 = arith.constant 0 : i32
    %dma_start3A_66 = tpu.memref_slice %arg5[%dma_start3A_64, %dma_start3A_65] : memref<100000x128xf32, #tpu.memory_space<hbm>> -> memref<100000x128xf32, #tpu.memory_space<hbm>>
    tpu.enqueue_indirect_dma source(%dma_start3A_66 : memref<100000x128xf32, #tpu.memory_space<hbm>>) target(%arg11 : memref<64x128xf32, #tpu.memory_space<vmem>>) offsets(%dma_start3A_63 : memref<64xi32, #tpu.memory_space<vmem>>) semaphore(%arg18 : memref<!tpu.dma_semaphore, #tpu.memory_space<semaphore_mem>>)
    %dma_start3A_67 = arith.constant 128 : i32
    %dma_start3A_68 = tpu.memref_slice %arg9[%dma_start3A_67] : memref<512xi32, #tpu.memory_space<vmem>> -> memref<64xi32, #tpu.memory_space<vmem>>
    %dma_start3A_69 = arith.constant 0 : i32
    %dma_start3A_70 = arith.constant 0 : i32
    %dma_start3A_71 = tpu.memref_slice %arg6[%dma_start3A_69, %dma_start3A_70] : memref<1000x128xf32, #tpu.memory_space<hbm>> -> memref<1000x128xf32, #tpu.memory_space<hbm>>
    tpu.enqueue_indirect_dma source(%dma_start3A_71 : memref<1000x128xf32, #tpu.memory_space<hbm>>) target(%arg12 : memref<64x128xf32, #tpu.memory_space<vmem>>) offsets(%dma_start3A_68 : memref<64xi32, #tpu.memory_space<vmem>>) semaphore(%arg18 : memref<!tpu.dma_semaphore, #tpu.memory_space<semaphore_mem>>)
    %dma_start3A_72 = arith.constant 128 : i32
    %dma_start3A_73 = tpu.memref_slice %arg10[%dma_start3A_72] : memref<512xi32, #tpu.memory_space<vmem>> -> memref<64xi32, #tpu.memory_space<vmem>>
    %dma_start3A_74 = arith.constant 0 : i32
    %dma_start3A_75 = arith.constant 0 : i32
    %dma_start3A_76 = tpu.memref_slice %arg5[%dma_start3A_74, %dma_start3A_75] : memref<100000x128xf32, #tpu.memory_space<hbm>> -> memref<100000x128xf32, #tpu.memory_space<hbm>>
    tpu.enqueue_indirect_dma source(%dma_start3A_76 : memref<100000x128xf32, #tpu.memory_space<hbm>>) target(%arg13 : memref<64x128xf32, #tpu.memory_space<vmem>>) offsets(%dma_start3A_73 : memref<64xi32, #tpu.memory_space<vmem>>) semaphore(%arg18 : memref<!tpu.dma_semaphore, #tpu.memory_space<semaphore_mem>>)
    %dma_wait3A_77 = arith.constant 64 : i32
    %dma_wait3A_78 = tpu.memref_slice %arg8[%dma_wait3A_77] : memref<512xi32, #tpu.memory_space<vmem>> -> memref<64xi32, #tpu.memory_space<vmem>>
    %dma_wait3A_79 = arith.constant 0 : i32
    %dma_wait3A_80 = arith.constant 0 : i32
    %dma_wait3A_81 = tpu.memref_slice %arg5[%dma_wait3A_79, %dma_wait3A_80] : memref<100000x128xf32, #tpu.memory_space<hbm>> -> memref<100000x128xf32, #tpu.memory_space<hbm>>
    tpu.wait_indirect_dma semaphore(%arg19 : memref<!tpu.dma_semaphore, #tpu.memory_space<semaphore_mem>>) src(%dma_wait3A_81 : memref<100000x128xf32, #tpu.memory_space<hbm>>) dst(%arg14 : memref<64x128xf32, #tpu.memory_space<vmem>>)
    %dma_wait3A_82 = arith.constant 64 : i32
    %dma_wait3A_83 = tpu.memref_slice %arg9[%dma_wait3A_82] : memref<512xi32, #tpu.memory_space<vmem>> -> memref<64xi32, #tpu.memory_space<vmem>>
    %dma_wait3A_84 = arith.constant 0 : i32
    %dma_wait3A_85 = arith.constant 0 : i32
    %dma_wait3A_86 = tpu.memref_slice %arg6[%dma_wait3A_84, %dma_wait3A_85] : memref<1000x128xf32, #tpu.memory_space<hbm>> -> memref<1000x128xf32, #tpu.memory_space<hbm>>
    tpu.wait_indirect_dma semaphore(%arg19 : memref<!tpu.dma_semaphore, #tpu.memory_space<semaphore_mem>>) src(%dma_wait3A_86 : memref<1000x128xf32, #tpu.memory_space<hbm>>) dst(%arg15 : memref<64x128xf32, #tpu.memory_space<vmem>>)
    %dma_wait3A_87 = arith.constant 64 : i32
    %dma_wait3A_88 = tpu.memref_slice %arg10[%dma_wait3A_87] : memref<512xi32, #tpu.memory_space<vmem>> -> memref<64xi32, #tpu.memory_space<vmem>>
    %dma_wait3A_89 = arith.constant 0 : i32
    %dma_wait3A_90 = arith.constant 0 : i32
    %dma_wait3A_91 = tpu.memref_slice %arg5[%dma_wait3A_89, %dma_wait3A_90] : memref<100000x128xf32, #tpu.memory_space<hbm>> -> memref<100000x128xf32, #tpu.memory_space<hbm>>
    tpu.wait_indirect_dma semaphore(%arg19 : memref<!tpu.dma_semaphore, #tpu.memory_space<semaphore_mem>>) src(%dma_wait3A_91 : memref<100000x128xf32, #tpu.memory_space<hbm>>) dst(%arg16 : memref<64x128xf32, #tpu.memory_space<vmem>>)
    %scan3A_92 = arith.constant 0 : i32
    %scan3A_93 = arith.constant 0 : i32
    %scan3A_94 = arith.constant 4 : i32
    %scan3A_95 = arith.addi %scan3A_93, %scan3A_94 : i32
    %scan3A_96 = arith.constant 1 : i32
    scf.for %scan3A_299 = %scan3A_93 to %scan3A_95 step %scan3A_96  : i32 {
      %broadcast_in_dim3A = arith.constant 0.000000e+00 : f32
      %broadcast_in_dim3A_300 = vector.broadcast %broadcast_in_dim3A : f32 to vector<16xf32>
      %scan3A_301 = arith.constant 0 : i32
      %scan3A_302 = arith.constant 16 : i32
      %scan3A_303 = arith.addi %scan3A_301, %scan3A_302 : i32
      %scan3A_304 = arith.constant 1 : i32
      %scan3A_305 = scf.for %scan3A_314 = %scan3A_301 to %scan3A_303 step %scan3A_304 iter_args(%scan3A_315 = %broadcast_in_dim3A_300) -> (vector<16xf32>)  : i32 {
        %mul3A_316 = arith.constant 16 : i32
        %mul3A_317 = arith.muli %scan3A_299, %mul3A_316 : i32
        %add3A_318 = arith.addi %mul3A_317, %scan3A_314 : i32
        %get3A = arith.index_cast %add3A_318 : i32 to index
        %get3A_319 = arith.constant 0 : index
        %get3A_320 = tpu.vector_load %arg14[%get3A, %get3A_319] {strides = array<i32>} : memref<64x128xf32, #tpu.memory_space<vmem>>, vector<1x16xf32>,
        %get3A_321 = vector.shape_cast %get3A_320 : vector<1x16xf32> to vector<16xf32>
        %get3A_322 = arith.index_cast %add3A_318 : i32 to index
        %get3A_323 = arith.constant 0 : index
        %get3A_324 = tpu.vector_load %arg15[%get3A_322, %get3A_323] {strides = array<i32>} : memref<64x128xf32, #tpu.memory_space<vmem>>, vector<1x16xf32>,
        %get3A_325 = vector.shape_cast %get3A_324 : vector<1x16xf32> to vector<16xf32>
        %mul3A_326 = arith.mulf %get3A_321, %get3A_325 : vector<16xf32>
        %get3A_327 = arith.index_cast %add3A_318 : i32 to index
        %get3A_328 = arith.constant 0 : index
        %get3A_329 = tpu.vector_load %arg16[%get3A_327, %get3A_328] {strides = array<i32>} : memref<64x128xf32, #tpu.memory_space<vmem>>, vector<1x16xf32>,
        %get3A_330 = vector.shape_cast %get3A_329 : vector<1x16xf32> to vector<16xf32>
        %mul3A_331 = arith.mulf %mul3A_326, %get3A_330 : vector<16xf32>
        %get3A_332 = arith.index_cast %add3A_318 : i32 to index
        %get3A_333 = arith.constant 16 : index
        %get3A_334 = tpu.vector_load %arg14[%get3A_332, %get3A_333] {strides = array<i32>} : memref<64x128xf32, #tpu.memory_space<vmem>>, vector<1x16xf32>,
        %get3A_335 = vector.shape_cast %get3A_334 : vector<1x16xf32> to vector<16xf32>
        %get3A_336 = arith.index_cast %add3A_318 : i32 to index
        %get3A_337 = arith.constant 16 : index
        %get3A_338 = tpu.vector_load %arg15[%get3A_336, %get3A_337] {strides = array<i32>} : memref<64x128xf32, #tpu.memory_space<vmem>>, vector<1x16xf32>,
        %get3A_339 = vector.shape_cast %get3A_338 : vector<1x16xf32> to vector<16xf32>
        %mul3A_340 = arith.mulf %get3A_335, %get3A_339 : vector<16xf32>
        %get3A_341 = arith.index_cast %add3A_318 : i32 to index
        %get3A_342 = arith.constant 16 : index
        %get3A_343 = tpu.vector_load %arg16[%get3A_341, %get3A_342] {strides = array<i32>} : memref<64x128xf32, #tpu.memory_space<vmem>>, vector<1x16xf32>,
        %get3A_344 = vector.shape_cast %get3A_343 : vector<1x16xf32> to vector<16xf32>
        %mul3A_345 = arith.mulf %mul3A_340, %get3A_344 : vector<16xf32>
        %add3A_346 = arith.addf %mul3A_331, %mul3A_345 : vector<16xf32>
        %get3A_347 = arith.index_cast %add3A_318 : i32 to index
        %get3A_348 = arith.constant 32 : index
        %get3A_349 = tpu.vector_load %arg14[%get3A_347, %get3A_348] {strides = array<i32>} : memref<64x128xf32, #tpu.memory_space<vmem>>, vector<1x16xf32>,
        %get3A_350 = vector.shape_cast %get3A_349 : vector<1x16xf32> to vector<16xf32>
        %get3A_351 = arith.index_cast %add3A_318 : i32 to index
        %get3A_352 = arith.constant 32 : index
        %get3A_353 = tpu.vector_load %arg15[%get3A_351, %get3A_352] {strides = array<i32>} : memref<64x128xf32, #tpu.memory_space<vmem>>, vector<1x16xf32>,
        %get3A_354 = vector.shape_cast %get3A_353 : vector<1x16xf32> to vector<16xf32>
        %mul3A_355 = arith.mulf %get3A_350, %get3A_354 : vector<16xf32>
        %get3A_356 = arith.index_cast %add3A_318 : i32 to index
        %get3A_357 = arith.constant 32 : index
        %get3A_358 = tpu.vector_load %arg16[%get3A_356, %get3A_357] {strides = array<i32>} : memref<64x128xf32, #tpu.memory_space<vmem>>, vector<1x16xf32>,
        %get3A_359 = vector.shape_cast %get3A_358 : vector<1x16xf32> to vector<16xf32>
        %mul3A_360 = arith.mulf %mul3A_355, %get3A_359 : vector<16xf32>
        %add3A_361 = arith.addf %add3A_346, %mul3A_360 : vector<16xf32>
        %get3A_362 = arith.index_cast %add3A_318 : i32 to index
        %get3A_363 = arith.constant 48 : index
        %get3A_364 = tpu.vector_load %arg14[%get3A_362, %get3A_363] {strides = array<i32>} : memref<64x128xf32, #tpu.memory_space<vmem>>, vector<1x16xf32>,
        %get3A_365 = vector.shape_cast %get3A_364 : vector<1x16xf32> to vector<16xf32>
        %get3A_366 = arith.index_cast %add3A_318 : i32 to index
        %get3A_367 = arith.constant 48 : index
        %get3A_368 = tpu.vector_load %arg15[%get3A_366, %get3A_367] {strides = array<i32>} : memref<64x128xf32, #tpu.memory_space<vmem>>, vector<1x16xf32>,
        %get3A_369 = vector.shape_cast %get3A_368 : vector<1x16xf32> to vector<16xf32>
        %mul3A_370 = arith.mulf %get3A_365, %get3A_369 : vector<16xf32>
        %get3A_371 = arith.index_cast %add3A_318 : i32 to index
        %get3A_372 = arith.constant 48 : index
        %get3A_373 = tpu.vector_load %arg16[%get3A_371, %get3A_372] {strides = array<i32>} : memref<64x128xf32, #tpu.memory_space<vmem>>, vector<1x16xf32>,
        %get3A_374 = vector.shape_cast %get3A_373 : vector<1x16xf32> to vector<16xf32>
        %mul3A_375 = arith.mulf %mul3A_370, %get3A_374 : vector<16xf32>
        %add3A_376 = arith.addf %add3A_361, %mul3A_375 : vector<16xf32>
        %get3A_377 = arith.index_cast %add3A_318 : i32 to index
        %get3A_378 = arith.constant 64 : index
        %get3A_379 = tpu.vector_load %arg14[%get3A_377, %get3A_378] {strides = array<i32>} : memref<64x128xf32, #tpu.memory_space<vmem>>, vector<1x16xf32>,
        %get3A_380 = vector.shape_cast %get3A_379 : vector<1x16xf32> to vector<16xf32>
        %get3A_381 = arith.index_cast %add3A_318 : i32 to index
        %get3A_382 = arith.constant 64 : index
        %get3A_383 = tpu.vector_load %arg15[%get3A_381, %get3A_382] {strides = array<i32>} : memref<64x128xf32, #tpu.memory_space<vmem>>, vector<1x16xf32>,
        %get3A_384 = vector.shape_cast %get3A_383 : vector<1x16xf32> to vector<16xf32>
        %mul3A_385 = arith.mulf %get3A_380, %get3A_384 : vector<16xf32>
        %get3A_386 = arith.index_cast %add3A_318 : i32 to index
        %get3A_387 = arith.constant 64 : index
        %get3A_388 = tpu.vector_load %arg16[%get3A_386, %get3A_387] {strides = array<i32>} : memref<64x128xf32, #tpu.memory_space<vmem>>, vector<1x16xf32>,
        %get3A_389 = vector.shape_cast %get3A_388 : vector<1x16xf32> to vector<16xf32>
        %mul3A_390 = arith.mulf %mul3A_385, %get3A_389 : vector<16xf32>
        %add3A_391 = arith.addf %add3A_376, %mul3A_390 : vector<16xf32>
        %get3A_392 = arith.index_cast %add3A_318 : i32 to index
        %get3A_393 = arith.constant 80 : index
        %get3A_394 = tpu.vector_load %arg14[%get3A_392, %get3A_393] {strides = array<i32>} : memref<64x128xf32, #tpu.memory_space<vmem>>, vector<1x16xf32>,
        %get3A_395 = vector.shape_cast %get3A_394 : vector<1x16xf32> to vector<16xf32>
        %get3A_396 = arith.index_cast %add3A_318 : i32 to index
        %get3A_397 = arith.constant 80 : index
        %get3A_398 = tpu.vector_load %arg15[%get3A_396, %get3A_397] {strides = array<i32>} : memref<64x128xf32, #tpu.memory_space<vmem>>, vector<1x16xf32>,
        %get3A_399 = vector.shape_cast %get3A_398 : vector<1x16xf32> to vector<16xf32>
        %mul3A_400 = arith.mulf %get3A_395, %get3A_399 : vector<16xf32>
        %get3A_401 = arith.index_cast %add3A_318 : i32 to index
        %get3A_402 = arith.constant 80 : index
        %get3A_403 = tpu.vector_load %arg16[%get3A_401, %get3A_402] {strides = array<i32>} : memref<64x128xf32, #tpu.memory_space<vmem>>, vector<1x16xf32>,
        %get3A_404 = vector.shape_cast %get3A_403 : vector<1x16xf32> to vector<16xf32>
        %mul3A_405 = arith.mulf %mul3A_400, %get3A_404 : vector<16xf32>
        %add3A_406 = arith.addf %add3A_391, %mul3A_405 : vector<16xf32>
        %get3A_407 = arith.index_cast %add3A_318 : i32 to index
        %get3A_408 = arith.constant 96 : index
        %get3A_409 = tpu.vector_load %arg14[%get3A_407, %get3A_408] {strides = array<i32>} : memref<64x128xf32, #tpu.memory_space<vmem>>, vector<1x16xf32>,
        %get3A_410 = vector.shape_cast %get3A_409 : vector<1x16xf32> to vector<16xf32>
        %get3A_411 = arith.index_cast %add3A_318 : i32 to index
        %get3A_412 = arith.constant 96 : index
        %get3A_413 = tpu.vector_load %arg15[%get3A_411, %get3A_412] {strides = array<i32>} : memref<64x128xf32, #tpu.memory_space<vmem>>, vector<1x16xf32>,
        %get3A_414 = vector.shape_cast %get3A_413 : vector<1x16xf32> to vector<16xf32>
        %mul3A_415 = arith.mulf %get3A_410, %get3A_414 : vector<16xf32>
        %get3A_416 = arith.index_cast %add3A_318 : i32 to index
        %get3A_417 = arith.constant 96 : index
        %get3A_418 = tpu.vector_load %arg16[%get3A_416, %get3A_417] {strides = array<i32>} : memref<64x128xf32, #tpu.memory_space<vmem>>, vector<1x16xf32>,
        %get3A_419 = vector.shape_cast %get3A_418 : vector<1x16xf32> to vector<16xf32>
        %mul3A_420 = arith.mulf %mul3A_415, %get3A_419 : vector<16xf32>
        %add3A_421 = arith.addf %add3A_406, %mul3A_420 : vector<16xf32>
        %get3A_422 = arith.index_cast %add3A_318 : i32 to index
        %get3A_423 = arith.constant 112 : index
        %get3A_424 = tpu.vector_load %arg14[%get3A_422, %get3A_423] {strides = array<i32>} : memref<64x128xf32, #tpu.memory_space<vmem>>, vector<1x16xf32>,
        %get3A_425 = vector.shape_cast %get3A_424 : vector<1x16xf32> to vector<16xf32>
        %get3A_426 = arith.index_cast %add3A_318 : i32 to index
        %get3A_427 = arith.constant 112 : index
        %get3A_428 = tpu.vector_load %arg15[%get3A_426, %get3A_427] {strides = array<i32>} : memref<64x128xf32, #tpu.memory_space<vmem>>, vector<1x16xf32>,
        %get3A_429 = vector.shape_cast %get3A_428 : vector<1x16xf32> to vector<16xf32>
        %mul3A_430 = arith.mulf %get3A_425, %get3A_429 : vector<16xf32>
        %get3A_431 = arith.index_cast %add3A_318 : i32 to index
        %get3A_432 = arith.constant 112 : index
        %get3A_433 = tpu.vector_load %arg16[%get3A_431, %get3A_432] {strides = array<i32>} : memref<64x128xf32, #tpu.memory_space<vmem>>, vector<1x16xf32>,
        %get3A_434 = vector.shape_cast %get3A_433 : vector<1x16xf32> to vector<16xf32>
        %mul3A_435 = arith.mulf %mul3A_430, %get3A_434 : vector<16xf32>
        %add3A_436 = arith.addf %add3A_421, %mul3A_435 : vector<16xf32>
        %lt3A = arith.constant 0 : i32
        %lt3A_437 = vector.broadcast %lt3A : i32 to vector<16xi32>
        %lt3A_438 = arith.cmpi slt, %xor3A_4, %lt3A_437 : vector<16xi32>
        %add3A_439 = arith.constant 16 : i32
        %add3A_440 = vector.broadcast %add3A_439 : i32 to vector<16xi32>
        %add3A_441 = arith.addi %xor3A_4, %add3A_440 : vector<16xi32>
        %select_n3A = arith.select %lt3A_438, %add3A_441, %xor3A_4 : vector<16xi1>, vector<16xi32>
        %broadcast_in_dim3A_442 = vector.shape_cast %select_n3A : vector<16xi32> to vector<16x1xi32>
        %gather3A = vector.shape_cast %broadcast_in_dim3A_442 : vector<16x1xi32> to vector<16xi32>
        %gather3A_443 = tpu.dynamic_gather %add3A_436[%gather3A] in [0] : vector<16xf32>, vector<16xi32> -> vector<16xf32>
        %add3A_444 = arith.addf %add3A_436, %gather3A_443 : vector<16xf32>
        %lt3A_445 = arith.constant 0 : i32
        %lt3A_446 = vector.broadcast %lt3A_445 : i32 to vector<16xi32>
        %lt3A_447 = arith.cmpi slt, %xor3A_7, %lt3A_446 : vector<16xi32>
        %add3A_448 = arith.constant 16 : i32
        %add3A_449 = vector.broadcast %add3A_448 : i32 to vector<16xi32>
        %add3A_450 = arith.addi %xor3A_7, %add3A_449 : vector<16xi32>
        %select_n3A_451 = arith.select %lt3A_447, %add3A_450, %xor3A_7 : vector<16xi1>, vector<16xi32>
        %broadcast_in_dim3A_452 = vector.shape_cast %select_n3A_451 : vector<16xi32> to vector<16x1xi32>
        %gather3A_453 = vector.shape_cast %broadcast_in_dim3A_452 : vector<16x1xi32> to vector<16xi32>
        %gather3A_454 = tpu.dynamic_gather %add3A_444[%gather3A_453] in [0] : vector<16xf32>, vector<16xi32> -> vector<16xf32>
        %add3A_455 = arith.addf %add3A_444, %gather3A_454 : vector<16xf32>
        %lt3A_456 = arith.constant 0 : i32
        %lt3A_457 = vector.broadcast %lt3A_456 : i32 to vector<16xi32>
        %lt3A_458 = arith.cmpi slt, %xor3A_10, %lt3A_457 : vector<16xi32>
        %add3A_459 = arith.constant 16 : i32
        %add3A_460 = vector.broadcast %add3A_459 : i32 to vector<16xi32>
        %add3A_461 = arith.addi %xor3A_10, %add3A_460 : vector<16xi32>
        %select_n3A_462 = arith.select %lt3A_458, %add3A_461, %xor3A_10 : vector<16xi1>, vector<16xi32>
        %broadcast_in_dim3A_463 = vector.shape_cast %select_n3A_462 : vector<16xi32> to vector<16x1xi32>
        %gather3A_464 = vector.shape_cast %broadcast_in_dim3A_463 : vector<16x1xi32> to vector<16xi32>
        %gather3A_465 = tpu.dynamic_gather %add3A_455[%gather3A_464] in [0] : vector<16xf32>, vector<16xi32> -> vector<16xf32>
        %add3A_466 = arith.addf %add3A_455, %gather3A_465 : vector<16xf32>
        %lt3A_467 = arith.constant 0 : i32
        %lt3A_468 = vector.broadcast %lt3A_467 : i32 to vector<16xi32>
        %lt3A_469 = arith.cmpi slt, %xor3A_13, %lt3A_468 : vector<16xi32>
        %add3A_470 = arith.constant 16 : i32
        %add3A_471 = vector.broadcast %add3A_470 : i32 to vector<16xi32>
        %add3A_472 = arith.addi %xor3A_13, %add3A_471 : vector<16xi32>
        %select_n3A_473 = arith.select %lt3A_469, %add3A_472, %xor3A_13 : vector<16xi1>, vector<16xi32>
        %broadcast_in_dim3A_474 = vector.shape_cast %select_n3A_473 : vector<16xi32> to vector<16x1xi32>
        %gather3A_475 = vector.shape_cast %broadcast_in_dim3A_474 : vector<16x1xi32> to vector<16xi32>
        %gather3A_476 = tpu.dynamic_gather %add3A_466[%gather3A_475] in [0] : vector<16xf32>, vector<16xi32> -> vector<16xf32>
        %add3A_477 = arith.addf %add3A_466, %gather3A_476 : vector<16xf32>
        %eq3A = vector.broadcast %scan3A_314 : i32 to vector<16xi32>
        %eq3A_478 = arith.cmpi eq, %iota3A, %eq3A : vector<16xi32>
        %select_n3A_479 = arith.select %eq3A_478, %add3A_477, %scan3A_315 : vector<16xi1>, vector<16xf32>
        scf.yield %select_n3A_479 : vector<16xf32>
      }
      %scan3A_306 = arith.constant 16 : i32
      %mul3A_307 = arith.constant 16 : i32
      %mul3A_308 = arith.muli %scan3A_299, %mul3A_307 : i32
      %add3A_309 = arith.constant 64 : i32
      %add3A_310 = arith.addi %add3A_309, %mul3A_308 : i32
      %swap3A = arith.index_cast %add3A_310 : i32 to index
      %swap3A_311 = tpu.vector_load %arg17[%swap3A] {strides = array<i32>} : memref<512xf32, #tpu.memory_space<vmem>>, vector<16xf32>,
      %swap3A_312 = vector.shape_cast %swap3A_311 : vector<16xf32> to vector<16xf32>
      %swap3A_313 = vector.shape_cast %scan3A_305 : vector<16xf32> to vector<16xf32>
      tpu.vector_store %arg17[%swap3A], %swap3A_313 {strides = array<i32>} : memref<512xf32, #tpu.memory_space<vmem>>, vector<16xf32>,
    }
    %scan3A_97 = arith.constant 4 : i32
    %dma_start3A_98 = arith.constant 192 : i32
    %dma_start3A_99 = tpu.memref_slice %arg8[%dma_start3A_98] : memref<512xi32, #tpu.memory_space<vmem>> -> memref<64xi32, #tpu.memory_space<vmem>>
    %dma_start3A_100 = arith.constant 0 : i32
    %dma_start3A_101 = arith.constant 0 : i32
    %dma_start3A_102 = tpu.memref_slice %arg5[%dma_start3A_100, %dma_start3A_101] : memref<100000x128xf32, #tpu.memory_space<hbm>> -> memref<100000x128xf32, #tpu.memory_space<hbm>>
    tpu.enqueue_indirect_dma source(%dma_start3A_102 : memref<100000x128xf32, #tpu.memory_space<hbm>>) target(%arg14 : memref<64x128xf32, #tpu.memory_space<vmem>>) offsets(%dma_start3A_99 : memref<64xi32, #tpu.memory_space<vmem>>) semaphore(%arg19 : memref<!tpu.dma_semaphore, #tpu.memory_space<semaphore_mem>>)
    %dma_start3A_103 = arith.constant 192 : i32
    %dma_start3A_104 = tpu.memref_slice %arg9[%dma_start3A_103] : memref<512xi32, #tpu.memory_space<vmem>> -> memref<64xi32, #tpu.memory_space<vmem>>
    %dma_start3A_105 = arith.constant 0 : i32
    %dma_start3A_106 = arith.constant 0 : i32
    %dma_start3A_107 = tpu.memref_slice %arg6[%dma_start3A_105, %dma_start3A_106] : memref<1000x128xf32, #tpu.memory_space<hbm>> -> memref<1000x128xf32, #tpu.memory_space<hbm>>
    tpu.enqueue_indirect_dma source(%dma_start3A_107 : memref<1000x128xf32, #tpu.memory_space<hbm>>) target(%arg15 : memref<64x128xf32, #tpu.memory_space<vmem>>) offsets(%dma_start3A_104 : memref<64xi32, #tpu.memory_space<vmem>>) semaphore(%arg19 : memref<!tpu.dma_semaphore, #tpu.memory_space<semaphore_mem>>)
    %dma_start3A_108 = arith.constant 192 : i32
    %dma_start3A_109 = tpu.memref_slice %arg10[%dma_start3A_108] : memref<512xi32, #tpu.memory_space<vmem>> -> memref<64xi32, #tpu.memory_space<vmem>>
    %dma_start3A_110 = arith.constant 0 : i32
    %dma_start3A_111 = arith.constant 0 : i32
    %dma_start3A_112 = tpu.memref_slice %arg5[%dma_start3A_110, %dma_start3A_111] : memref<100000x128xf32, #tpu.memory_space<hbm>> -> memref<100000x128xf32, #tpu.memory_space<hbm>>
    tpu.enqueue_indirect_dma source(%dma_start3A_112 : memref<100000x128xf32, #tpu.memory_space<hbm>>) target(%arg16 : memref<64x128xf32, #tpu.memory_space<vmem>>) offsets(%dma_start3A_109 : memref<64xi32, #tpu.memory_space<vmem>>) semaphore(%arg19 : memref<!tpu.dma_semaphore, #tpu.memory_space<semaphore_mem>>)
    %dma_wait3A_113 = arith.constant 128 : i32
    %dma_wait3A_114 = tpu.memref_slice %arg8[%dma_wait3A_113] : memref<512xi32, #tpu.memory_space<vmem>> -> memref<64xi32, #tpu.memory_space<vmem>>
    %dma_wait3A_115 = arith.constant 0 : i32
    %dma_wait3A_116 = arith.constant 0 : i32
    %dma_wait3A_117 = tpu.memref_slice %arg5[%dma_wait3A_115, %dma_wait3A_116] : memref<100000x128xf32, #tpu.memory_space<hbm>> -> memref<100000x128xf32, #tpu.memory_space<hbm>>
    tpu.wait_indirect_dma semaphore(%arg18 : memref<!tpu.dma_semaphore, #tpu.memory_space<semaphore_mem>>) src(%dma_wait3A_117 : memref<100000x128xf32, #tpu.memory_space<hbm>>) dst(%arg11 : memref<64x128xf32, #tpu.memory_space<vmem>>)
    %dma_wait3A_118 = arith.constant 128 : i32
    %dma_wait3A_119 = tpu.memref_slice %arg9[%dma_wait3A_118] : memref<512xi32, #tpu.memory_space<vmem>> -> memref<64xi32, #tpu.memory_space<vmem>>
    %dma_wait3A_120 = arith.constant 0 : i32
    %dma_wait3A_121 = arith.constant 0 : i32
    %dma_wait3A_122 = tpu.memref_slice %arg6[%dma_wait3A_120, %dma_wait3A_121] : memref<1000x128xf32, #tpu.memory_space<hbm>> -> memref<1000x128xf32, #tpu.memory_space<hbm>>
    tpu.wait_indirect_dma semaphore(%arg18 : memref<!tpu.dma_semaphore, #tpu.memory_space<semaphore_mem>>) src(%dma_wait3A_122 : memref<1000x128xf32, #tpu.memory_space<hbm>>) dst(%arg12 : memref<64x128xf32, #tpu.memory_space<vmem>>)
    %dma_wait3A_123 = arith.constant 128 : i32
    %dma_wait3A_124 = tpu.memref_slice %arg10[%dma_wait3A_123] : memref<512xi32, #tpu.memory_space<vmem>> -> memref<64xi32, #tpu.memory_space<vmem>>
    %dma_wait3A_125 = arith.constant 0 : i32
    %dma_wait3A_126 = arith.constant 0 : i32
    %dma_wait3A_127 = tpu.memref_slice %arg5[%dma_wait3A_125, %dma_wait3A_126] : memref<100000x128xf32, #tpu.memory_space<hbm>> -> memref<100000x128xf32, #tpu.memory_space<hbm>>
    tpu.wait_indirect_dma semaphore(%arg18 : memref<!tpu.dma_semaphore, #tpu.memory_space<semaphore_mem>>) src(%dma_wait3A_127 : memref<100000x128xf32, #tpu.memory_space<hbm>>) dst(%arg13 : memref<64x128xf32, #tpu.memory_space<vmem>>)
    %scan3A_128 = arith.constant 0 : i32
    %scan3A_129 = arith.constant 0 : i32
    %scan3A_130 = arith.constant 4 : i32
    %scan3A_131 = arith.addi %scan3A_129, %scan3A_130 : i32
    %scan3A_132 = arith.constant 1 : i32
    scf.for %scan3A_299 = %scan3A_129 to %scan3A_131 step %scan3A_132  : i32 {
      %broadcast_in_dim3A = arith.constant 0.000000e+00 : f32
      %broadcast_in_dim3A_300 = vector.broadcast %broadcast_in_dim3A : f32 to vector<16xf32>
      %scan3A_301 = arith.constant 0 : i32
      %scan3A_302 = arith.constant 16 : i32
      %scan3A_303 = arith.addi %scan3A_301, %scan3A_302 : i32
      %scan3A_304 = arith.constant 1 : i32
      %scan3A_305 = scf.for %scan3A_314 = %scan3A_301 to %scan3A_303 step %scan3A_304 iter_args(%scan3A_315 = %broadcast_in_dim3A_300) -> (vector<16xf32>)  : i32 {
        %mul3A_316 = arith.constant 16 : i32
        %mul3A_317 = arith.muli %scan3A_299, %mul3A_316 : i32
        %add3A_318 = arith.addi %mul3A_317, %scan3A_314 : i32
        %get3A = arith.index_cast %add3A_318 : i32 to index
        %get3A_319 = arith.constant 0 : index
        %get3A_320 = tpu.vector_load %arg11[%get3A, %get3A_319] {strides = array<i32>} : memref<64x128xf32, #tpu.memory_space<vmem>>, vector<1x16xf32>,
        %get3A_321 = vector.shape_cast %get3A_320 : vector<1x16xf32> to vector<16xf32>
        %get3A_322 = arith.index_cast %add3A_318 : i32 to index
        %get3A_323 = arith.constant 0 : index
        %get3A_324 = tpu.vector_load %arg12[%get3A_322, %get3A_323] {strides = array<i32>} : memref<64x128xf32, #tpu.memory_space<vmem>>, vector<1x16xf32>,
        %get3A_325 = vector.shape_cast %get3A_324 : vector<1x16xf32> to vector<16xf32>
        %mul3A_326 = arith.mulf %get3A_321, %get3A_325 : vector<16xf32>
        %get3A_327 = arith.index_cast %add3A_318 : i32 to index
        %get3A_328 = arith.constant 0 : index
        %get3A_329 = tpu.vector_load %arg13[%get3A_327, %get3A_328] {strides = array<i32>} : memref<64x128xf32, #tpu.memory_space<vmem>>, vector<1x16xf32>,
        %get3A_330 = vector.shape_cast %get3A_329 : vector<1x16xf32> to vector<16xf32>
        %mul3A_331 = arith.mulf %mul3A_326, %get3A_330 : vector<16xf32>
        %get3A_332 = arith.index_cast %add3A_318 : i32 to index
        %get3A_333 = arith.constant 16 : index
        %get3A_334 = tpu.vector_load %arg11[%get3A_332, %get3A_333] {strides = array<i32>} : memref<64x128xf32, #tpu.memory_space<vmem>>, vector<1x16xf32>,
        %get3A_335 = vector.shape_cast %get3A_334 : vector<1x16xf32> to vector<16xf32>
        %get3A_336 = arith.index_cast %add3A_318 : i32 to index
        %get3A_337 = arith.constant 16 : index
        %get3A_338 = tpu.vector_load %arg12[%get3A_336, %get3A_337] {strides = array<i32>} : memref<64x128xf32, #tpu.memory_space<vmem>>, vector<1x16xf32>,
        %get3A_339 = vector.shape_cast %get3A_338 : vector<1x16xf32> to vector<16xf32>
        %mul3A_340 = arith.mulf %get3A_335, %get3A_339 : vector<16xf32>
        %get3A_341 = arith.index_cast %add3A_318 : i32 to index
        %get3A_342 = arith.constant 16 : index
        %get3A_343 = tpu.vector_load %arg13[%get3A_341, %get3A_342] {strides = array<i32>} : memref<64x128xf32, #tpu.memory_space<vmem>>, vector<1x16xf32>,
        %get3A_344 = vector.shape_cast %get3A_343 : vector<1x16xf32> to vector<16xf32>
        %mul3A_345 = arith.mulf %mul3A_340, %get3A_344 : vector<16xf32>
        %add3A_346 = arith.addf %mul3A_331, %mul3A_345 : vector<16xf32>
        %get3A_347 = arith.index_cast %add3A_318 : i32 to index
        %get3A_348 = arith.constant 32 : index
        %get3A_349 = tpu.vector_load %arg11[%get3A_347, %get3A_348] {strides = array<i32>} : memref<64x128xf32, #tpu.memory_space<vmem>>, vector<1x16xf32>,
        %get3A_350 = vector.shape_cast %get3A_349 : vector<1x16xf32> to vector<16xf32>
        %get3A_351 = arith.index_cast %add3A_318 : i32 to index
        %get3A_352 = arith.constant 32 : index
        %get3A_353 = tpu.vector_load %arg12[%get3A_351, %get3A_352] {strides = array<i32>} : memref<64x128xf32, #tpu.memory_space<vmem>>, vector<1x16xf32>,
        %get3A_354 = vector.shape_cast %get3A_353 : vector<1x16xf32> to vector<16xf32>
        %mul3A_355 = arith.mulf %get3A_350, %get3A_354 : vector<16xf32>
        %get3A_356 = arith.index_cast %add3A_318 : i32 to index
        %get3A_357 = arith.constant 32 : index
        %get3A_358 = tpu.vector_load %arg13[%get3A_356, %get3A_357] {strides = array<i32>} : memref<64x128xf32, #tpu.memory_space<vmem>>, vector<1x16xf32>,
        %get3A_359 = vector.shape_cast %get3A_358 : vector<1x16xf32> to vector<16xf32>
        %mul3A_360 = arith.mulf %mul3A_355, %get3A_359 : vector<16xf32>
        %add3A_361 = arith.addf %add3A_346, %mul3A_360 : vector<16xf32>
        %get3A_362 = arith.index_cast %add3A_318 : i32 to index
        %get3A_363 = arith.constant 48 : index
        %get3A_364 = tpu.vector_load %arg11[%get3A_362, %get3A_363] {strides = array<i32>} : memref<64x128xf32, #tpu.memory_space<vmem>>, vector<1x16xf32>,
        %get3A_365 = vector.shape_cast %get3A_364 : vector<1x16xf32> to vector<16xf32>
        %get3A_366 = arith.index_cast %add3A_318 : i32 to index
        %get3A_367 = arith.constant 48 : index
        %get3A_368 = tpu.vector_load %arg12[%get3A_366, %get3A_367] {strides = array<i32>} : memref<64x128xf32, #tpu.memory_space<vmem>>, vector<1x16xf32>,
        %get3A_369 = vector.shape_cast %get3A_368 : vector<1x16xf32> to vector<16xf32>
        %mul3A_370 = arith.mulf %get3A_365, %get3A_369 : vector<16xf32>
        %get3A_371 = arith.index_cast %add3A_318 : i32 to index
        %get3A_372 = arith.constant 48 : index
        %get3A_373 = tpu.vector_load %arg13[%get3A_371, %get3A_372] {strides = array<i32>} : memref<64x128xf32, #tpu.memory_space<vmem>>, vector<1x16xf32>,
        %get3A_374 = vector.shape_cast %get3A_373 : vector<1x16xf32> to vector<16xf32>
        %mul3A_375 = arith.mulf %mul3A_370, %get3A_374 : vector<16xf32>
        %add3A_376 = arith.addf %add3A_361, %mul3A_375 : vector<16xf32>
        %get3A_377 = arith.index_cast %add3A_318 : i32 to index
        %get3A_378 = arith.constant 64 : index
        %get3A_379 = tpu.vector_load %arg11[%get3A_377, %get3A_378] {strides = array<i32>} : memref<64x128xf32, #tpu.memory_space<vmem>>, vector<1x16xf32>,
        %get3A_380 = vector.shape_cast %get3A_379 : vector<1x16xf32> to vector<16xf32>
        %get3A_381 = arith.index_cast %add3A_318 : i32 to index
        %get3A_382 = arith.constant 64 : index
        %get3A_383 = tpu.vector_load %arg12[%get3A_381, %get3A_382] {strides = array<i32>} : memref<64x128xf32, #tpu.memory_space<vmem>>, vector<1x16xf32>,
        %get3A_384 = vector.shape_cast %get3A_383 : vector<1x16xf32> to vector<16xf32>
        %mul3A_385 = arith.mulf %get3A_380, %get3A_384 : vector<16xf32>
        %get3A_386 = arith.index_cast %add3A_318 : i32 to index
        %get3A_387 = arith.constant 64 : index
        %get3A_388 = tpu.vector_load %arg13[%get3A_386, %get3A_387] {strides = array<i32>} : memref<64x128xf32, #tpu.memory_space<vmem>>, vector<1x16xf32>,
        %get3A_389 = vector.shape_cast %get3A_388 : vector<1x16xf32> to vector<16xf32>
        %mul3A_390 = arith.mulf %mul3A_385, %get3A_389 : vector<16xf32>
        %add3A_391 = arith.addf %add3A_376, %mul3A_390 : vector<16xf32>
        %get3A_392 = arith.index_cast %add3A_318 : i32 to index
        %get3A_393 = arith.constant 80 : index
        %get3A_394 = tpu.vector_load %arg11[%get3A_392, %get3A_393] {strides = array<i32>} : memref<64x128xf32, #tpu.memory_space<vmem>>, vector<1x16xf32>,
        %get3A_395 = vector.shape_cast %get3A_394 : vector<1x16xf32> to vector<16xf32>
        %get3A_396 = arith.index_cast %add3A_318 : i32 to index
        %get3A_397 = arith.constant 80 : index
        %get3A_398 = tpu.vector_load %arg12[%get3A_396, %get3A_397] {strides = array<i32>} : memref<64x128xf32, #tpu.memory_space<vmem>>, vector<1x16xf32>,
        %get3A_399 = vector.shape_cast %get3A_398 : vector<1x16xf32> to vector<16xf32>
        %mul3A_400 = arith.mulf %get3A_395, %get3A_399 : vector<16xf32>
        %get3A_401 = arith.index_cast %add3A_318 : i32 to index
        %get3A_402 = arith.constant 80 : index
        %get3A_403 = tpu.vector_load %arg13[%get3A_401, %get3A_402] {strides = array<i32>} : memref<64x128xf32, #tpu.memory_space<vmem>>, vector<1x16xf32>,
        %get3A_404 = vector.shape_cast %get3A_403 : vector<1x16xf32> to vector<16xf32>
        %mul3A_405 = arith.mulf %mul3A_400, %get3A_404 : vector<16xf32>
        %add3A_406 = arith.addf %add3A_391, %mul3A_405 : vector<16xf32>
        %get3A_407 = arith.index_cast %add3A_318 : i32 to index
        %get3A_408 = arith.constant 96 : index
        %get3A_409 = tpu.vector_load %arg11[%get3A_407, %get3A_408] {strides = array<i32>} : memref<64x128xf32, #tpu.memory_space<vmem>>, vector<1x16xf32>,
        %get3A_410 = vector.shape_cast %get3A_409 : vector<1x16xf32> to vector<16xf32>
        %get3A_411 = arith.index_cast %add3A_318 : i32 to index
        %get3A_412 = arith.constant 96 : index
        %get3A_413 = tpu.vector_load %arg12[%get3A_411, %get3A_412] {strides = array<i32>} : memref<64x128xf32, #tpu.memory_space<vmem>>, vector<1x16xf32>,
        %get3A_414 = vector.shape_cast %get3A_413 : vector<1x16xf32> to vector<16xf32>
        %mul3A_415 = arith.mulf %get3A_410, %get3A_414 : vector<16xf32>
        %get3A_416 = arith.index_cast %add3A_318 : i32 to index
        %get3A_417 = arith.constant 96 : index
        %get3A_418 = tpu.vector_load %arg13[%get3A_416, %get3A_417] {strides = array<i32>} : memref<64x128xf32, #tpu.memory_space<vmem>>, vector<1x16xf32>,
        %get3A_419 = vector.shape_cast %get3A_418 : vector<1x16xf32> to vector<16xf32>
        %mul3A_420 = arith.mulf %mul3A_415, %get3A_419 : vector<16xf32>
        %add3A_421 = arith.addf %add3A_406, %mul3A_420 : vector<16xf32>
        %get3A_422 = arith.index_cast %add3A_318 : i32 to index
        %get3A_423 = arith.constant 112 : index
        %get3A_424 = tpu.vector_load %arg11[%get3A_422, %get3A_423] {strides = array<i32>} : memref<64x128xf32, #tpu.memory_space<vmem>>, vector<1x16xf32>,
        %get3A_425 = vector.shape_cast %get3A_424 : vector<1x16xf32> to vector<16xf32>
        %get3A_426 = arith.index_cast %add3A_318 : i32 to index
        %get3A_427 = arith.constant 112 : index
        %get3A_428 = tpu.vector_load %arg12[%get3A_426, %get3A_427] {strides = array<i32>} : memref<64x128xf32, #tpu.memory_space<vmem>>, vector<1x16xf32>,
        %get3A_429 = vector.shape_cast %get3A_428 : vector<1x16xf32> to vector<16xf32>
        %mul3A_430 = arith.mulf %get3A_425, %get3A_429 : vector<16xf32>
        %get3A_431 = arith.index_cast %add3A_318 : i32 to index
        %get3A_432 = arith.constant 112 : index
        %get3A_433 = tpu.vector_load %arg13[%get3A_431, %get3A_432] {strides = array<i32>} : memref<64x128xf32, #tpu.memory_space<vmem>>, vector<1x16xf32>,
        %get3A_434 = vector.shape_cast %get3A_433 : vector<1x16xf32> to vector<16xf32>
        %mul3A_435 = arith.mulf %mul3A_430, %get3A_434 : vector<16xf32>
        %add3A_436 = arith.addf %add3A_421, %mul3A_435 : vector<16xf32>
        %lt3A = arith.constant 0 : i32
        %lt3A_437 = vector.broadcast %lt3A : i32 to vector<16xi32>
        %lt3A_438 = arith.cmpi slt, %xor3A_4, %lt3A_437 : vector<16xi32>
        %add3A_439 = arith.constant 16 : i32
        %add3A_440 = vector.broadcast %add3A_439 : i32 to vector<16xi32>
        %add3A_441 = arith.addi %xor3A_4, %add3A_440 : vector<16xi32>
        %select_n3A = arith.select %lt3A_438, %add3A_441, %xor3A_4 : vector<16xi1>, vector<16xi32>
        %broadcast_in_dim3A_442 = vector.shape_cast %select_n3A : vector<16xi32> to vector<16x1xi32>
        %gather3A = vector.shape_cast %broadcast_in_dim3A_442 : vector<16x1xi32> to vector<16xi32>
        %gather3A_443 = tpu.dynamic_gather %add3A_436[%gather3A] in [0] : vector<16xf32>, vector<16xi32> -> vector<16xf32>
        %add3A_444 = arith.addf %add3A_436, %gather3A_443 : vector<16xf32>
        %lt3A_445 = arith.constant 0 : i32
        %lt3A_446 = vector.broadcast %lt3A_445 : i32 to vector<16xi32>
        %lt3A_447 = arith.cmpi slt, %xor3A_7, %lt3A_446 : vector<16xi32>
        %add3A_448 = arith.constant 16 : i32
        %add3A_449 = vector.broadcast %add3A_448 : i32 to vector<16xi32>
        %add3A_450 = arith.addi %xor3A_7, %add3A_449 : vector<16xi32>
        %select_n3A_451 = arith.select %lt3A_447, %add3A_450, %xor3A_7 : vector<16xi1>, vector<16xi32>
        %broadcast_in_dim3A_452 = vector.shape_cast %select_n3A_451 : vector<16xi32> to vector<16x1xi32>
        %gather3A_453 = vector.shape_cast %broadcast_in_dim3A_452 : vector<16x1xi32> to vector<16xi32>
        %gather3A_454 = tpu.dynamic_gather %add3A_444[%gather3A_453] in [0] : vector<16xf32>, vector<16xi32> -> vector<16xf32>
        %add3A_455 = arith.addf %add3A_444, %gather3A_454 : vector<16xf32>
        %lt3A_456 = arith.constant 0 : i32
        %lt3A_457 = vector.broadcast %lt3A_456 : i32 to vector<16xi32>
        %lt3A_458 = arith.cmpi slt, %xor3A_10, %lt3A_457 : vector<16xi32>
        %add3A_459 = arith.constant 16 : i32
        %add3A_460 = vector.broadcast %add3A_459 : i32 to vector<16xi32>
        %add3A_461 = arith.addi %xor3A_10, %add3A_460 : vector<16xi32>
        %select_n3A_462 = arith.select %lt3A_458, %add3A_461, %xor3A_10 : vector<16xi1>, vector<16xi32>
        %broadcast_in_dim3A_463 = vector.shape_cast %select_n3A_462 : vector<16xi32> to vector<16x1xi32>
        %gather3A_464 = vector.shape_cast %broadcast_in_dim3A_463 : vector<16x1xi32> to vector<16xi32>
        %gather3A_465 = tpu.dynamic_gather %add3A_455[%gather3A_464] in [0] : vector<16xf32>, vector<16xi32> -> vector<16xf32>
        %add3A_466 = arith.addf %add3A_455, %gather3A_465 : vector<16xf32>
        %lt3A_467 = arith.constant 0 : i32
        %lt3A_468 = vector.broadcast %lt3A_467 : i32 to vector<16xi32>
        %lt3A_469 = arith.cmpi slt, %xor3A_13, %lt3A_468 : vector<16xi32>
        %add3A_470 = arith.constant 16 : i32
        %add3A_471 = vector.broadcast %add3A_470 : i32 to vector<16xi32>
        %add3A_472 = arith.addi %xor3A_13, %add3A_471 : vector<16xi32>
        %select_n3A_473 = arith.select %lt3A_469, %add3A_472, %xor3A_13 : vector<16xi1>, vector<16xi32>
        %broadcast_in_dim3A_474 = vector.shape_cast %select_n3A_473 : vector<16xi32> to vector<16x1xi32>
        %gather3A_475 = vector.shape_cast %broadcast_in_dim3A_474 : vector<16x1xi32> to vector<16xi32>
        %gather3A_476 = tpu.dynamic_gather %add3A_466[%gather3A_475] in [0] : vector<16xf32>, vector<16xi32> -> vector<16xf32>
        %add3A_477 = arith.addf %add3A_466, %gather3A_476 : vector<16xf32>
        %eq3A = vector.broadcast %scan3A_314 : i32 to vector<16xi32>
        %eq3A_478 = arith.cmpi eq, %iota3A, %eq3A : vector<16xi32>
        %select_n3A_479 = arith.select %eq3A_478, %add3A_477, %scan3A_315 : vector<16xi1>, vector<16xf32>
        scf.yield %select_n3A_479 : vector<16xf32>
      }
      %scan3A_306 = arith.constant 16 : i32
      %mul3A_307 = arith.constant 16 : i32
      %mul3A_308 = arith.muli %scan3A_299, %mul3A_307 : i32
      %add3A_309 = arith.constant 128 : i32
      %add3A_310 = arith.addi %add3A_309, %mul3A_308 : i32
      %swap3A = arith.index_cast %add3A_310 : i32 to index
      %swap3A_311 = tpu.vector_load %arg17[%swap3A] {strides = array<i32>} : memref<512xf32, #tpu.memory_space<vmem>>, vector<16xf32>,
      %swap3A_312 = vector.shape_cast %swap3A_311 : vector<16xf32> to vector<16xf32>
      %swap3A_313 = vector.shape_cast %scan3A_305 : vector<16xf32> to vector<16xf32>
      tpu.vector_store %arg17[%swap3A], %swap3A_313 {strides = array<i32>} : memref<512xf32, #tpu.memory_space<vmem>>, vector<16xf32>,
    }
    %scan3A_133 = arith.constant 4 : i32
    %dma_start3A_134 = arith.constant 256 : i32
    %dma_start3A_135 = tpu.memref_slice %arg8[%dma_start3A_134] : memref<512xi32, #tpu.memory_space<vmem>> -> memref<64xi32, #tpu.memory_space<vmem>>
    %dma_start3A_136 = arith.constant 0 : i32
    %dma_start3A_137 = arith.constant 0 : i32
    %dma_start3A_138 = tpu.memref_slice %arg5[%dma_start3A_136, %dma_start3A_137] : memref<100000x128xf32, #tpu.memory_space<hbm>> -> memref<100000x128xf32, #tpu.memory_space<hbm>>
    tpu.enqueue_indirect_dma source(%dma_start3A_138 : memref<100000x128xf32, #tpu.memory_space<hbm>>) target(%arg11 : memref<64x128xf32, #tpu.memory_space<vmem>>) offsets(%dma_start3A_135 : memref<64xi32, #tpu.memory_space<vmem>>) semaphore(%arg18 : memref<!tpu.dma_semaphore, #tpu.memory_space<semaphore_mem>>)
    %dma_start3A_139 = arith.constant 256 : i32
    %dma_start3A_140 = tpu.memref_slice %arg9[%dma_start3A_139] : memref<512xi32, #tpu.memory_space<vmem>> -> memref<64xi32, #tpu.memory_space<vmem>>
    %dma_start3A_141 = arith.constant 0 : i32
    %dma_start3A_142 = arith.constant 0 : i32
    %dma_start3A_143 = tpu.memref_slice %arg6[%dma_start3A_141, %dma_start3A_142] : memref<1000x128xf32, #tpu.memory_space<hbm>> -> memref<1000x128xf32, #tpu.memory_space<hbm>>
    tpu.enqueue_indirect_dma source(%dma_start3A_143 : memref<1000x128xf32, #tpu.memory_space<hbm>>) target(%arg12 : memref<64x128xf32, #tpu.memory_space<vmem>>) offsets(%dma_start3A_140 : memref<64xi32, #tpu.memory_space<vmem>>) semaphore(%arg18 : memref<!tpu.dma_semaphore, #tpu.memory_space<semaphore_mem>>)
    %dma_start3A_144 = arith.constant 256 : i32
    %dma_start3A_145 = tpu.memref_slice %arg10[%dma_start3A_144] : memref<512xi32, #tpu.memory_space<vmem>> -> memref<64xi32, #tpu.memory_space<vmem>>
    %dma_start3A_146 = arith.constant 0 : i32
    %dma_start3A_147 = arith.constant 0 : i32
    %dma_start3A_148 = tpu.memref_slice %arg5[%dma_start3A_146, %dma_start3A_147] : memref<100000x128xf32, #tpu.memory_space<hbm>> -> memref<100000x128xf32, #tpu.memory_space<hbm>>
    tpu.enqueue_indirect_dma source(%dma_start3A_148 : memref<100000x128xf32, #tpu.memory_space<hbm>>) target(%arg13 : memref<64x128xf32, #tpu.memory_space<vmem>>) offsets(%dma_start3A_145 : memref<64xi32, #tpu.memory_space<vmem>>) semaphore(%arg18 : memref<!tpu.dma_semaphore, #tpu.memory_space<semaphore_mem>>)
    %dma_wait3A_149 = arith.constant 192 : i32
    %dma_wait3A_150 = tpu.memref_slice %arg8[%dma_wait3A_149] : memref<512xi32, #tpu.memory_space<vmem>> -> memref<64xi32, #tpu.memory_space<vmem>>
    %dma_wait3A_151 = arith.constant 0 : i32
    %dma_wait3A_152 = arith.constant 0 : i32
    %dma_wait3A_153 = tpu.memref_slice %arg5[%dma_wait3A_151, %dma_wait3A_152] : memref<100000x128xf32, #tpu.memory_space<hbm>> -> memref<100000x128xf32, #tpu.memory_space<hbm>>
    tpu.wait_indirect_dma semaphore(%arg19 : memref<!tpu.dma_semaphore, #tpu.memory_space<semaphore_mem>>) src(%dma_wait3A_153 : memref<100000x128xf32, #tpu.memory_space<hbm>>) dst(%arg14 : memref<64x128xf32, #tpu.memory_space<vmem>>)
    %dma_wait3A_154 = arith.constant 192 : i32
    %dma_wait3A_155 = tpu.memref_slice %arg9[%dma_wait3A_154] : memref<512xi32, #tpu.memory_space<vmem>> -> memref<64xi32, #tpu.memory_space<vmem>>
    %dma_wait3A_156 = arith.constant 0 : i32
    %dma_wait3A_157 = arith.constant 0 : i32
    %dma_wait3A_158 = tpu.memref_slice %arg6[%dma_wait3A_156, %dma_wait3A_157] : memref<1000x128xf32, #tpu.memory_space<hbm>> -> memref<1000x128xf32, #tpu.memory_space<hbm>>
    tpu.wait_indirect_dma semaphore(%arg19 : memref<!tpu.dma_semaphore, #tpu.memory_space<semaphore_mem>>) src(%dma_wait3A_158 : memref<1000x128xf32, #tpu.memory_space<hbm>>) dst(%arg15 : memref<64x128xf32, #tpu.memory_space<vmem>>)
    %dma_wait3A_159 = arith.constant 192 : i32
    %dma_wait3A_160 = tpu.memref_slice %arg10[%dma_wait3A_159] : memref<512xi32, #tpu.memory_space<vmem>> -> memref<64xi32, #tpu.memory_space<vmem>>
    %dma_wait3A_161 = arith.constant 0 : i32
    %dma_wait3A_162 = arith.constant 0 : i32
    %dma_wait3A_163 = tpu.memref_slice %arg5[%dma_wait3A_161, %dma_wait3A_162] : memref<100000x128xf32, #tpu.memory_space<hbm>> -> memref<100000x128xf32, #tpu.memory_space<hbm>>
    tpu.wait_indirect_dma semaphore(%arg19 : memref<!tpu.dma_semaphore, #tpu.memory_space<semaphore_mem>>) src(%dma_wait3A_163 : memref<100000x128xf32, #tpu.memory_space<hbm>>) dst(%arg16 : memref<64x128xf32, #tpu.memory_space<vmem>>)
    %scan3A_164 = arith.constant 0 : i32
    %scan3A_165 = arith.constant 0 : i32
    %scan3A_166 = arith.constant 4 : i32
    %scan3A_167 = arith.addi %scan3A_165, %scan3A_166 : i32
    %scan3A_168 = arith.constant 1 : i32
    scf.for %scan3A_299 = %scan3A_165 to %scan3A_167 step %scan3A_168  : i32 {
      %broadcast_in_dim3A = arith.constant 0.000000e+00 : f32
      %broadcast_in_dim3A_300 = vector.broadcast %broadcast_in_dim3A : f32 to vector<16xf32>
      %scan3A_301 = arith.constant 0 : i32
      %scan3A_302 = arith.constant 16 : i32
      %scan3A_303 = arith.addi %scan3A_301, %scan3A_302 : i32
      %scan3A_304 = arith.constant 1 : i32
      %scan3A_305 = scf.for %scan3A_314 = %scan3A_301 to %scan3A_303 step %scan3A_304 iter_args(%scan3A_315 = %broadcast_in_dim3A_300) -> (vector<16xf32>)  : i32 {
        %mul3A_316 = arith.constant 16 : i32
        %mul3A_317 = arith.muli %scan3A_299, %mul3A_316 : i32
        %add3A_318 = arith.addi %mul3A_317, %scan3A_314 : i32
        %get3A = arith.index_cast %add3A_318 : i32 to index
        %get3A_319 = arith.constant 0 : index
        %get3A_320 = tpu.vector_load %arg14[%get3A, %get3A_319] {strides = array<i32>} : memref<64x128xf32, #tpu.memory_space<vmem>>, vector<1x16xf32>,
        %get3A_321 = vector.shape_cast %get3A_320 : vector<1x16xf32> to vector<16xf32>
        %get3A_322 = arith.index_cast %add3A_318 : i32 to index
        %get3A_323 = arith.constant 0 : index
        %get3A_324 = tpu.vector_load %arg15[%get3A_322, %get3A_323] {strides = array<i32>} : memref<64x128xf32, #tpu.memory_space<vmem>>, vector<1x16xf32>,
        %get3A_325 = vector.shape_cast %get3A_324 : vector<1x16xf32> to vector<16xf32>
        %mul3A_326 = arith.mulf %get3A_321, %get3A_325 : vector<16xf32>
        %get3A_327 = arith.index_cast %add3A_318 : i32 to index
        %get3A_328 = arith.constant 0 : index
        %get3A_329 = tpu.vector_load %arg16[%get3A_327, %get3A_328] {strides = array<i32>} : memref<64x128xf32, #tpu.memory_space<vmem>>, vector<1x16xf32>,
        %get3A_330 = vector.shape_cast %get3A_329 : vector<1x16xf32> to vector<16xf32>
        %mul3A_331 = arith.mulf %mul3A_326, %get3A_330 : vector<16xf32>
        %get3A_332 = arith.index_cast %add3A_318 : i32 to index
        %get3A_333 = arith.constant 16 : index
        %get3A_334 = tpu.vector_load %arg14[%get3A_332, %get3A_333] {strides = array<i32>} : memref<64x128xf32, #tpu.memory_space<vmem>>, vector<1x16xf32>,
        %get3A_335 = vector.shape_cast %get3A_334 : vector<1x16xf32> to vector<16xf32>
        %get3A_336 = arith.index_cast %add3A_318 : i32 to index
        %get3A_337 = arith.constant 16 : index
        %get3A_338 = tpu.vector_load %arg15[%get3A_336, %get3A_337] {strides = array<i32>} : memref<64x128xf32, #tpu.memory_space<vmem>>, vector<1x16xf32>,
        %get3A_339 = vector.shape_cast %get3A_338 : vector<1x16xf32> to vector<16xf32>
        %mul3A_340 = arith.mulf %get3A_335, %get3A_339 : vector<16xf32>
        %get3A_341 = arith.index_cast %add3A_318 : i32 to index
        %get3A_342 = arith.constant 16 : index
        %get3A_343 = tpu.vector_load %arg16[%get3A_341, %get3A_342] {strides = array<i32>} : memref<64x128xf32, #tpu.memory_space<vmem>>, vector<1x16xf32>,
        %get3A_344 = vector.shape_cast %get3A_343 : vector<1x16xf32> to vector<16xf32>
        %mul3A_345 = arith.mulf %mul3A_340, %get3A_344 : vector<16xf32>
        %add3A_346 = arith.addf %mul3A_331, %mul3A_345 : vector<16xf32>
        %get3A_347 = arith.index_cast %add3A_318 : i32 to index
        %get3A_348 = arith.constant 32 : index
        %get3A_349 = tpu.vector_load %arg14[%get3A_347, %get3A_348] {strides = array<i32>} : memref<64x128xf32, #tpu.memory_space<vmem>>, vector<1x16xf32>,
        %get3A_350 = vector.shape_cast %get3A_349 : vector<1x16xf32> to vector<16xf32>
        %get3A_351 = arith.index_cast %add3A_318 : i32 to index
        %get3A_352 = arith.constant 32 : index
        %get3A_353 = tpu.vector_load %arg15[%get3A_351, %get3A_352] {strides = array<i32>} : memref<64x128xf32, #tpu.memory_space<vmem>>, vector<1x16xf32>,
        %get3A_354 = vector.shape_cast %get3A_353 : vector<1x16xf32> to vector<16xf32>
        %mul3A_355 = arith.mulf %get3A_350, %get3A_354 : vector<16xf32>
        %get3A_356 = arith.index_cast %add3A_318 : i32 to index
        %get3A_357 = arith.constant 32 : index
        %get3A_358 = tpu.vector_load %arg16[%get3A_356, %get3A_357] {strides = array<i32>} : memref<64x128xf32, #tpu.memory_space<vmem>>, vector<1x16xf32>,
        %get3A_359 = vector.shape_cast %get3A_358 : vector<1x16xf32> to vector<16xf32>
        %mul3A_360 = arith.mulf %mul3A_355, %get3A_359 : vector<16xf32>
        %add3A_361 = arith.addf %add3A_346, %mul3A_360 : vector<16xf32>
        %get3A_362 = arith.index_cast %add3A_318 : i32 to index
        %get3A_363 = arith.constant 48 : index
        %get3A_364 = tpu.vector_load %arg14[%get3A_362, %get3A_363] {strides = array<i32>} : memref<64x128xf32, #tpu.memory_space<vmem>>, vector<1x16xf32>,
        %get3A_365 = vector.shape_cast %get3A_364 : vector<1x16xf32> to vector<16xf32>
        %get3A_366 = arith.index_cast %add3A_318 : i32 to index
        %get3A_367 = arith.constant 48 : index
        %get3A_368 = tpu.vector_load %arg15[%get3A_366, %get3A_367] {strides = array<i32>} : memref<64x128xf32, #tpu.memory_space<vmem>>, vector<1x16xf32>,
        %get3A_369 = vector.shape_cast %get3A_368 : vector<1x16xf32> to vector<16xf32>
        %mul3A_370 = arith.mulf %get3A_365, %get3A_369 : vector<16xf32>
        %get3A_371 = arith.index_cast %add3A_318 : i32 to index
        %get3A_372 = arith.constant 48 : index
        %get3A_373 = tpu.vector_load %arg16[%get3A_371, %get3A_372] {strides = array<i32>} : memref<64x128xf32, #tpu.memory_space<vmem>>, vector<1x16xf32>,
        %get3A_374 = vector.shape_cast %get3A_373 : vector<1x16xf32> to vector<16xf32>
        %mul3A_375 = arith.mulf %mul3A_370, %get3A_374 : vector<16xf32>
        %add3A_376 = arith.addf %add3A_361, %mul3A_375 : vector<16xf32>
        %get3A_377 = arith.index_cast %add3A_318 : i32 to index
        %get3A_378 = arith.constant 64 : index
        %get3A_379 = tpu.vector_load %arg14[%get3A_377, %get3A_378] {strides = array<i32>} : memref<64x128xf32, #tpu.memory_space<vmem>>, vector<1x16xf32>,
        %get3A_380 = vector.shape_cast %get3A_379 : vector<1x16xf32> to vector<16xf32>
        %get3A_381 = arith.index_cast %add3A_318 : i32 to index
        %get3A_382 = arith.constant 64 : index
        %get3A_383 = tpu.vector_load %arg15[%get3A_381, %get3A_382] {strides = array<i32>} : memref<64x128xf32, #tpu.memory_space<vmem>>, vector<1x16xf32>,
        %get3A_384 = vector.shape_cast %get3A_383 : vector<1x16xf32> to vector<16xf32>
        %mul3A_385 = arith.mulf %get3A_380, %get3A_384 : vector<16xf32>
        %get3A_386 = arith.index_cast %add3A_318 : i32 to index
        %get3A_387 = arith.constant 64 : index
        %get3A_388 = tpu.vector_load %arg16[%get3A_386, %get3A_387] {strides = array<i32>} : memref<64x128xf32, #tpu.memory_space<vmem>>, vector<1x16xf32>,
        %get3A_389 = vector.shape_cast %get3A_388 : vector<1x16xf32> to vector<16xf32>
        %mul3A_390 = arith.mulf %mul3A_385, %get3A_389 : vector<16xf32>
        %add3A_391 = arith.addf %add3A_376, %mul3A_390 : vector<16xf32>
        %get3A_392 = arith.index_cast %add3A_318 : i32 to index
        %get3A_393 = arith.constant 80 : index
        %get3A_394 = tpu.vector_load %arg14[%get3A_392, %get3A_393] {strides = array<i32>} : memref<64x128xf32, #tpu.memory_space<vmem>>, vector<1x16xf32>,
        %get3A_395 = vector.shape_cast %get3A_394 : vector<1x16xf32> to vector<16xf32>
        %get3A_396 = arith.index_cast %add3A_318 : i32 to index
        %get3A_397 = arith.constant 80 : index
        %get3A_398 = tpu.vector_load %arg15[%get3A_396, %get3A_397] {strides = array<i32>} : memref<64x128xf32, #tpu.memory_space<vmem>>, vector<1x16xf32>,
        %get3A_399 = vector.shape_cast %get3A_398 : vector<1x16xf32> to vector<16xf32>
        %mul3A_400 = arith.mulf %get3A_395, %get3A_399 : vector<16xf32>
        %get3A_401 = arith.index_cast %add3A_318 : i32 to index
        %get3A_402 = arith.constant 80 : index
        %get3A_403 = tpu.vector_load %arg16[%get3A_401, %get3A_402] {strides = array<i32>} : memref<64x128xf32, #tpu.memory_space<vmem>>, vector<1x16xf32>,
        %get3A_404 = vector.shape_cast %get3A_403 : vector<1x16xf32> to vector<16xf32>
        %mul3A_405 = arith.mulf %mul3A_400, %get3A_404 : vector<16xf32>
        %add3A_406 = arith.addf %add3A_391, %mul3A_405 : vector<16xf32>
        %get3A_407 = arith.index_cast %add3A_318 : i32 to index
        %get3A_408 = arith.constant 96 : index
        %get3A_409 = tpu.vector_load %arg14[%get3A_407, %get3A_408] {strides = array<i32>} : memref<64x128xf32, #tpu.memory_space<vmem>>, vector<1x16xf32>,
        %get3A_410 = vector.shape_cast %get3A_409 : vector<1x16xf32> to vector<16xf32>
        %get3A_411 = arith.index_cast %add3A_318 : i32 to index
        %get3A_412 = arith.constant 96 : index
        %get3A_413 = tpu.vector_load %arg15[%get3A_411, %get3A_412] {strides = array<i32>} : memref<64x128xf32, #tpu.memory_space<vmem>>, vector<1x16xf32>,
        %get3A_414 = vector.shape_cast %get3A_413 : vector<1x16xf32> to vector<16xf32>
        %mul3A_415 = arith.mulf %get3A_410, %get3A_414 : vector<16xf32>
        %get3A_416 = arith.index_cast %add3A_318 : i32 to index
        %get3A_417 = arith.constant 96 : index
        %get3A_418 = tpu.vector_load %arg16[%get3A_416, %get3A_417] {strides = array<i32>} : memref<64x128xf32, #tpu.memory_space<vmem>>, vector<1x16xf32>,
        %get3A_419 = vector.shape_cast %get3A_418 : vector<1x16xf32> to vector<16xf32>
        %mul3A_420 = arith.mulf %mul3A_415, %get3A_419 : vector<16xf32>
        %add3A_421 = arith.addf %add3A_406, %mul3A_420 : vector<16xf32>
        %get3A_422 = arith.index_cast %add3A_318 : i32 to index
        %get3A_423 = arith.constant 112 : index
        %get3A_424 = tpu.vector_load %arg14[%get3A_422, %get3A_423] {strides = array<i32>} : memref<64x128xf32, #tpu.memory_space<vmem>>, vector<1x16xf32>,
        %get3A_425 = vector.shape_cast %get3A_424 : vector<1x16xf32> to vector<16xf32>
        %get3A_426 = arith.index_cast %add3A_318 : i32 to index
        %get3A_427 = arith.constant 112 : index
        %get3A_428 = tpu.vector_load %arg15[%get3A_426, %get3A_427] {strides = array<i32>} : memref<64x128xf32, #tpu.memory_space<vmem>>, vector<1x16xf32>,
        %get3A_429 = vector.shape_cast %get3A_428 : vector<1x16xf32> to vector<16xf32>
        %mul3A_430 = arith.mulf %get3A_425, %get3A_429 : vector<16xf32>
        %get3A_431 = arith.index_cast %add3A_318 : i32 to index
        %get3A_432 = arith.constant 112 : index
        %get3A_433 = tpu.vector_load %arg16[%get3A_431, %get3A_432] {strides = array<i32>} : memref<64x128xf32, #tpu.memory_space<vmem>>, vector<1x16xf32>,
        %get3A_434 = vector.shape_cast %get3A_433 : vector<1x16xf32> to vector<16xf32>
        %mul3A_435 = arith.mulf %mul3A_430, %get3A_434 : vector<16xf32>
        %add3A_436 = arith.addf %add3A_421, %mul3A_435 : vector<16xf32>
        %lt3A = arith.constant 0 : i32
        %lt3A_437 = vector.broadcast %lt3A : i32 to vector<16xi32>
        %lt3A_438 = arith.cmpi slt, %xor3A_4, %lt3A_437 : vector<16xi32>
        %add3A_439 = arith.constant 16 : i32
        %add3A_440 = vector.broadcast %add3A_439 : i32 to vector<16xi32>
        %add3A_441 = arith.addi %xor3A_4, %add3A_440 : vector<16xi32>
        %select_n3A = arith.select %lt3A_438, %add3A_441, %xor3A_4 : vector<16xi1>, vector<16xi32>
        %broadcast_in_dim3A_442 = vector.shape_cast %select_n3A : vector<16xi32> to vector<16x1xi32>
        %gather3A = vector.shape_cast %broadcast_in_dim3A_442 : vector<16x1xi32> to vector<16xi32>
        %gather3A_443 = tpu.dynamic_gather %add3A_436[%gather3A] in [0] : vector<16xf32>, vector<16xi32> -> vector<16xf32>
        %add3A_444 = arith.addf %add3A_436, %gather3A_443 : vector<16xf32>
        %lt3A_445 = arith.constant 0 : i32
        %lt3A_446 = vector.broadcast %lt3A_445 : i32 to vector<16xi32>
        %lt3A_447 = arith.cmpi slt, %xor3A_7, %lt3A_446 : vector<16xi32>
        %add3A_448 = arith.constant 16 : i32
        %add3A_449 = vector.broadcast %add3A_448 : i32 to vector<16xi32>
        %add3A_450 = arith.addi %xor3A_7, %add3A_449 : vector<16xi32>
        %select_n3A_451 = arith.select %lt3A_447, %add3A_450, %xor3A_7 : vector<16xi1>, vector<16xi32>
        %broadcast_in_dim3A_452 = vector.shape_cast %select_n3A_451 : vector<16xi32> to vector<16x1xi32>
        %gather3A_453 = vector.shape_cast %broadcast_in_dim3A_452 : vector<16x1xi32> to vector<16xi32>
        %gather3A_454 = tpu.dynamic_gather %add3A_444[%gather3A_453] in [0] : vector<16xf32>, vector<16xi32> -> vector<16xf32>
        %add3A_455 = arith.addf %add3A_444, %gather3A_454 : vector<16xf32>
        %lt3A_456 = arith.constant 0 : i32
        %lt3A_457 = vector.broadcast %lt3A_456 : i32 to vector<16xi32>
        %lt3A_458 = arith.cmpi slt, %xor3A_10, %lt3A_457 : vector<16xi32>
        %add3A_459 = arith.constant 16 : i32
        %add3A_460 = vector.broadcast %add3A_459 : i32 to vector<16xi32>
        %add3A_461 = arith.addi %xor3A_10, %add3A_460 : vector<16xi32>
        %select_n3A_462 = arith.select %lt3A_458, %add3A_461, %xor3A_10 : vector<16xi1>, vector<16xi32>
        %broadcast_in_dim3A_463 = vector.shape_cast %select_n3A_462 : vector<16xi32> to vector<16x1xi32>
        %gather3A_464 = vector.shape_cast %broadcast_in_dim3A_463 : vector<16x1xi32> to vector<16xi32>
        %gather3A_465 = tpu.dynamic_gather %add3A_455[%gather3A_464] in [0] : vector<16xf32>, vector<16xi32> -> vector<16xf32>
        %add3A_466 = arith.addf %add3A_455, %gather3A_465 : vector<16xf32>
        %lt3A_467 = arith.constant 0 : i32
        %lt3A_468 = vector.broadcast %lt3A_467 : i32 to vector<16xi32>
        %lt3A_469 = arith.cmpi slt, %xor3A_13, %lt3A_468 : vector<16xi32>
        %add3A_470 = arith.constant 16 : i32
        %add3A_471 = vector.broadcast %add3A_470 : i32 to vector<16xi32>
        %add3A_472 = arith.addi %xor3A_13, %add3A_471 : vector<16xi32>
        %select_n3A_473 = arith.select %lt3A_469, %add3A_472, %xor3A_13 : vector<16xi1>, vector<16xi32>
        %broadcast_in_dim3A_474 = vector.shape_cast %select_n3A_473 : vector<16xi32> to vector<16x1xi32>
        %gather3A_475 = vector.shape_cast %broadcast_in_dim3A_474 : vector<16x1xi32> to vector<16xi32>
        %gather3A_476 = tpu.dynamic_gather %add3A_466[%gather3A_475] in [0] : vector<16xf32>, vector<16xi32> -> vector<16xf32>
        %add3A_477 = arith.addf %add3A_466, %gather3A_476 : vector<16xf32>
        %eq3A = vector.broadcast %scan3A_314 : i32 to vector<16xi32>
        %eq3A_478 = arith.cmpi eq, %iota3A, %eq3A : vector<16xi32>
        %select_n3A_479 = arith.select %eq3A_478, %add3A_477, %scan3A_315 : vector<16xi1>, vector<16xf32>
        scf.yield %select_n3A_479 : vector<16xf32>
      }
      %scan3A_306 = arith.constant 16 : i32
      %mul3A_307 = arith.constant 16 : i32
      %mul3A_308 = arith.muli %scan3A_299, %mul3A_307 : i32
      %add3A_309 = arith.constant 192 : i32
      %add3A_310 = arith.addi %add3A_309, %mul3A_308 : i32
      %swap3A = arith.index_cast %add3A_310 : i32 to index
      %swap3A_311 = tpu.vector_load %arg17[%swap3A] {strides = array<i32>} : memref<512xf32, #tpu.memory_space<vmem>>, vector<16xf32>,
      %swap3A_312 = vector.shape_cast %swap3A_311 : vector<16xf32> to vector<16xf32>
      %swap3A_313 = vector.shape_cast %scan3A_305 : vector<16xf32> to vector<16xf32>
      tpu.vector_store %arg17[%swap3A], %swap3A_313 {strides = array<i32>} : memref<512xf32, #tpu.memory_space<vmem>>, vector<16xf32>,
    }
    %scan3A_169 = arith.constant 4 : i32
    %dma_start3A_170 = arith.constant 320 : i32
    %dma_start3A_171 = tpu.memref_slice %arg8[%dma_start3A_170] : memref<512xi32, #tpu.memory_space<vmem>> -> memref<64xi32, #tpu.memory_space<vmem>>
    %dma_start3A_172 = arith.constant 0 : i32
    %dma_start3A_173 = arith.constant 0 : i32
    %dma_start3A_174 = tpu.memref_slice %arg5[%dma_start3A_172, %dma_start3A_173] : memref<100000x128xf32, #tpu.memory_space<hbm>> -> memref<100000x128xf32, #tpu.memory_space<hbm>>
    tpu.enqueue_indirect_dma source(%dma_start3A_174 : memref<100000x128xf32, #tpu.memory_space<hbm>>) target(%arg14 : memref<64x128xf32, #tpu.memory_space<vmem>>) offsets(%dma_start3A_171 : memref<64xi32, #tpu.memory_space<vmem>>) semaphore(%arg19 : memref<!tpu.dma_semaphore, #tpu.memory_space<semaphore_mem>>)
    %dma_start3A_175 = arith.constant 320 : i32
    %dma_start3A_176 = tpu.memref_slice %arg9[%dma_start3A_175] : memref<512xi32, #tpu.memory_space<vmem>> -> memref<64xi32, #tpu.memory_space<vmem>>
    %dma_start3A_177 = arith.constant 0 : i32
    %dma_start3A_178 = arith.constant 0 : i32
    %dma_start3A_179 = tpu.memref_slice %arg6[%dma_start3A_177, %dma_start3A_178] : memref<1000x128xf32, #tpu.memory_space<hbm>> -> memref<1000x128xf32, #tpu.memory_space<hbm>>
    tpu.enqueue_indirect_dma source(%dma_start3A_179 : memref<1000x128xf32, #tpu.memory_space<hbm>>) target(%arg15 : memref<64x128xf32, #tpu.memory_space<vmem>>) offsets(%dma_start3A_176 : memref<64xi32, #tpu.memory_space<vmem>>) semaphore(%arg19 : memref<!tpu.dma_semaphore, #tpu.memory_space<semaphore_mem>>)
    %dma_start3A_180 = arith.constant 320 : i32
    %dma_start3A_181 = tpu.memref_slice %arg10[%dma_start3A_180] : memref<512xi32, #tpu.memory_space<vmem>> -> memref<64xi32, #tpu.memory_space<vmem>>
    %dma_start3A_182 = arith.constant 0 : i32
    %dma_start3A_183 = arith.constant 0 : i32
    %dma_start3A_184 = tpu.memref_slice %arg5[%dma_start3A_182, %dma_start3A_183] : memref<100000x128xf32, #tpu.memory_space<hbm>> -> memref<100000x128xf32, #tpu.memory_space<hbm>>
    tpu.enqueue_indirect_dma source(%dma_start3A_184 : memref<100000x128xf32, #tpu.memory_space<hbm>>) target(%arg16 : memref<64x128xf32, #tpu.memory_space<vmem>>) offsets(%dma_start3A_181 : memref<64xi32, #tpu.memory_space<vmem>>) semaphore(%arg19 : memref<!tpu.dma_semaphore, #tpu.memory_space<semaphore_mem>>)
    %dma_wait3A_185 = arith.constant 256 : i32
    %dma_wait3A_186 = tpu.memref_slice %arg8[%dma_wait3A_185] : memref<512xi32, #tpu.memory_space<vmem>> -> memref<64xi32, #tpu.memory_space<vmem>>
    %dma_wait3A_187 = arith.constant 0 : i32
    %dma_wait3A_188 = arith.constant 0 : i32
    %dma_wait3A_189 = tpu.memref_slice %arg5[%dma_wait3A_187, %dma_wait3A_188] : memref<100000x128xf32, #tpu.memory_space<hbm>> -> memref<100000x128xf32, #tpu.memory_space<hbm>>
    tpu.wait_indirect_dma semaphore(%arg18 : memref<!tpu.dma_semaphore, #tpu.memory_space<semaphore_mem>>) src(%dma_wait3A_189 : memref<100000x128xf32, #tpu.memory_space<hbm>>) dst(%arg11 : memref<64x128xf32, #tpu.memory_space<vmem>>)
    %dma_wait3A_190 = arith.constant 256 : i32
    %dma_wait3A_191 = tpu.memref_slice %arg9[%dma_wait3A_190] : memref<512xi32, #tpu.memory_space<vmem>> -> memref<64xi32, #tpu.memory_space<vmem>>
    %dma_wait3A_192 = arith.constant 0 : i32
    %dma_wait3A_193 = arith.constant 0 : i32
    %dma_wait3A_194 = tpu.memref_slice %arg6[%dma_wait3A_192, %dma_wait3A_193] : memref<1000x128xf32, #tpu.memory_space<hbm>> -> memref<1000x128xf32, #tpu.memory_space<hbm>>
    tpu.wait_indirect_dma semaphore(%arg18 : memref<!tpu.dma_semaphore, #tpu.memory_space<semaphore_mem>>) src(%dma_wait3A_194 : memref<1000x128xf32, #tpu.memory_space<hbm>>) dst(%arg12 : memref<64x128xf32, #tpu.memory_space<vmem>>)
    %dma_wait3A_195 = arith.constant 256 : i32
    %dma_wait3A_196 = tpu.memref_slice %arg10[%dma_wait3A_195] : memref<512xi32, #tpu.memory_space<vmem>> -> memref<64xi32, #tpu.memory_space<vmem>>
    %dma_wait3A_197 = arith.constant 0 : i32
    %dma_wait3A_198 = arith.constant 0 : i32
    %dma_wait3A_199 = tpu.memref_slice %arg5[%dma_wait3A_197, %dma_wait3A_198] : memref<100000x128xf32, #tpu.memory_space<hbm>> -> memref<100000x128xf32, #tpu.memory_space<hbm>>
    tpu.wait_indirect_dma semaphore(%arg18 : memref<!tpu.dma_semaphore, #tpu.memory_space<semaphore_mem>>) src(%dma_wait3A_199 : memref<100000x128xf32, #tpu.memory_space<hbm>>) dst(%arg13 : memref<64x128xf32, #tpu.memory_space<vmem>>)
    %scan3A_200 = arith.constant 0 : i32
    %scan3A_201 = arith.constant 0 : i32
    %scan3A_202 = arith.constant 4 : i32
    %scan3A_203 = arith.addi %scan3A_201, %scan3A_202 : i32
    %scan3A_204 = arith.constant 1 : i32
    scf.for %scan3A_299 = %scan3A_201 to %scan3A_203 step %scan3A_204  : i32 {
      %broadcast_in_dim3A = arith.constant 0.000000e+00 : f32
      %broadcast_in_dim3A_300 = vector.broadcast %broadcast_in_dim3A : f32 to vector<16xf32>
      %scan3A_301 = arith.constant 0 : i32
      %scan3A_302 = arith.constant 16 : i32
      %scan3A_303 = arith.addi %scan3A_301, %scan3A_302 : i32
      %scan3A_304 = arith.constant 1 : i32
      %scan3A_305 = scf.for %scan3A_314 = %scan3A_301 to %scan3A_303 step %scan3A_304 iter_args(%scan3A_315 = %broadcast_in_dim3A_300) -> (vector<16xf32>)  : i32 {
        %mul3A_316 = arith.constant 16 : i32
        %mul3A_317 = arith.muli %scan3A_299, %mul3A_316 : i32
        %add3A_318 = arith.addi %mul3A_317, %scan3A_314 : i32
        %get3A = arith.index_cast %add3A_318 : i32 to index
        %get3A_319 = arith.constant 0 : index
        %get3A_320 = tpu.vector_load %arg11[%get3A, %get3A_319] {strides = array<i32>} : memref<64x128xf32, #tpu.memory_space<vmem>>, vector<1x16xf32>,
        %get3A_321 = vector.shape_cast %get3A_320 : vector<1x16xf32> to vector<16xf32>
        %get3A_322 = arith.index_cast %add3A_318 : i32 to index
        %get3A_323 = arith.constant 0 : index
        %get3A_324 = tpu.vector_load %arg12[%get3A_322, %get3A_323] {strides = array<i32>} : memref<64x128xf32, #tpu.memory_space<vmem>>, vector<1x16xf32>,
        %get3A_325 = vector.shape_cast %get3A_324 : vector<1x16xf32> to vector<16xf32>
        %mul3A_326 = arith.mulf %get3A_321, %get3A_325 : vector<16xf32>
        %get3A_327 = arith.index_cast %add3A_318 : i32 to index
        %get3A_328 = arith.constant 0 : index
        %get3A_329 = tpu.vector_load %arg13[%get3A_327, %get3A_328] {strides = array<i32>} : memref<64x128xf32, #tpu.memory_space<vmem>>, vector<1x16xf32>,
        %get3A_330 = vector.shape_cast %get3A_329 : vector<1x16xf32> to vector<16xf32>
        %mul3A_331 = arith.mulf %mul3A_326, %get3A_330 : vector<16xf32>
        %get3A_332 = arith.index_cast %add3A_318 : i32 to index
        %get3A_333 = arith.constant 16 : index
        %get3A_334 = tpu.vector_load %arg11[%get3A_332, %get3A_333] {strides = array<i32>} : memref<64x128xf32, #tpu.memory_space<vmem>>, vector<1x16xf32>,
        %get3A_335 = vector.shape_cast %get3A_334 : vector<1x16xf32> to vector<16xf32>
        %get3A_336 = arith.index_cast %add3A_318 : i32 to index
        %get3A_337 = arith.constant 16 : index
        %get3A_338 = tpu.vector_load %arg12[%get3A_336, %get3A_337] {strides = array<i32>} : memref<64x128xf32, #tpu.memory_space<vmem>>, vector<1x16xf32>,
        %get3A_339 = vector.shape_cast %get3A_338 : vector<1x16xf32> to vector<16xf32>
        %mul3A_340 = arith.mulf %get3A_335, %get3A_339 : vector<16xf32>
        %get3A_341 = arith.index_cast %add3A_318 : i32 to index
        %get3A_342 = arith.constant 16 : index
        %get3A_343 = tpu.vector_load %arg13[%get3A_341, %get3A_342] {strides = array<i32>} : memref<64x128xf32, #tpu.memory_space<vmem>>, vector<1x16xf32>,
        %get3A_344 = vector.shape_cast %get3A_343 : vector<1x16xf32> to vector<16xf32>
        %mul3A_345 = arith.mulf %mul3A_340, %get3A_344 : vector<16xf32>
        %add3A_346 = arith.addf %mul3A_331, %mul3A_345 : vector<16xf32>
        %get3A_347 = arith.index_cast %add3A_318 : i32 to index
        %get3A_348 = arith.constant 32 : index
        %get3A_349 = tpu.vector_load %arg11[%get3A_347, %get3A_348] {strides = array<i32>} : memref<64x128xf32, #tpu.memory_space<vmem>>, vector<1x16xf32>,
        %get3A_350 = vector.shape_cast %get3A_349 : vector<1x16xf32> to vector<16xf32>
        %get3A_351 = arith.index_cast %add3A_318 : i32 to index
        %get3A_352 = arith.constant 32 : index
        %get3A_353 = tpu.vector_load %arg12[%get3A_351, %get3A_352] {strides = array<i32>} : memref<64x128xf32, #tpu.memory_space<vmem>>, vector<1x16xf32>,
        %get3A_354 = vector.shape_cast %get3A_353 : vector<1x16xf32> to vector<16xf32>
        %mul3A_355 = arith.mulf %get3A_350, %get3A_354 : vector<16xf32>
        %get3A_356 = arith.index_cast %add3A_318 : i32 to index
        %get3A_357 = arith.constant 32 : index
        %get3A_358 = tpu.vector_load %arg13[%get3A_356, %get3A_357] {strides = array<i32>} : memref<64x128xf32, #tpu.memory_space<vmem>>, vector<1x16xf32>,
        %get3A_359 = vector.shape_cast %get3A_358 : vector<1x16xf32> to vector<16xf32>
        %mul3A_360 = arith.mulf %mul3A_355, %get3A_359 : vector<16xf32>
        %add3A_361 = arith.addf %add3A_346, %mul3A_360 : vector<16xf32>
        %get3A_362 = arith.index_cast %add3A_318 : i32 to index
        %get3A_363 = arith.constant 48 : index
        %get3A_364 = tpu.vector_load %arg11[%get3A_362, %get3A_363] {strides = array<i32>} : memref<64x128xf32, #tpu.memory_space<vmem>>, vector<1x16xf32>,
        %get3A_365 = vector.shape_cast %get3A_364 : vector<1x16xf32> to vector<16xf32>
        %get3A_366 = arith.index_cast %add3A_318 : i32 to index
        %get3A_367 = arith.constant 48 : index
        %get3A_368 = tpu.vector_load %arg12[%get3A_366, %get3A_367] {strides = array<i32>} : memref<64x128xf32, #tpu.memory_space<vmem>>, vector<1x16xf32>,
        %get3A_369 = vector.shape_cast %get3A_368 : vector<1x16xf32> to vector<16xf32>
        %mul3A_370 = arith.mulf %get3A_365, %get3A_369 : vector<16xf32>
        %get3A_371 = arith.index_cast %add3A_318 : i32 to index
        %get3A_372 = arith.constant 48 : index
        %get3A_373 = tpu.vector_load %arg13[%get3A_371, %get3A_372] {strides = array<i32>} : memref<64x128xf32, #tpu.memory_space<vmem>>, vector<1x16xf32>,
        %get3A_374 = vector.shape_cast %get3A_373 : vector<1x16xf32> to vector<16xf32>
        %mul3A_375 = arith.mulf %mul3A_370, %get3A_374 : vector<16xf32>
        %add3A_376 = arith.addf %add3A_361, %mul3A_375 : vector<16xf32>
        %get3A_377 = arith.index_cast %add3A_318 : i32 to index
        %get3A_378 = arith.constant 64 : index
        %get3A_379 = tpu.vector_load %arg11[%get3A_377, %get3A_378] {strides = array<i32>} : memref<64x128xf32, #tpu.memory_space<vmem>>, vector<1x16xf32>,
        %get3A_380 = vector.shape_cast %get3A_379 : vector<1x16xf32> to vector<16xf32>
        %get3A_381 = arith.index_cast %add3A_318 : i32 to index
        %get3A_382 = arith.constant 64 : index
        %get3A_383 = tpu.vector_load %arg12[%get3A_381, %get3A_382] {strides = array<i32>} : memref<64x128xf32, #tpu.memory_space<vmem>>, vector<1x16xf32>,
        %get3A_384 = vector.shape_cast %get3A_383 : vector<1x16xf32> to vector<16xf32>
        %mul3A_385 = arith.mulf %get3A_380, %get3A_384 : vector<16xf32>
        %get3A_386 = arith.index_cast %add3A_318 : i32 to index
        %get3A_387 = arith.constant 64 : index
        %get3A_388 = tpu.vector_load %arg13[%get3A_386, %get3A_387] {strides = array<i32>} : memref<64x128xf32, #tpu.memory_space<vmem>>, vector<1x16xf32>,
        %get3A_389 = vector.shape_cast %get3A_388 : vector<1x16xf32> to vector<16xf32>
        %mul3A_390 = arith.mulf %mul3A_385, %get3A_389 : vector<16xf32>
        %add3A_391 = arith.addf %add3A_376, %mul3A_390 : vector<16xf32>
        %get3A_392 = arith.index_cast %add3A_318 : i32 to index
        %get3A_393 = arith.constant 80 : index
        %get3A_394 = tpu.vector_load %arg11[%get3A_392, %get3A_393] {strides = array<i32>} : memref<64x128xf32, #tpu.memory_space<vmem>>, vector<1x16xf32>,
        %get3A_395 = vector.shape_cast %get3A_394 : vector<1x16xf32> to vector<16xf32>
        %get3A_396 = arith.index_cast %add3A_318 : i32 to index
        %get3A_397 = arith.constant 80 : index
        %get3A_398 = tpu.vector_load %arg12[%get3A_396, %get3A_397] {strides = array<i32>} : memref<64x128xf32, #tpu.memory_space<vmem>>, vector<1x16xf32>,
        %get3A_399 = vector.shape_cast %get3A_398 : vector<1x16xf32> to vector<16xf32>
        %mul3A_400 = arith.mulf %get3A_395, %get3A_399 : vector<16xf32>
        %get3A_401 = arith.index_cast %add3A_318 : i32 to index
        %get3A_402 = arith.constant 80 : index
        %get3A_403 = tpu.vector_load %arg13[%get3A_401, %get3A_402] {strides = array<i32>} : memref<64x128xf32, #tpu.memory_space<vmem>>, vector<1x16xf32>,
        %get3A_404 = vector.shape_cast %get3A_403 : vector<1x16xf32> to vector<16xf32>
        %mul3A_405 = arith.mulf %mul3A_400, %get3A_404 : vector<16xf32>
        %add3A_406 = arith.addf %add3A_391, %mul3A_405 : vector<16xf32>
        %get3A_407 = arith.index_cast %add3A_318 : i32 to index
        %get3A_408 = arith.constant 96 : index
        %get3A_409 = tpu.vector_load %arg11[%get3A_407, %get3A_408] {strides = array<i32>} : memref<64x128xf32, #tpu.memory_space<vmem>>, vector<1x16xf32>,
        %get3A_410 = vector.shape_cast %get3A_409 : vector<1x16xf32> to vector<16xf32>
        %get3A_411 = arith.index_cast %add3A_318 : i32 to index
        %get3A_412 = arith.constant 96 : index
        %get3A_413 = tpu.vector_load %arg12[%get3A_411, %get3A_412] {strides = array<i32>} : memref<64x128xf32, #tpu.memory_space<vmem>>, vector<1x16xf32>,
        %get3A_414 = vector.shape_cast %get3A_413 : vector<1x16xf32> to vector<16xf32>
        %mul3A_415 = arith.mulf %get3A_410, %get3A_414 : vector<16xf32>
        %get3A_416 = arith.index_cast %add3A_318 : i32 to index
        %get3A_417 = arith.constant 96 : index
        %get3A_418 = tpu.vector_load %arg13[%get3A_416, %get3A_417] {strides = array<i32>} : memref<64x128xf32, #tpu.memory_space<vmem>>, vector<1x16xf32>,
        %get3A_419 = vector.shape_cast %get3A_418 : vector<1x16xf32> to vector<16xf32>
        %mul3A_420 = arith.mulf %mul3A_415, %get3A_419 : vector<16xf32>
        %add3A_421 = arith.addf %add3A_406, %mul3A_420 : vector<16xf32>
        %get3A_422 = arith.index_cast %add3A_318 : i32 to index
        %get3A_423 = arith.constant 112 : index
        %get3A_424 = tpu.vector_load %arg11[%get3A_422, %get3A_423] {strides = array<i32>} : memref<64x128xf32, #tpu.memory_space<vmem>>, vector<1x16xf32>,
        %get3A_425 = vector.shape_cast %get3A_424 : vector<1x16xf32> to vector<16xf32>
        %get3A_426 = arith.index_cast %add3A_318 : i32 to index
        %get3A_427 = arith.constant 112 : index
        %get3A_428 = tpu.vector_load %arg12[%get3A_426, %get3A_427] {strides = array<i32>} : memref<64x128xf32, #tpu.memory_space<vmem>>, vector<1x16xf32>,
        %get3A_429 = vector.shape_cast %get3A_428 : vector<1x16xf32> to vector<16xf32>
        %mul3A_430 = arith.mulf %get3A_425, %get3A_429 : vector<16xf32>
        %get3A_431 = arith.index_cast %add3A_318 : i32 to index
        %get3A_432 = arith.constant 112 : index
        %get3A_433 = tpu.vector_load %arg13[%get3A_431, %get3A_432] {strides = array<i32>} : memref<64x128xf32, #tpu.memory_space<vmem>>, vector<1x16xf32>,
        %get3A_434 = vector.shape_cast %get3A_433 : vector<1x16xf32> to vector<16xf32>
        %mul3A_435 = arith.mulf %mul3A_430, %get3A_434 : vector<16xf32>
        %add3A_436 = arith.addf %add3A_421, %mul3A_435 : vector<16xf32>
        %lt3A = arith.constant 0 : i32
        %lt3A_437 = vector.broadcast %lt3A : i32 to vector<16xi32>
        %lt3A_438 = arith.cmpi slt, %xor3A_4, %lt3A_437 : vector<16xi32>
        %add3A_439 = arith.constant 16 : i32
        %add3A_440 = vector.broadcast %add3A_439 : i32 to vector<16xi32>
        %add3A_441 = arith.addi %xor3A_4, %add3A_440 : vector<16xi32>
        %select_n3A = arith.select %lt3A_438, %add3A_441, %xor3A_4 : vector<16xi1>, vector<16xi32>
        %broadcast_in_dim3A_442 = vector.shape_cast %select_n3A : vector<16xi32> to vector<16x1xi32>
        %gather3A = vector.shape_cast %broadcast_in_dim3A_442 : vector<16x1xi32> to vector<16xi32>
        %gather3A_443 = tpu.dynamic_gather %add3A_436[%gather3A] in [0] : vector<16xf32>, vector<16xi32> -> vector<16xf32>
        %add3A_444 = arith.addf %add3A_436, %gather3A_443 : vector<16xf32>
        %lt3A_445 = arith.constant 0 : i32
        %lt3A_446 = vector.broadcast %lt3A_445 : i32 to vector<16xi32>
        %lt3A_447 = arith.cmpi slt, %xor3A_7, %lt3A_446 : vector<16xi32>
        %add3A_448 = arith.constant 16 : i32
        %add3A_449 = vector.broadcast %add3A_448 : i32 to vector<16xi32>
        %add3A_450 = arith.addi %xor3A_7, %add3A_449 : vector<16xi32>
        %select_n3A_451 = arith.select %lt3A_447, %add3A_450, %xor3A_7 : vector<16xi1>, vector<16xi32>
        %broadcast_in_dim3A_452 = vector.shape_cast %select_n3A_451 : vector<16xi32> to vector<16x1xi32>
        %gather3A_453 = vector.shape_cast %broadcast_in_dim3A_452 : vector<16x1xi32> to vector<16xi32>
        %gather3A_454 = tpu.dynamic_gather %add3A_444[%gather3A_453] in [0] : vector<16xf32>, vector<16xi32> -> vector<16xf32>
        %add3A_455 = arith.addf %add3A_444, %gather3A_454 : vector<16xf32>
        %lt3A_456 = arith.constant 0 : i32
        %lt3A_457 = vector.broadcast %lt3A_456 : i32 to vector<16xi32>
        %lt3A_458 = arith.cmpi slt, %xor3A_10, %lt3A_457 : vector<16xi32>
        %add3A_459 = arith.constant 16 : i32
        %add3A_460 = vector.broadcast %add3A_459 : i32 to vector<16xi32>
        %add3A_461 = arith.addi %xor3A_10, %add3A_460 : vector<16xi32>
        %select_n3A_462 = arith.select %lt3A_458, %add3A_461, %xor3A_10 : vector<16xi1>, vector<16xi32>
        %broadcast_in_dim3A_463 = vector.shape_cast %select_n3A_462 : vector<16xi32> to vector<16x1xi32>
        %gather3A_464 = vector.shape_cast %broadcast_in_dim3A_463 : vector<16x1xi32> to vector<16xi32>
        %gather3A_465 = tpu.dynamic_gather %add3A_455[%gather3A_464] in [0] : vector<16xf32>, vector<16xi32> -> vector<16xf32>
        %add3A_466 = arith.addf %add3A_455, %gather3A_465 : vector<16xf32>
        %lt3A_467 = arith.constant 0 : i32
        %lt3A_468 = vector.broadcast %lt3A_467 : i32 to vector<16xi32>
        %lt3A_469 = arith.cmpi slt, %xor3A_13, %lt3A_468 : vector<16xi32>
        %add3A_470 = arith.constant 16 : i32
        %add3A_471 = vector.broadcast %add3A_470 : i32 to vector<16xi32>
        %add3A_472 = arith.addi %xor3A_13, %add3A_471 : vector<16xi32>
        %select_n3A_473 = arith.select %lt3A_469, %add3A_472, %xor3A_13 : vector<16xi1>, vector<16xi32>
        %broadcast_in_dim3A_474 = vector.shape_cast %select_n3A_473 : vector<16xi32> to vector<16x1xi32>
        %gather3A_475 = vector.shape_cast %broadcast_in_dim3A_474 : vector<16x1xi32> to vector<16xi32>
        %gather3A_476 = tpu.dynamic_gather %add3A_466[%gather3A_475] in [0] : vector<16xf32>, vector<16xi32> -> vector<16xf32>
        %add3A_477 = arith.addf %add3A_466, %gather3A_476 : vector<16xf32>
        %eq3A = vector.broadcast %scan3A_314 : i32 to vector<16xi32>
        %eq3A_478 = arith.cmpi eq, %iota3A, %eq3A : vector<16xi32>
        %select_n3A_479 = arith.select %eq3A_478, %add3A_477, %scan3A_315 : vector<16xi1>, vector<16xf32>
        scf.yield %select_n3A_479 : vector<16xf32>
      }
      %scan3A_306 = arith.constant 16 : i32
      %mul3A_307 = arith.constant 16 : i32
      %mul3A_308 = arith.muli %scan3A_299, %mul3A_307 : i32
      %add3A_309 = arith.constant 256 : i32
      %add3A_310 = arith.addi %add3A_309, %mul3A_308 : i32
      %swap3A = arith.index_cast %add3A_310 : i32 to index
      %swap3A_311 = tpu.vector_load %arg17[%swap3A] {strides = array<i32>} : memref<512xf32, #tpu.memory_space<vmem>>, vector<16xf32>,
      %swap3A_312 = vector.shape_cast %swap3A_311 : vector<16xf32> to vector<16xf32>
      %swap3A_313 = vector.shape_cast %scan3A_305 : vector<16xf32> to vector<16xf32>
      tpu.vector_store %arg17[%swap3A], %swap3A_313 {strides = array<i32>} : memref<512xf32, #tpu.memory_space<vmem>>, vector<16xf32>,
    }
    %scan3A_205 = arith.constant 4 : i32
    %dma_start3A_206 = arith.constant 384 : i32
    %dma_start3A_207 = tpu.memref_slice %arg8[%dma_start3A_206] : memref<512xi32, #tpu.memory_space<vmem>> -> memref<64xi32, #tpu.memory_space<vmem>>
    %dma_start3A_208 = arith.constant 0 : i32
    %dma_start3A_209 = arith.constant 0 : i32
    %dma_start3A_210 = tpu.memref_slice %arg5[%dma_start3A_208, %dma_start3A_209] : memref<100000x128xf32, #tpu.memory_space<hbm>> -> memref<100000x128xf32, #tpu.memory_space<hbm>>
    tpu.enqueue_indirect_dma source(%dma_start3A_210 : memref<100000x128xf32, #tpu.memory_space<hbm>>) target(%arg11 : memref<64x128xf32, #tpu.memory_space<vmem>>) offsets(%dma_start3A_207 : memref<64xi32, #tpu.memory_space<vmem>>) semaphore(%arg18 : memref<!tpu.dma_semaphore, #tpu.memory_space<semaphore_mem>>)
    %dma_start3A_211 = arith.constant 384 : i32
    %dma_start3A_212 = tpu.memref_slice %arg9[%dma_start3A_211] : memref<512xi32, #tpu.memory_space<vmem>> -> memref<64xi32, #tpu.memory_space<vmem>>
    %dma_start3A_213 = arith.constant 0 : i32
    %dma_start3A_214 = arith.constant 0 : i32
    %dma_start3A_215 = tpu.memref_slice %arg6[%dma_start3A_213, %dma_start3A_214] : memref<1000x128xf32, #tpu.memory_space<hbm>> -> memref<1000x128xf32, #tpu.memory_space<hbm>>
    tpu.enqueue_indirect_dma source(%dma_start3A_215 : memref<1000x128xf32, #tpu.memory_space<hbm>>) target(%arg12 : memref<64x128xf32, #tpu.memory_space<vmem>>) offsets(%dma_start3A_212 : memref<64xi32, #tpu.memory_space<vmem>>) semaphore(%arg18 : memref<!tpu.dma_semaphore, #tpu.memory_space<semaphore_mem>>)
    %dma_start3A_216 = arith.constant 384 : i32
    %dma_start3A_217 = tpu.memref_slice %arg10[%dma_start3A_216] : memref<512xi32, #tpu.memory_space<vmem>> -> memref<64xi32, #tpu.memory_space<vmem>>
    %dma_start3A_218 = arith.constant 0 : i32
    %dma_start3A_219 = arith.constant 0 : i32
    %dma_start3A_220 = tpu.memref_slice %arg5[%dma_start3A_218, %dma_start3A_219] : memref<100000x128xf32, #tpu.memory_space<hbm>> -> memref<100000x128xf32, #tpu.memory_space<hbm>>
    tpu.enqueue_indirect_dma source(%dma_start3A_220 : memref<100000x128xf32, #tpu.memory_space<hbm>>) target(%arg13 : memref<64x128xf32, #tpu.memory_space<vmem>>) offsets(%dma_start3A_217 : memref<64xi32, #tpu.memory_space<vmem>>) semaphore(%arg18 : memref<!tpu.dma_semaphore, #tpu.memory_space<semaphore_mem>>)
    %dma_wait3A_221 = arith.constant 320 : i32
    %dma_wait3A_222 = tpu.memref_slice %arg8[%dma_wait3A_221] : memref<512xi32, #tpu.memory_space<vmem>> -> memref<64xi32, #tpu.memory_space<vmem>>
    %dma_wait3A_223 = arith.constant 0 : i32
    %dma_wait3A_224 = arith.constant 0 : i32
    %dma_wait3A_225 = tpu.memref_slice %arg5[%dma_wait3A_223, %dma_wait3A_224] : memref<100000x128xf32, #tpu.memory_space<hbm>> -> memref<100000x128xf32, #tpu.memory_space<hbm>>
    tpu.wait_indirect_dma semaphore(%arg19 : memref<!tpu.dma_semaphore, #tpu.memory_space<semaphore_mem>>) src(%dma_wait3A_225 : memref<100000x128xf32, #tpu.memory_space<hbm>>) dst(%arg14 : memref<64x128xf32, #tpu.memory_space<vmem>>)
    %dma_wait3A_226 = arith.constant 320 : i32
    %dma_wait3A_227 = tpu.memref_slice %arg9[%dma_wait3A_226] : memref<512xi32, #tpu.memory_space<vmem>> -> memref<64xi32, #tpu.memory_space<vmem>>
    %dma_wait3A_228 = arith.constant 0 : i32
    %dma_wait3A_229 = arith.constant 0 : i32
    %dma_wait3A_230 = tpu.memref_slice %arg6[%dma_wait3A_228, %dma_wait3A_229] : memref<1000x128xf32, #tpu.memory_space<hbm>> -> memref<1000x128xf32, #tpu.memory_space<hbm>>
    tpu.wait_indirect_dma semaphore(%arg19 : memref<!tpu.dma_semaphore, #tpu.memory_space<semaphore_mem>>) src(%dma_wait3A_230 : memref<1000x128xf32, #tpu.memory_space<hbm>>) dst(%arg15 : memref<64x128xf32, #tpu.memory_space<vmem>>)
    %dma_wait3A_231 = arith.constant 320 : i32
    %dma_wait3A_232 = tpu.memref_slice %arg10[%dma_wait3A_231] : memref<512xi32, #tpu.memory_space<vmem>> -> memref<64xi32, #tpu.memory_space<vmem>>
    %dma_wait3A_233 = arith.constant 0 : i32
    %dma_wait3A_234 = arith.constant 0 : i32
    %dma_wait3A_235 = tpu.memref_slice %arg5[%dma_wait3A_233, %dma_wait3A_234] : memref<100000x128xf32, #tpu.memory_space<hbm>> -> memref<100000x128xf32, #tpu.memory_space<hbm>>
    tpu.wait_indirect_dma semaphore(%arg19 : memref<!tpu.dma_semaphore, #tpu.memory_space<semaphore_mem>>) src(%dma_wait3A_235 : memref<100000x128xf32, #tpu.memory_space<hbm>>) dst(%arg16 : memref<64x128xf32, #tpu.memory_space<vmem>>)
    %scan3A_236 = arith.constant 0 : i32
    %scan3A_237 = arith.constant 0 : i32
    %scan3A_238 = arith.constant 4 : i32
    %scan3A_239 = arith.addi %scan3A_237, %scan3A_238 : i32
    %scan3A_240 = arith.constant 1 : i32
    scf.for %scan3A_299 = %scan3A_237 to %scan3A_239 step %scan3A_240  : i32 {
      %broadcast_in_dim3A = arith.constant 0.000000e+00 : f32
      %broadcast_in_dim3A_300 = vector.broadcast %broadcast_in_dim3A : f32 to vector<16xf32>
      %scan3A_301 = arith.constant 0 : i32
      %scan3A_302 = arith.constant 16 : i32
      %scan3A_303 = arith.addi %scan3A_301, %scan3A_302 : i32
      %scan3A_304 = arith.constant 1 : i32
      %scan3A_305 = scf.for %scan3A_314 = %scan3A_301 to %scan3A_303 step %scan3A_304 iter_args(%scan3A_315 = %broadcast_in_dim3A_300) -> (vector<16xf32>)  : i32 {
        %mul3A_316 = arith.constant 16 : i32
        %mul3A_317 = arith.muli %scan3A_299, %mul3A_316 : i32
        %add3A_318 = arith.addi %mul3A_317, %scan3A_314 : i32
        %get3A = arith.index_cast %add3A_318 : i32 to index
        %get3A_319 = arith.constant 0 : index
        %get3A_320 = tpu.vector_load %arg14[%get3A, %get3A_319] {strides = array<i32>} : memref<64x128xf32, #tpu.memory_space<vmem>>, vector<1x16xf32>,
        %get3A_321 = vector.shape_cast %get3A_320 : vector<1x16xf32> to vector<16xf32>
        %get3A_322 = arith.index_cast %add3A_318 : i32 to index
        %get3A_323 = arith.constant 0 : index
        %get3A_324 = tpu.vector_load %arg15[%get3A_322, %get3A_323] {strides = array<i32>} : memref<64x128xf32, #tpu.memory_space<vmem>>, vector<1x16xf32>,
        %get3A_325 = vector.shape_cast %get3A_324 : vector<1x16xf32> to vector<16xf32>
        %mul3A_326 = arith.mulf %get3A_321, %get3A_325 : vector<16xf32>
        %get3A_327 = arith.index_cast %add3A_318 : i32 to index
        %get3A_328 = arith.constant 0 : index
        %get3A_329 = tpu.vector_load %arg16[%get3A_327, %get3A_328] {strides = array<i32>} : memref<64x128xf32, #tpu.memory_space<vmem>>, vector<1x16xf32>,
        %get3A_330 = vector.shape_cast %get3A_329 : vector<1x16xf32> to vector<16xf32>
        %mul3A_331 = arith.mulf %mul3A_326, %get3A_330 : vector<16xf32>
        %get3A_332 = arith.index_cast %add3A_318 : i32 to index
        %get3A_333 = arith.constant 16 : index
        %get3A_334 = tpu.vector_load %arg14[%get3A_332, %get3A_333] {strides = array<i32>} : memref<64x128xf32, #tpu.memory_space<vmem>>, vector<1x16xf32>,
        %get3A_335 = vector.shape_cast %get3A_334 : vector<1x16xf32> to vector<16xf32>
        %get3A_336 = arith.index_cast %add3A_318 : i32 to index
        %get3A_337 = arith.constant 16 : index
        %get3A_338 = tpu.vector_load %arg15[%get3A_336, %get3A_337] {strides = array<i32>} : memref<64x128xf32, #tpu.memory_space<vmem>>, vector<1x16xf32>,
        %get3A_339 = vector.shape_cast %get3A_338 : vector<1x16xf32> to vector<16xf32>
        %mul3A_340 = arith.mulf %get3A_335, %get3A_339 : vector<16xf32>
        %get3A_341 = arith.index_cast %add3A_318 : i32 to index
        %get3A_342 = arith.constant 16 : index
        %get3A_343 = tpu.vector_load %arg16[%get3A_341, %get3A_342] {strides = array<i32>} : memref<64x128xf32, #tpu.memory_space<vmem>>, vector<1x16xf32>,
        %get3A_344 = vector.shape_cast %get3A_343 : vector<1x16xf32> to vector<16xf32>
        %mul3A_345 = arith.mulf %mul3A_340, %get3A_344 : vector<16xf32>
        %add3A_346 = arith.addf %mul3A_331, %mul3A_345 : vector<16xf32>
        %get3A_347 = arith.index_cast %add3A_318 : i32 to index
        %get3A_348 = arith.constant 32 : index
        %get3A_349 = tpu.vector_load %arg14[%get3A_347, %get3A_348] {strides = array<i32>} : memref<64x128xf32, #tpu.memory_space<vmem>>, vector<1x16xf32>,
        %get3A_350 = vector.shape_cast %get3A_349 : vector<1x16xf32> to vector<16xf32>
        %get3A_351 = arith.index_cast %add3A_318 : i32 to index
        %get3A_352 = arith.constant 32 : index
        %get3A_353 = tpu.vector_load %arg15[%get3A_351, %get3A_352] {strides = array<i32>} : memref<64x128xf32, #tpu.memory_space<vmem>>, vector<1x16xf32>,
        %get3A_354 = vector.shape_cast %get3A_353 : vector<1x16xf32> to vector<16xf32>
        %mul3A_355 = arith.mulf %get3A_350, %get3A_354 : vector<16xf32>
        %get3A_356 = arith.index_cast %add3A_318 : i32 to index
        %get3A_357 = arith.constant 32 : index
        %get3A_358 = tpu.vector_load %arg16[%get3A_356, %get3A_357] {strides = array<i32>} : memref<64x128xf32, #tpu.memory_space<vmem>>, vector<1x16xf32>,
        %get3A_359 = vector.shape_cast %get3A_358 : vector<1x16xf32> to vector<16xf32>
        %mul3A_360 = arith.mulf %mul3A_355, %get3A_359 : vector<16xf32>
        %add3A_361 = arith.addf %add3A_346, %mul3A_360 : vector<16xf32>
        %get3A_362 = arith.index_cast %add3A_318 : i32 to index
        %get3A_363 = arith.constant 48 : index
        %get3A_364 = tpu.vector_load %arg14[%get3A_362, %get3A_363] {strides = array<i32>} : memref<64x128xf32, #tpu.memory_space<vmem>>, vector<1x16xf32>,
        %get3A_365 = vector.shape_cast %get3A_364 : vector<1x16xf32> to vector<16xf32>
        %get3A_366 = arith.index_cast %add3A_318 : i32 to index
        %get3A_367 = arith.constant 48 : index
        %get3A_368 = tpu.vector_load %arg15[%get3A_366, %get3A_367] {strides = array<i32>} : memref<64x128xf32, #tpu.memory_space<vmem>>, vector<1x16xf32>,
        %get3A_369 = vector.shape_cast %get3A_368 : vector<1x16xf32> to vector<16xf32>
        %mul3A_370 = arith.mulf %get3A_365, %get3A_369 : vector<16xf32>
        %get3A_371 = arith.index_cast %add3A_318 : i32 to index
        %get3A_372 = arith.constant 48 : index
        %get3A_373 = tpu.vector_load %arg16[%get3A_371, %get3A_372] {strides = array<i32>} : memref<64x128xf32, #tpu.memory_space<vmem>>, vector<1x16xf32>,
        %get3A_374 = vector.shape_cast %get3A_373 : vector<1x16xf32> to vector<16xf32>
        %mul3A_375 = arith.mulf %mul3A_370, %get3A_374 : vector<16xf32>
        %add3A_376 = arith.addf %add3A_361, %mul3A_375 : vector<16xf32>
        %get3A_377 = arith.index_cast %add3A_318 : i32 to index
        %get3A_378 = arith.constant 64 : index
        %get3A_379 = tpu.vector_load %arg14[%get3A_377, %get3A_378] {strides = array<i32>} : memref<64x128xf32, #tpu.memory_space<vmem>>, vector<1x16xf32>,
        %get3A_380 = vector.shape_cast %get3A_379 : vector<1x16xf32> to vector<16xf32>
        %get3A_381 = arith.index_cast %add3A_318 : i32 to index
        %get3A_382 = arith.constant 64 : index
        %get3A_383 = tpu.vector_load %arg15[%get3A_381, %get3A_382] {strides = array<i32>} : memref<64x128xf32, #tpu.memory_space<vmem>>, vector<1x16xf32>,
        %get3A_384 = vector.shape_cast %get3A_383 : vector<1x16xf32> to vector<16xf32>
        %mul3A_385 = arith.mulf %get3A_380, %get3A_384 : vector<16xf32>
        %get3A_386 = arith.index_cast %add3A_318 : i32 to index
        %get3A_387 = arith.constant 64 : index
        %get3A_388 = tpu.vector_load %arg16[%get3A_386, %get3A_387] {strides = array<i32>} : memref<64x128xf32, #tpu.memory_space<vmem>>, vector<1x16xf32>,
        %get3A_389 = vector.shape_cast %get3A_388 : vector<1x16xf32> to vector<16xf32>
        %mul3A_390 = arith.mulf %mul3A_385, %get3A_389 : vector<16xf32>
        %add3A_391 = arith.addf %add3A_376, %mul3A_390 : vector<16xf32>
        %get3A_392 = arith.index_cast %add3A_318 : i32 to index
        %get3A_393 = arith.constant 80 : index
        %get3A_394 = tpu.vector_load %arg14[%get3A_392, %get3A_393] {strides = array<i32>} : memref<64x128xf32, #tpu.memory_space<vmem>>, vector<1x16xf32>,
        %get3A_395 = vector.shape_cast %get3A_394 : vector<1x16xf32> to vector<16xf32>
        %get3A_396 = arith.index_cast %add3A_318 : i32 to index
        %get3A_397 = arith.constant 80 : index
        %get3A_398 = tpu.vector_load %arg15[%get3A_396, %get3A_397] {strides = array<i32>} : memref<64x128xf32, #tpu.memory_space<vmem>>, vector<1x16xf32>,
        %get3A_399 = vector.shape_cast %get3A_398 : vector<1x16xf32> to vector<16xf32>
        %mul3A_400 = arith.mulf %get3A_395, %get3A_399 : vector<16xf32>
        %get3A_401 = arith.index_cast %add3A_318 : i32 to index
        %get3A_402 = arith.constant 80 : index
        %get3A_403 = tpu.vector_load %arg16[%get3A_401, %get3A_402] {strides = array<i32>} : memref<64x128xf32, #tpu.memory_space<vmem>>, vector<1x16xf32>,
        %get3A_404 = vector.shape_cast %get3A_403 : vector<1x16xf32> to vector<16xf32>
        %mul3A_405 = arith.mulf %mul3A_400, %get3A_404 : vector<16xf32>
        %add3A_406 = arith.addf %add3A_391, %mul3A_405 : vector<16xf32>
        %get3A_407 = arith.index_cast %add3A_318 : i32 to index
        %get3A_408 = arith.constant 96 : index
        %get3A_409 = tpu.vector_load %arg14[%get3A_407, %get3A_408] {strides = array<i32>} : memref<64x128xf32, #tpu.memory_space<vmem>>, vector<1x16xf32>,
        %get3A_410 = vector.shape_cast %get3A_409 : vector<1x16xf32> to vector<16xf32>
        %get3A_411 = arith.index_cast %add3A_318 : i32 to index
        %get3A_412 = arith.constant 96 : index
        %get3A_413 = tpu.vector_load %arg15[%get3A_411, %get3A_412] {strides = array<i32>} : memref<64x128xf32, #tpu.memory_space<vmem>>, vector<1x16xf32>,
        %get3A_414 = vector.shape_cast %get3A_413 : vector<1x16xf32> to vector<16xf32>
        %mul3A_415 = arith.mulf %get3A_410, %get3A_414 : vector<16xf32>
        %get3A_416 = arith.index_cast %add3A_318 : i32 to index
        %get3A_417 = arith.constant 96 : index
        %get3A_418 = tpu.vector_load %arg16[%get3A_416, %get3A_417] {strides = array<i32>} : memref<64x128xf32, #tpu.memory_space<vmem>>, vector<1x16xf32>,
        %get3A_419 = vector.shape_cast %get3A_418 : vector<1x16xf32> to vector<16xf32>
        %mul3A_420 = arith.mulf %mul3A_415, %get3A_419 : vector<16xf32>
        %add3A_421 = arith.addf %add3A_406, %mul3A_420 : vector<16xf32>
        %get3A_422 = arith.index_cast %add3A_318 : i32 to index
        %get3A_423 = arith.constant 112 : index
        %get3A_424 = tpu.vector_load %arg14[%get3A_422, %get3A_423] {strides = array<i32>} : memref<64x128xf32, #tpu.memory_space<vmem>>, vector<1x16xf32>,
        %get3A_425 = vector.shape_cast %get3A_424 : vector<1x16xf32> to vector<16xf32>
        %get3A_426 = arith.index_cast %add3A_318 : i32 to index
        %get3A_427 = arith.constant 112 : index
        %get3A_428 = tpu.vector_load %arg15[%get3A_426, %get3A_427] {strides = array<i32>} : memref<64x128xf32, #tpu.memory_space<vmem>>, vector<1x16xf32>,
        %get3A_429 = vector.shape_cast %get3A_428 : vector<1x16xf32> to vector<16xf32>
        %mul3A_430 = arith.mulf %get3A_425, %get3A_429 : vector<16xf32>
        %get3A_431 = arith.index_cast %add3A_318 : i32 to index
        %get3A_432 = arith.constant 112 : index
        %get3A_433 = tpu.vector_load %arg16[%get3A_431, %get3A_432] {strides = array<i32>} : memref<64x128xf32, #tpu.memory_space<vmem>>, vector<1x16xf32>,
        %get3A_434 = vector.shape_cast %get3A_433 : vector<1x16xf32> to vector<16xf32>
        %mul3A_435 = arith.mulf %mul3A_430, %get3A_434 : vector<16xf32>
        %add3A_436 = arith.addf %add3A_421, %mul3A_435 : vector<16xf32>
        %lt3A = arith.constant 0 : i32
        %lt3A_437 = vector.broadcast %lt3A : i32 to vector<16xi32>
        %lt3A_438 = arith.cmpi slt, %xor3A_4, %lt3A_437 : vector<16xi32>
        %add3A_439 = arith.constant 16 : i32
        %add3A_440 = vector.broadcast %add3A_439 : i32 to vector<16xi32>
        %add3A_441 = arith.addi %xor3A_4, %add3A_440 : vector<16xi32>
        %select_n3A = arith.select %lt3A_438, %add3A_441, %xor3A_4 : vector<16xi1>, vector<16xi32>
        %broadcast_in_dim3A_442 = vector.shape_cast %select_n3A : vector<16xi32> to vector<16x1xi32>
        %gather3A = vector.shape_cast %broadcast_in_dim3A_442 : vector<16x1xi32> to vector<16xi32>
        %gather3A_443 = tpu.dynamic_gather %add3A_436[%gather3A] in [0] : vector<16xf32>, vector<16xi32> -> vector<16xf32>
        %add3A_444 = arith.addf %add3A_436, %gather3A_443 : vector<16xf32>
        %lt3A_445 = arith.constant 0 : i32
        %lt3A_446 = vector.broadcast %lt3A_445 : i32 to vector<16xi32>
        %lt3A_447 = arith.cmpi slt, %xor3A_7, %lt3A_446 : vector<16xi32>
        %add3A_448 = arith.constant 16 : i32
        %add3A_449 = vector.broadcast %add3A_448 : i32 to vector<16xi32>
        %add3A_450 = arith.addi %xor3A_7, %add3A_449 : vector<16xi32>
        %select_n3A_451 = arith.select %lt3A_447, %add3A_450, %xor3A_7 : vector<16xi1>, vector<16xi32>
        %broadcast_in_dim3A_452 = vector.shape_cast %select_n3A_451 : vector<16xi32> to vector<16x1xi32>
        %gather3A_453 = vector.shape_cast %broadcast_in_dim3A_452 : vector<16x1xi32> to vector<16xi32>
        %gather3A_454 = tpu.dynamic_gather %add3A_444[%gather3A_453] in [0] : vector<16xf32>, vector<16xi32> -> vector<16xf32>
        %add3A_455 = arith.addf %add3A_444, %gather3A_454 : vector<16xf32>
        %lt3A_456 = arith.constant 0 : i32
        %lt3A_457 = vector.broadcast %lt3A_456 : i32 to vector<16xi32>
        %lt3A_458 = arith.cmpi slt, %xor3A_10, %lt3A_457 : vector<16xi32>
        %add3A_459 = arith.constant 16 : i32
        %add3A_460 = vector.broadcast %add3A_459 : i32 to vector<16xi32>
        %add3A_461 = arith.addi %xor3A_10, %add3A_460 : vector<16xi32>
        %select_n3A_462 = arith.select %lt3A_458, %add3A_461, %xor3A_10 : vector<16xi1>, vector<16xi32>
        %broadcast_in_dim3A_463 = vector.shape_cast %select_n3A_462 : vector<16xi32> to vector<16x1xi32>
        %gather3A_464 = vector.shape_cast %broadcast_in_dim3A_463 : vector<16x1xi32> to vector<16xi32>
        %gather3A_465 = tpu.dynamic_gather %add3A_455[%gather3A_464] in [0] : vector<16xf32>, vector<16xi32> -> vector<16xf32>
        %add3A_466 = arith.addf %add3A_455, %gather3A_465 : vector<16xf32>
        %lt3A_467 = arith.constant 0 : i32
        %lt3A_468 = vector.broadcast %lt3A_467 : i32 to vector<16xi32>
        %lt3A_469 = arith.cmpi slt, %xor3A_13, %lt3A_468 : vector<16xi32>
        %add3A_470 = arith.constant 16 : i32
        %add3A_471 = vector.broadcast %add3A_470 : i32 to vector<16xi32>
        %add3A_472 = arith.addi %xor3A_13, %add3A_471 : vector<16xi32>
        %select_n3A_473 = arith.select %lt3A_469, %add3A_472, %xor3A_13 : vector<16xi1>, vector<16xi32>
        %broadcast_in_dim3A_474 = vector.shape_cast %select_n3A_473 : vector<16xi32> to vector<16x1xi32>
        %gather3A_475 = vector.shape_cast %broadcast_in_dim3A_474 : vector<16x1xi32> to vector<16xi32>
        %gather3A_476 = tpu.dynamic_gather %add3A_466[%gather3A_475] in [0] : vector<16xf32>, vector<16xi32> -> vector<16xf32>
        %add3A_477 = arith.addf %add3A_466, %gather3A_476 : vector<16xf32>
        %eq3A = vector.broadcast %scan3A_314 : i32 to vector<16xi32>
        %eq3A_478 = arith.cmpi eq, %iota3A, %eq3A : vector<16xi32>
        %select_n3A_479 = arith.select %eq3A_478, %add3A_477, %scan3A_315 : vector<16xi1>, vector<16xf32>
        scf.yield %select_n3A_479 : vector<16xf32>
      }
      %scan3A_306 = arith.constant 16 : i32
      %mul3A_307 = arith.constant 16 : i32
      %mul3A_308 = arith.muli %scan3A_299, %mul3A_307 : i32
      %add3A_309 = arith.constant 320 : i32
      %add3A_310 = arith.addi %add3A_309, %mul3A_308 : i32
      %swap3A = arith.index_cast %add3A_310 : i32 to index
      %swap3A_311 = tpu.vector_load %arg17[%swap3A] {strides = array<i32>} : memref<512xf32, #tpu.memory_space<vmem>>, vector<16xf32>,
      %swap3A_312 = vector.shape_cast %swap3A_311 : vector<16xf32> to vector<16xf32>
      %swap3A_313 = vector.shape_cast %scan3A_305 : vector<16xf32> to vector<16xf32>
      tpu.vector_store %arg17[%swap3A], %swap3A_313 {strides = array<i32>} : memref<512xf32, #tpu.memory_space<vmem>>, vector<16xf32>,
    }
    %scan3A_241 = arith.constant 4 : i32
    %dma_start3A_242 = arith.constant 448 : i32
    %dma_start3A_243 = tpu.memref_slice %arg8[%dma_start3A_242] : memref<512xi32, #tpu.memory_space<vmem>> -> memref<64xi32, #tpu.memory_space<vmem>>
    %dma_start3A_244 = arith.constant 0 : i32
    %dma_start3A_245 = arith.constant 0 : i32
    %dma_start3A_246 = tpu.memref_slice %arg5[%dma_start3A_244, %dma_start3A_245] : memref<100000x128xf32, #tpu.memory_space<hbm>> -> memref<100000x128xf32, #tpu.memory_space<hbm>>
    tpu.enqueue_indirect_dma source(%dma_start3A_246 : memref<100000x128xf32, #tpu.memory_space<hbm>>) target(%arg14 : memref<64x128xf32, #tpu.memory_space<vmem>>) offsets(%dma_start3A_243 : memref<64xi32, #tpu.memory_space<vmem>>) semaphore(%arg19 : memref<!tpu.dma_semaphore, #tpu.memory_space<semaphore_mem>>)
    %dma_start3A_247 = arith.constant 448 : i32
    %dma_start3A_248 = tpu.memref_slice %arg9[%dma_start3A_247] : memref<512xi32, #tpu.memory_space<vmem>> -> memref<64xi32, #tpu.memory_space<vmem>>
    %dma_start3A_249 = arith.constant 0 : i32
    %dma_start3A_250 = arith.constant 0 : i32
    %dma_start3A_251 = tpu.memref_slice %arg6[%dma_start3A_249, %dma_start3A_250] : memref<1000x128xf32, #tpu.memory_space<hbm>> -> memref<1000x128xf32, #tpu.memory_space<hbm>>
    tpu.enqueue_indirect_dma source(%dma_start3A_251 : memref<1000x128xf32, #tpu.memory_space<hbm>>) target(%arg15 : memref<64x128xf32, #tpu.memory_space<vmem>>) offsets(%dma_start3A_248 : memref<64xi32, #tpu.memory_space<vmem>>) semaphore(%arg19 : memref<!tpu.dma_semaphore, #tpu.memory_space<semaphore_mem>>)
    %dma_start3A_252 = arith.constant 448 : i32
    %dma_start3A_253 = tpu.memref_slice %arg10[%dma_start3A_252] : memref<512xi32, #tpu.memory_space<vmem>> -> memref<64xi32, #tpu.memory_space<vmem>>
    %dma_start3A_254 = arith.constant 0 : i32
    %dma_start3A_255 = arith.constant 0 : i32
    %dma_start3A_256 = tpu.memref_slice %arg5[%dma_start3A_254, %dma_start3A_255] : memref<100000x128xf32, #tpu.memory_space<hbm>> -> memref<100000x128xf32, #tpu.memory_space<hbm>>
    tpu.enqueue_indirect_dma source(%dma_start3A_256 : memref<100000x128xf32, #tpu.memory_space<hbm>>) target(%arg16 : memref<64x128xf32, #tpu.memory_space<vmem>>) offsets(%dma_start3A_253 : memref<64xi32, #tpu.memory_space<vmem>>) semaphore(%arg19 : memref<!tpu.dma_semaphore, #tpu.memory_space<semaphore_mem>>)
    %dma_wait3A_257 = arith.constant 384 : i32
    %dma_wait3A_258 = tpu.memref_slice %arg8[%dma_wait3A_257] : memref<512xi32, #tpu.memory_space<vmem>> -> memref<64xi32, #tpu.memory_space<vmem>>
    %dma_wait3A_259 = arith.constant 0 : i32
    %dma_wait3A_260 = arith.constant 0 : i32
    %dma_wait3A_261 = tpu.memref_slice %arg5[%dma_wait3A_259, %dma_wait3A_260] : memref<100000x128xf32, #tpu.memory_space<hbm>> -> memref<100000x128xf32, #tpu.memory_space<hbm>>
    tpu.wait_indirect_dma semaphore(%arg18 : memref<!tpu.dma_semaphore, #tpu.memory_space<semaphore_mem>>) src(%dma_wait3A_261 : memref<100000x128xf32, #tpu.memory_space<hbm>>) dst(%arg11 : memref<64x128xf32, #tpu.memory_space<vmem>>)
    %dma_wait3A_262 = arith.constant 384 : i32
    %dma_wait3A_263 = tpu.memref_slice %arg9[%dma_wait3A_262] : memref<512xi32, #tpu.memory_space<vmem>> -> memref<64xi32, #tpu.memory_space<vmem>>
    %dma_wait3A_264 = arith.constant 0 : i32
    %dma_wait3A_265 = arith.constant 0 : i32
    %dma_wait3A_266 = tpu.memref_slice %arg6[%dma_wait3A_264, %dma_wait3A_265] : memref<1000x128xf32, #tpu.memory_space<hbm>> -> memref<1000x128xf32, #tpu.memory_space<hbm>>
    tpu.wait_indirect_dma semaphore(%arg18 : memref<!tpu.dma_semaphore, #tpu.memory_space<semaphore_mem>>) src(%dma_wait3A_266 : memref<1000x128xf32, #tpu.memory_space<hbm>>) dst(%arg12 : memref<64x128xf32, #tpu.memory_space<vmem>>)
    %dma_wait3A_267 = arith.constant 384 : i32
    %dma_wait3A_268 = tpu.memref_slice %arg10[%dma_wait3A_267] : memref<512xi32, #tpu.memory_space<vmem>> -> memref<64xi32, #tpu.memory_space<vmem>>
    %dma_wait3A_269 = arith.constant 0 : i32
    %dma_wait3A_270 = arith.constant 0 : i32
    %dma_wait3A_271 = tpu.memref_slice %arg5[%dma_wait3A_269, %dma_wait3A_270] : memref<100000x128xf32, #tpu.memory_space<hbm>> -> memref<100000x128xf32, #tpu.memory_space<hbm>>
    tpu.wait_indirect_dma semaphore(%arg18 : memref<!tpu.dma_semaphore, #tpu.memory_space<semaphore_mem>>) src(%dma_wait3A_271 : memref<100000x128xf32, #tpu.memory_space<hbm>>) dst(%arg13 : memref<64x128xf32, #tpu.memory_space<vmem>>)
    %scan3A_272 = arith.constant 0 : i32
    %scan3A_273 = arith.constant 0 : i32
    %scan3A_274 = arith.constant 4 : i32
    %scan3A_275 = arith.addi %scan3A_273, %scan3A_274 : i32
    %scan3A_276 = arith.constant 1 : i32
    scf.for %scan3A_299 = %scan3A_273 to %scan3A_275 step %scan3A_276  : i32 {
      %broadcast_in_dim3A = arith.constant 0.000000e+00 : f32
      %broadcast_in_dim3A_300 = vector.broadcast %broadcast_in_dim3A : f32 to vector<16xf32>
      %scan3A_301 = arith.constant 0 : i32
      %scan3A_302 = arith.constant 16 : i32
      %scan3A_303 = arith.addi %scan3A_301, %scan3A_302 : i32
      %scan3A_304 = arith.constant 1 : i32
      %scan3A_305 = scf.for %scan3A_314 = %scan3A_301 to %scan3A_303 step %scan3A_304 iter_args(%scan3A_315 = %broadcast_in_dim3A_300) -> (vector<16xf32>)  : i32 {
        %mul3A_316 = arith.constant 16 : i32
        %mul3A_317 = arith.muli %scan3A_299, %mul3A_316 : i32
        %add3A_318 = arith.addi %mul3A_317, %scan3A_314 : i32
        %get3A = arith.index_cast %add3A_318 : i32 to index
        %get3A_319 = arith.constant 0 : index
        %get3A_320 = tpu.vector_load %arg11[%get3A, %get3A_319] {strides = array<i32>} : memref<64x128xf32, #tpu.memory_space<vmem>>, vector<1x16xf32>,
        %get3A_321 = vector.shape_cast %get3A_320 : vector<1x16xf32> to vector<16xf32>
        %get3A_322 = arith.index_cast %add3A_318 : i32 to index
        %get3A_323 = arith.constant 0 : index
        %get3A_324 = tpu.vector_load %arg12[%get3A_322, %get3A_323] {strides = array<i32>} : memref<64x128xf32, #tpu.memory_space<vmem>>, vector<1x16xf32>,
        %get3A_325 = vector.shape_cast %get3A_324 : vector<1x16xf32> to vector<16xf32>
        %mul3A_326 = arith.mulf %get3A_321, %get3A_325 : vector<16xf32>
        %get3A_327 = arith.index_cast %add3A_318 : i32 to index
        %get3A_328 = arith.constant 0 : index
        %get3A_329 = tpu.vector_load %arg13[%get3A_327, %get3A_328] {strides = array<i32>} : memref<64x128xf32, #tpu.memory_space<vmem>>, vector<1x16xf32>,
        %get3A_330 = vector.shape_cast %get3A_329 : vector<1x16xf32> to vector<16xf32>
        %mul3A_331 = arith.mulf %mul3A_326, %get3A_330 : vector<16xf32>
        %get3A_332 = arith.index_cast %add3A_318 : i32 to index
        %get3A_333 = arith.constant 16 : index
        %get3A_334 = tpu.vector_load %arg11[%get3A_332, %get3A_333] {strides = array<i32>} : memref<64x128xf32, #tpu.memory_space<vmem>>, vector<1x16xf32>,
        %get3A_335 = vector.shape_cast %get3A_334 : vector<1x16xf32> to vector<16xf32>
        %get3A_336 = arith.index_cast %add3A_318 : i32 to index
        %get3A_337 = arith.constant 16 : index
        %get3A_338 = tpu.vector_load %arg12[%get3A_336, %get3A_337] {strides = array<i32>} : memref<64x128xf32, #tpu.memory_space<vmem>>, vector<1x16xf32>,
        %get3A_339 = vector.shape_cast %get3A_338 : vector<1x16xf32> to vector<16xf32>
        %mul3A_340 = arith.mulf %get3A_335, %get3A_339 : vector<16xf32>
        %get3A_341 = arith.index_cast %add3A_318 : i32 to index
        %get3A_342 = arith.constant 16 : index
        %get3A_343 = tpu.vector_load %arg13[%get3A_341, %get3A_342] {strides = array<i32>} : memref<64x128xf32, #tpu.memory_space<vmem>>, vector<1x16xf32>,
        %get3A_344 = vector.shape_cast %get3A_343 : vector<1x16xf32> to vector<16xf32>
        %mul3A_345 = arith.mulf %mul3A_340, %get3A_344 : vector<16xf32>
        %add3A_346 = arith.addf %mul3A_331, %mul3A_345 : vector<16xf32>
        %get3A_347 = arith.index_cast %add3A_318 : i32 to index
        %get3A_348 = arith.constant 32 : index
        %get3A_349 = tpu.vector_load %arg11[%get3A_347, %get3A_348] {strides = array<i32>} : memref<64x128xf32, #tpu.memory_space<vmem>>, vector<1x16xf32>,
        %get3A_350 = vector.shape_cast %get3A_349 : vector<1x16xf32> to vector<16xf32>
        %get3A_351 = arith.index_cast %add3A_318 : i32 to index
        %get3A_352 = arith.constant 32 : index
        %get3A_353 = tpu.vector_load %arg12[%get3A_351, %get3A_352] {strides = array<i32>} : memref<64x128xf32, #tpu.memory_space<vmem>>, vector<1x16xf32>,
        %get3A_354 = vector.shape_cast %get3A_353 : vector<1x16xf32> to vector<16xf32>
        %mul3A_355 = arith.mulf %get3A_350, %get3A_354 : vector<16xf32>
        %get3A_356 = arith.index_cast %add3A_318 : i32 to index
        %get3A_357 = arith.constant 32 : index
        %get3A_358 = tpu.vector_load %arg13[%get3A_356, %get3A_357] {strides = array<i32>} : memref<64x128xf32, #tpu.memory_space<vmem>>, vector<1x16xf32>,
        %get3A_359 = vector.shape_cast %get3A_358 : vector<1x16xf32> to vector<16xf32>
        %mul3A_360 = arith.mulf %mul3A_355, %get3A_359 : vector<16xf32>
        %add3A_361 = arith.addf %add3A_346, %mul3A_360 : vector<16xf32>
        %get3A_362 = arith.index_cast %add3A_318 : i32 to index
        %get3A_363 = arith.constant 48 : index
        %get3A_364 = tpu.vector_load %arg11[%get3A_362, %get3A_363] {strides = array<i32>} : memref<64x128xf32, #tpu.memory_space<vmem>>, vector<1x16xf32>,
        %get3A_365 = vector.shape_cast %get3A_364 : vector<1x16xf32> to vector<16xf32>
        %get3A_366 = arith.index_cast %add3A_318 : i32 to index
        %get3A_367 = arith.constant 48 : index
        %get3A_368 = tpu.vector_load %arg12[%get3A_366, %get3A_367] {strides = array<i32>} : memref<64x128xf32, #tpu.memory_space<vmem>>, vector<1x16xf32>,
        %get3A_369 = vector.shape_cast %get3A_368 : vector<1x16xf32> to vector<16xf32>
        %mul3A_370 = arith.mulf %get3A_365, %get3A_369 : vector<16xf32>
        %get3A_371 = arith.index_cast %add3A_318 : i32 to index
        %get3A_372 = arith.constant 48 : index
        %get3A_373 = tpu.vector_load %arg13[%get3A_371, %get3A_372] {strides = array<i32>} : memref<64x128xf32, #tpu.memory_space<vmem>>, vector<1x16xf32>,
        %get3A_374 = vector.shape_cast %get3A_373 : vector<1x16xf32> to vector<16xf32>
        %mul3A_375 = arith.mulf %mul3A_370, %get3A_374 : vector<16xf32>
        %add3A_376 = arith.addf %add3A_361, %mul3A_375 : vector<16xf32>
        %get3A_377 = arith.index_cast %add3A_318 : i32 to index
        %get3A_378 = arith.constant 64 : index
        %get3A_379 = tpu.vector_load %arg11[%get3A_377, %get3A_378] {strides = array<i32>} : memref<64x128xf32, #tpu.memory_space<vmem>>, vector<1x16xf32>,
        %get3A_380 = vector.shape_cast %get3A_379 : vector<1x16xf32> to vector<16xf32>
        %get3A_381 = arith.index_cast %add3A_318 : i32 to index
        %get3A_382 = arith.constant 64 : index
        %get3A_383 = tpu.vector_load %arg12[%get3A_381, %get3A_382] {strides = array<i32>} : memref<64x128xf32, #tpu.memory_space<vmem>>, vector<1x16xf32>,
        %get3A_384 = vector.shape_cast %get3A_383 : vector<1x16xf32> to vector<16xf32>
        %mul3A_385 = arith.mulf %get3A_380, %get3A_384 : vector<16xf32>
        %get3A_386 = arith.index_cast %add3A_318 : i32 to index
        %get3A_387 = arith.constant 64 : index
        %get3A_388 = tpu.vector_load %arg13[%get3A_386, %get3A_387] {strides = array<i32>} : memref<64x128xf32, #tpu.memory_space<vmem>>, vector<1x16xf32>,
        %get3A_389 = vector.shape_cast %get3A_388 : vector<1x16xf32> to vector<16xf32>
        %mul3A_390 = arith.mulf %mul3A_385, %get3A_389 : vector<16xf32>
        %add3A_391 = arith.addf %add3A_376, %mul3A_390 : vector<16xf32>
        %get3A_392 = arith.index_cast %add3A_318 : i32 to index
        %get3A_393 = arith.constant 80 : index
        %get3A_394 = tpu.vector_load %arg11[%get3A_392, %get3A_393] {strides = array<i32>} : memref<64x128xf32, #tpu.memory_space<vmem>>, vector<1x16xf32>,
        %get3A_395 = vector.shape_cast %get3A_394 : vector<1x16xf32> to vector<16xf32>
        %get3A_396 = arith.index_cast %add3A_318 : i32 to index
        %get3A_397 = arith.constant 80 : index
        %get3A_398 = tpu.vector_load %arg12[%get3A_396, %get3A_397] {strides = array<i32>} : memref<64x128xf32, #tpu.memory_space<vmem>>, vector<1x16xf32>,
        %get3A_399 = vector.shape_cast %get3A_398 : vector<1x16xf32> to vector<16xf32>
        %mul3A_400 = arith.mulf %get3A_395, %get3A_399 : vector<16xf32>
        %get3A_401 = arith.index_cast %add3A_318 : i32 to index
        %get3A_402 = arith.constant 80 : index
        %get3A_403 = tpu.vector_load %arg13[%get3A_401, %get3A_402] {strides = array<i32>} : memref<64x128xf32, #tpu.memory_space<vmem>>, vector<1x16xf32>,
        %get3A_404 = vector.shape_cast %get3A_403 : vector<1x16xf32> to vector<16xf32>
        %mul3A_405 = arith.mulf %mul3A_400, %get3A_404 : vector<16xf32>
        %add3A_406 = arith.addf %add3A_391, %mul3A_405 : vector<16xf32>
        %get3A_407 = arith.index_cast %add3A_318 : i32 to index
        %get3A_408 = arith.constant 96 : index
        %get3A_409 = tpu.vector_load %arg11[%get3A_407, %get3A_408] {strides = array<i32>} : memref<64x128xf32, #tpu.memory_space<vmem>>, vector<1x16xf32>,
        %get3A_410 = vector.shape_cast %get3A_409 : vector<1x16xf32> to vector<16xf32>
        %get3A_411 = arith.index_cast %add3A_318 : i32 to index
        %get3A_412 = arith.constant 96 : index
        %get3A_413 = tpu.vector_load %arg12[%get3A_411, %get3A_412] {strides = array<i32>} : memref<64x128xf32, #tpu.memory_space<vmem>>, vector<1x16xf32>,
        %get3A_414 = vector.shape_cast %get3A_413 : vector<1x16xf32> to vector<16xf32>
        %mul3A_415 = arith.mulf %get3A_410, %get3A_414 : vector<16xf32>
        %get3A_416 = arith.index_cast %add3A_318 : i32 to index
        %get3A_417 = arith.constant 96 : index
        %get3A_418 = tpu.vector_load %arg13[%get3A_416, %get3A_417] {strides = array<i32>} : memref<64x128xf32, #tpu.memory_space<vmem>>, vector<1x16xf32>,
        %get3A_419 = vector.shape_cast %get3A_418 : vector<1x16xf32> to vector<16xf32>
        %mul3A_420 = arith.mulf %mul3A_415, %get3A_419 : vector<16xf32>
        %add3A_421 = arith.addf %add3A_406, %mul3A_420 : vector<16xf32>
        %get3A_422 = arith.index_cast %add3A_318 : i32 to index
        %get3A_423 = arith.constant 112 : index
        %get3A_424 = tpu.vector_load %arg11[%get3A_422, %get3A_423] {strides = array<i32>} : memref<64x128xf32, #tpu.memory_space<vmem>>, vector<1x16xf32>,
        %get3A_425 = vector.shape_cast %get3A_424 : vector<1x16xf32> to vector<16xf32>
        %get3A_426 = arith.index_cast %add3A_318 : i32 to index
        %get3A_427 = arith.constant 112 : index
        %get3A_428 = tpu.vector_load %arg12[%get3A_426, %get3A_427] {strides = array<i32>} : memref<64x128xf32, #tpu.memory_space<vmem>>, vector<1x16xf32>,
        %get3A_429 = vector.shape_cast %get3A_428 : vector<1x16xf32> to vector<16xf32>
        %mul3A_430 = arith.mulf %get3A_425, %get3A_429 : vector<16xf32>
        %get3A_431 = arith.index_cast %add3A_318 : i32 to index
        %get3A_432 = arith.constant 112 : index
        %get3A_433 = tpu.vector_load %arg13[%get3A_431, %get3A_432] {strides = array<i32>} : memref<64x128xf32, #tpu.memory_space<vmem>>, vector<1x16xf32>,
        %get3A_434 = vector.shape_cast %get3A_433 : vector<1x16xf32> to vector<16xf32>
        %mul3A_435 = arith.mulf %mul3A_430, %get3A_434 : vector<16xf32>
        %add3A_436 = arith.addf %add3A_421, %mul3A_435 : vector<16xf32>
        %lt3A = arith.constant 0 : i32
        %lt3A_437 = vector.broadcast %lt3A : i32 to vector<16xi32>
        %lt3A_438 = arith.cmpi slt, %xor3A_4, %lt3A_437 : vector<16xi32>
        %add3A_439 = arith.constant 16 : i32
        %add3A_440 = vector.broadcast %add3A_439 : i32 to vector<16xi32>
        %add3A_441 = arith.addi %xor3A_4, %add3A_440 : vector<16xi32>
        %select_n3A = arith.select %lt3A_438, %add3A_441, %xor3A_4 : vector<16xi1>, vector<16xi32>
        %broadcast_in_dim3A_442 = vector.shape_cast %select_n3A : vector<16xi32> to vector<16x1xi32>
        %gather3A = vector.shape_cast %broadcast_in_dim3A_442 : vector<16x1xi32> to vector<16xi32>
        %gather3A_443 = tpu.dynamic_gather %add3A_436[%gather3A] in [0] : vector<16xf32>, vector<16xi32> -> vector<16xf32>
        %add3A_444 = arith.addf %add3A_436, %gather3A_443 : vector<16xf32>
        %lt3A_445 = arith.constant 0 : i32
        %lt3A_446 = vector.broadcast %lt3A_445 : i32 to vector<16xi32>
        %lt3A_447 = arith.cmpi slt, %xor3A_7, %lt3A_446 : vector<16xi32>
        %add3A_448 = arith.constant 16 : i32
        %add3A_449 = vector.broadcast %add3A_448 : i32 to vector<16xi32>
        %add3A_450 = arith.addi %xor3A_7, %add3A_449 : vector<16xi32>
        %select_n3A_451 = arith.select %lt3A_447, %add3A_450, %xor3A_7 : vector<16xi1>, vector<16xi32>
        %broadcast_in_dim3A_452 = vector.shape_cast %select_n3A_451 : vector<16xi32> to vector<16x1xi32>
        %gather3A_453 = vector.shape_cast %broadcast_in_dim3A_452 : vector<16x1xi32> to vector<16xi32>
        %gather3A_454 = tpu.dynamic_gather %add3A_444[%gather3A_453] in [0] : vector<16xf32>, vector<16xi32> -> vector<16xf32>
        %add3A_455 = arith.addf %add3A_444, %gather3A_454 : vector<16xf32>
        %lt3A_456 = arith.constant 0 : i32
        %lt3A_457 = vector.broadcast %lt3A_456 : i32 to vector<16xi32>
        %lt3A_458 = arith.cmpi slt, %xor3A_10, %lt3A_457 : vector<16xi32>
        %add3A_459 = arith.constant 16 : i32
        %add3A_460 = vector.broadcast %add3A_459 : i32 to vector<16xi32>
        %add3A_461 = arith.addi %xor3A_10, %add3A_460 : vector<16xi32>
        %select_n3A_462 = arith.select %lt3A_458, %add3A_461, %xor3A_10 : vector<16xi1>, vector<16xi32>
        %broadcast_in_dim3A_463 = vector.shape_cast %select_n3A_462 : vector<16xi32> to vector<16x1xi32>
        %gather3A_464 = vector.shape_cast %broadcast_in_dim3A_463 : vector<16x1xi32> to vector<16xi32>
        %gather3A_465 = tpu.dynamic_gather %add3A_455[%gather3A_464] in [0] : vector<16xf32>, vector<16xi32> -> vector<16xf32>
        %add3A_466 = arith.addf %add3A_455, %gather3A_465 : vector<16xf32>
        %lt3A_467 = arith.constant 0 : i32
        %lt3A_468 = vector.broadcast %lt3A_467 : i32 to vector<16xi32>
        %lt3A_469 = arith.cmpi slt, %xor3A_13, %lt3A_468 : vector<16xi32>
        %add3A_470 = arith.constant 16 : i32
        %add3A_471 = vector.broadcast %add3A_470 : i32 to vector<16xi32>
        %add3A_472 = arith.addi %xor3A_13, %add3A_471 : vector<16xi32>
        %select_n3A_473 = arith.select %lt3A_469, %add3A_472, %xor3A_13 : vector<16xi1>, vector<16xi32>
        %broadcast_in_dim3A_474 = vector.shape_cast %select_n3A_473 : vector<16xi32> to vector<16x1xi32>
        %gather3A_475 = vector.shape_cast %broadcast_in_dim3A_474 : vector<16x1xi32> to vector<16xi32>
        %gather3A_476 = tpu.dynamic_gather %add3A_466[%gather3A_475] in [0] : vector<16xf32>, vector<16xi32> -> vector<16xf32>
        %add3A_477 = arith.addf %add3A_466, %gather3A_476 : vector<16xf32>
        %eq3A = vector.broadcast %scan3A_314 : i32 to vector<16xi32>
        %eq3A_478 = arith.cmpi eq, %iota3A, %eq3A : vector<16xi32>
        %select_n3A_479 = arith.select %eq3A_478, %add3A_477, %scan3A_315 : vector<16xi1>, vector<16xf32>
        scf.yield %select_n3A_479 : vector<16xf32>
      }
      %scan3A_306 = arith.constant 16 : i32
      %mul3A_307 = arith.constant 16 : i32
      %mul3A_308 = arith.muli %scan3A_299, %mul3A_307 : i32
      %add3A_309 = arith.constant 384 : i32
      %add3A_310 = arith.addi %add3A_309, %mul3A_308 : i32
      %swap3A = arith.index_cast %add3A_310 : i32 to index
      %swap3A_311 = tpu.vector_load %arg17[%swap3A] {strides = array<i32>} : memref<512xf32, #tpu.memory_space<vmem>>, vector<16xf32>,
      %swap3A_312 = vector.shape_cast %swap3A_311 : vector<16xf32> to vector<16xf32>
      %swap3A_313 = vector.shape_cast %scan3A_305 : vector<16xf32> to vector<16xf32>
      tpu.vector_store %arg17[%swap3A], %swap3A_313 {strides = array<i32>} : memref<512xf32, #tpu.memory_space<vmem>>, vector<16xf32>,
    }
    %scan3A_277 = arith.constant 4 : i32
    %dma_wait3A_278 = arith.constant 448 : i32
    %dma_wait3A_279 = tpu.memref_slice %arg8[%dma_wait3A_278] : memref<512xi32, #tpu.memory_space<vmem>> -> memref<64xi32, #tpu.memory_space<vmem>>
    %dma_wait3A_280 = arith.constant 0 : i32
    %dma_wait3A_281 = arith.constant 0 : i32
    %dma_wait3A_282 = tpu.memref_slice %arg5[%dma_wait3A_280, %dma_wait3A_281] : memref<100000x128xf32, #tpu.memory_space<hbm>> -> memref<100000x128xf32, #tpu.memory_space<hbm>>
    tpu.wait_indirect_dma semaphore(%arg19 : memref<!tpu.dma_semaphore, #tpu.memory_space<semaphore_mem>>) src(%dma_wait3A_282 : memref<100000x128xf32, #tpu.memory_space<hbm>>) dst(%arg14 : memref<64x128xf32, #tpu.memory_space<vmem>>)
    %dma_wait3A_283 = arith.constant 448 : i32
    %dma_wait3A_284 = tpu.memref_slice %arg9[%dma_wait3A_283] : memref<512xi32, #tpu.memory_space<vmem>> -> memref<64xi32, #tpu.memory_space<vmem>>
    %dma_wait3A_285 = arith.constant 0 : i32
    %dma_wait3A_286 = arith.constant 0 : i32
    %dma_wait3A_287 = tpu.memref_slice %arg6[%dma_wait3A_285, %dma_wait3A_286] : memref<1000x128xf32, #tpu.memory_space<hbm>> -> memref<1000x128xf32, #tpu.memory_space<hbm>>
    tpu.wait_indirect_dma semaphore(%arg19 : memref<!tpu.dma_semaphore, #tpu.memory_space<semaphore_mem>>) src(%dma_wait3A_287 : memref<1000x128xf32, #tpu.memory_space<hbm>>) dst(%arg15 : memref<64x128xf32, #tpu.memory_space<vmem>>)
    %dma_wait3A_288 = arith.constant 448 : i32
    %dma_wait3A_289 = tpu.memref_slice %arg10[%dma_wait3A_288] : memref<512xi32, #tpu.memory_space<vmem>> -> memref<64xi32, #tpu.memory_space<vmem>>
    %dma_wait3A_290 = arith.constant 0 : i32
    %dma_wait3A_291 = arith.constant 0 : i32
    %dma_wait3A_292 = tpu.memref_slice %arg5[%dma_wait3A_290, %dma_wait3A_291] : memref<100000x128xf32, #tpu.memory_space<hbm>> -> memref<100000x128xf32, #tpu.memory_space<hbm>>
    tpu.wait_indirect_dma semaphore(%arg19 : memref<!tpu.dma_semaphore, #tpu.memory_space<semaphore_mem>>) src(%dma_wait3A_292 : memref<100000x128xf32, #tpu.memory_space<hbm>>) dst(%arg16 : memref<64x128xf32, #tpu.memory_space<vmem>>)
    %scan3A_293 = arith.constant 0 : i32
    %scan3A_294 = arith.constant 0 : i32
    %scan3A_295 = arith.constant 4 : i32
    %scan3A_296 = arith.addi %scan3A_294, %scan3A_295 : i32
    %scan3A_297 = arith.constant 1 : i32
    scf.for %scan3A_299 = %scan3A_294 to %scan3A_296 step %scan3A_297  : i32 {
      %broadcast_in_dim3A = arith.constant 0.000000e+00 : f32
      %broadcast_in_dim3A_300 = vector.broadcast %broadcast_in_dim3A : f32 to vector<16xf32>
      %scan3A_301 = arith.constant 0 : i32
      %scan3A_302 = arith.constant 16 : i32
      %scan3A_303 = arith.addi %scan3A_301, %scan3A_302 : i32
      %scan3A_304 = arith.constant 1 : i32
      %scan3A_305 = scf.for %scan3A_314 = %scan3A_301 to %scan3A_303 step %scan3A_304 iter_args(%scan3A_315 = %broadcast_in_dim3A_300) -> (vector<16xf32>)  : i32 {
        %mul3A_316 = arith.constant 16 : i32
        %mul3A_317 = arith.muli %scan3A_299, %mul3A_316 : i32
        %add3A_318 = arith.addi %mul3A_317, %scan3A_314 : i32
        %get3A = arith.index_cast %add3A_318 : i32 to index
        %get3A_319 = arith.constant 0 : index
        %get3A_320 = tpu.vector_load %arg14[%get3A, %get3A_319] {strides = array<i32>} : memref<64x128xf32, #tpu.memory_space<vmem>>, vector<1x16xf32>,
        %get3A_321 = vector.shape_cast %get3A_320 : vector<1x16xf32> to vector<16xf32>
        %get3A_322 = arith.index_cast %add3A_318 : i32 to index
        %get3A_323 = arith.constant 0 : index
        %get3A_324 = tpu.vector_load %arg15[%get3A_322, %get3A_323] {strides = array<i32>} : memref<64x128xf32, #tpu.memory_space<vmem>>, vector<1x16xf32>,
        %get3A_325 = vector.shape_cast %get3A_324 : vector<1x16xf32> to vector<16xf32>
        %mul3A_326 = arith.mulf %get3A_321, %get3A_325 : vector<16xf32>
        %get3A_327 = arith.index_cast %add3A_318 : i32 to index
        %get3A_328 = arith.constant 0 : index
        %get3A_329 = tpu.vector_load %arg16[%get3A_327, %get3A_328] {strides = array<i32>} : memref<64x128xf32, #tpu.memory_space<vmem>>, vector<1x16xf32>,
        %get3A_330 = vector.shape_cast %get3A_329 : vector<1x16xf32> to vector<16xf32>
        %mul3A_331 = arith.mulf %mul3A_326, %get3A_330 : vector<16xf32>
        %get3A_332 = arith.index_cast %add3A_318 : i32 to index
        %get3A_333 = arith.constant 16 : index
        %get3A_334 = tpu.vector_load %arg14[%get3A_332, %get3A_333] {strides = array<i32>} : memref<64x128xf32, #tpu.memory_space<vmem>>, vector<1x16xf32>,
        %get3A_335 = vector.shape_cast %get3A_334 : vector<1x16xf32> to vector<16xf32>
        %get3A_336 = arith.index_cast %add3A_318 : i32 to index
        %get3A_337 = arith.constant 16 : index
        %get3A_338 = tpu.vector_load %arg15[%get3A_336, %get3A_337] {strides = array<i32>} : memref<64x128xf32, #tpu.memory_space<vmem>>, vector<1x16xf32>,
        %get3A_339 = vector.shape_cast %get3A_338 : vector<1x16xf32> to vector<16xf32>
        %mul3A_340 = arith.mulf %get3A_335, %get3A_339 : vector<16xf32>
        %get3A_341 = arith.index_cast %add3A_318 : i32 to index
        %get3A_342 = arith.constant 16 : index
        %get3A_343 = tpu.vector_load %arg16[%get3A_341, %get3A_342] {strides = array<i32>} : memref<64x128xf32, #tpu.memory_space<vmem>>, vector<1x16xf32>,
        %get3A_344 = vector.shape_cast %get3A_343 : vector<1x16xf32> to vector<16xf32>
        %mul3A_345 = arith.mulf %mul3A_340, %get3A_344 : vector<16xf32>
        %add3A_346 = arith.addf %mul3A_331, %mul3A_345 : vector<16xf32>
        %get3A_347 = arith.index_cast %add3A_318 : i32 to index
        %get3A_348 = arith.constant 32 : index
        %get3A_349 = tpu.vector_load %arg14[%get3A_347, %get3A_348] {strides = array<i32>} : memref<64x128xf32, #tpu.memory_space<vmem>>, vector<1x16xf32>,
        %get3A_350 = vector.shape_cast %get3A_349 : vector<1x16xf32> to vector<16xf32>
        %get3A_351 = arith.index_cast %add3A_318 : i32 to index
        %get3A_352 = arith.constant 32 : index
        %get3A_353 = tpu.vector_load %arg15[%get3A_351, %get3A_352] {strides = array<i32>} : memref<64x128xf32, #tpu.memory_space<vmem>>, vector<1x16xf32>,
        %get3A_354 = vector.shape_cast %get3A_353 : vector<1x16xf32> to vector<16xf32>
        %mul3A_355 = arith.mulf %get3A_350, %get3A_354 : vector<16xf32>
        %get3A_356 = arith.index_cast %add3A_318 : i32 to index
        %get3A_357 = arith.constant 32 : index
        %get3A_358 = tpu.vector_load %arg16[%get3A_356, %get3A_357] {strides = array<i32>} : memref<64x128xf32, #tpu.memory_space<vmem>>, vector<1x16xf32>,
        %get3A_359 = vector.shape_cast %get3A_358 : vector<1x16xf32> to vector<16xf32>
        %mul3A_360 = arith.mulf %mul3A_355, %get3A_359 : vector<16xf32>
        %add3A_361 = arith.addf %add3A_346, %mul3A_360 : vector<16xf32>
        %get3A_362 = arith.index_cast %add3A_318 : i32 to index
        %get3A_363 = arith.constant 48 : index
        %get3A_364 = tpu.vector_load %arg14[%get3A_362, %get3A_363] {strides = array<i32>} : memref<64x128xf32, #tpu.memory_space<vmem>>, vector<1x16xf32>,
        %get3A_365 = vector.shape_cast %get3A_364 : vector<1x16xf32> to vector<16xf32>
        %get3A_366 = arith.index_cast %add3A_318 : i32 to index
        %get3A_367 = arith.constant 48 : index
        %get3A_368 = tpu.vector_load %arg15[%get3A_366, %get3A_367] {strides = array<i32>} : memref<64x128xf32, #tpu.memory_space<vmem>>, vector<1x16xf32>,
        %get3A_369 = vector.shape_cast %get3A_368 : vector<1x16xf32> to vector<16xf32>
        %mul3A_370 = arith.mulf %get3A_365, %get3A_369 : vector<16xf32>
        %get3A_371 = arith.index_cast %add3A_318 : i32 to index
        %get3A_372 = arith.constant 48 : index
        %get3A_373 = tpu.vector_load %arg16[%get3A_371, %get3A_372] {strides = array<i32>} : memref<64x128xf32, #tpu.memory_space<vmem>>, vector<1x16xf32>,
        %get3A_374 = vector.shape_cast %get3A_373 : vector<1x16xf32> to vector<16xf32>
        %mul3A_375 = arith.mulf %mul3A_370, %get3A_374 : vector<16xf32>
        %add3A_376 = arith.addf %add3A_361, %mul3A_375 : vector<16xf32>
        %get3A_377 = arith.index_cast %add3A_318 : i32 to index
        %get3A_378 = arith.constant 64 : index
        %get3A_379 = tpu.vector_load %arg14[%get3A_377, %get3A_378] {strides = array<i32>} : memref<64x128xf32, #tpu.memory_space<vmem>>, vector<1x16xf32>,
        %get3A_380 = vector.shape_cast %get3A_379 : vector<1x16xf32> to vector<16xf32>
        %get3A_381 = arith.index_cast %add3A_318 : i32 to index
        %get3A_382 = arith.constant 64 : index
        %get3A_383 = tpu.vector_load %arg15[%get3A_381, %get3A_382] {strides = array<i32>} : memref<64x128xf32, #tpu.memory_space<vmem>>, vector<1x16xf32>,
        %get3A_384 = vector.shape_cast %get3A_383 : vector<1x16xf32> to vector<16xf32>
        %mul3A_385 = arith.mulf %get3A_380, %get3A_384 : vector<16xf32>
        %get3A_386 = arith.index_cast %add3A_318 : i32 to index
        %get3A_387 = arith.constant 64 : index
        %get3A_388 = tpu.vector_load %arg16[%get3A_386, %get3A_387] {strides = array<i32>} : memref<64x128xf32, #tpu.memory_space<vmem>>, vector<1x16xf32>,
        %get3A_389 = vector.shape_cast %get3A_388 : vector<1x16xf32> to vector<16xf32>
        %mul3A_390 = arith.mulf %mul3A_385, %get3A_389 : vector<16xf32>
        %add3A_391 = arith.addf %add3A_376, %mul3A_390 : vector<16xf32>
        %get3A_392 = arith.index_cast %add3A_318 : i32 to index
        %get3A_393 = arith.constant 80 : index
        %get3A_394 = tpu.vector_load %arg14[%get3A_392, %get3A_393] {strides = array<i32>} : memref<64x128xf32, #tpu.memory_space<vmem>>, vector<1x16xf32>,
        %get3A_395 = vector.shape_cast %get3A_394 : vector<1x16xf32> to vector<16xf32>
        %get3A_396 = arith.index_cast %add3A_318 : i32 to index
        %get3A_397 = arith.constant 80 : index
        %get3A_398 = tpu.vector_load %arg15[%get3A_396, %get3A_397] {strides = array<i32>} : memref<64x128xf32, #tpu.memory_space<vmem>>, vector<1x16xf32>,
        %get3A_399 = vector.shape_cast %get3A_398 : vector<1x16xf32> to vector<16xf32>
        %mul3A_400 = arith.mulf %get3A_395, %get3A_399 : vector<16xf32>
        %get3A_401 = arith.index_cast %add3A_318 : i32 to index
        %get3A_402 = arith.constant 80 : index
        %get3A_403 = tpu.vector_load %arg16[%get3A_401, %get3A_402] {strides = array<i32>} : memref<64x128xf32, #tpu.memory_space<vmem>>, vector<1x16xf32>,
        %get3A_404 = vector.shape_cast %get3A_403 : vector<1x16xf32> to vector<16xf32>
        %mul3A_405 = arith.mulf %mul3A_400, %get3A_404 : vector<16xf32>
        %add3A_406 = arith.addf %add3A_391, %mul3A_405 : vector<16xf32>
        %get3A_407 = arith.index_cast %add3A_318 : i32 to index
        %get3A_408 = arith.constant 96 : index
        %get3A_409 = tpu.vector_load %arg14[%get3A_407, %get3A_408] {strides = array<i32>} : memref<64x128xf32, #tpu.memory_space<vmem>>, vector<1x16xf32>,
        %get3A_410 = vector.shape_cast %get3A_409 : vector<1x16xf32> to vector<16xf32>
        %get3A_411 = arith.index_cast %add3A_318 : i32 to index
        %get3A_412 = arith.constant 96 : index
        %get3A_413 = tpu.vector_load %arg15[%get3A_411, %get3A_412] {strides = array<i32>} : memref<64x128xf32, #tpu.memory_space<vmem>>, vector<1x16xf32>,
        %get3A_414 = vector.shape_cast %get3A_413 : vector<1x16xf32> to vector<16xf32>
        %mul3A_415 = arith.mulf %get3A_410, %get3A_414 : vector<16xf32>
        %get3A_416 = arith.index_cast %add3A_318 : i32 to index
        %get3A_417 = arith.constant 96 : index
        %get3A_418 = tpu.vector_load %arg16[%get3A_416, %get3A_417] {strides = array<i32>} : memref<64x128xf32, #tpu.memory_space<vmem>>, vector<1x16xf32>,
        %get3A_419 = vector.shape_cast %get3A_418 : vector<1x16xf32> to vector<16xf32>
        %mul3A_420 = arith.mulf %mul3A_415, %get3A_419 : vector<16xf32>
        %add3A_421 = arith.addf %add3A_406, %mul3A_420 : vector<16xf32>
        %get3A_422 = arith.index_cast %add3A_318 : i32 to index
        %get3A_423 = arith.constant 112 : index
        %get3A_424 = tpu.vector_load %arg14[%get3A_422, %get3A_423] {strides = array<i32>} : memref<64x128xf32, #tpu.memory_space<vmem>>, vector<1x16xf32>,
        %get3A_425 = vector.shape_cast %get3A_424 : vector<1x16xf32> to vector<16xf32>
        %get3A_426 = arith.index_cast %add3A_318 : i32 to index
        %get3A_427 = arith.constant 112 : index
        %get3A_428 = tpu.vector_load %arg15[%get3A_426, %get3A_427] {strides = array<i32>} : memref<64x128xf32, #tpu.memory_space<vmem>>, vector<1x16xf32>,
        %get3A_429 = vector.shape_cast %get3A_428 : vector<1x16xf32> to vector<16xf32>
        %mul3A_430 = arith.mulf %get3A_425, %get3A_429 : vector<16xf32>
        %get3A_431 = arith.index_cast %add3A_318 : i32 to index
        %get3A_432 = arith.constant 112 : index
        %get3A_433 = tpu.vector_load %arg16[%get3A_431, %get3A_432] {strides = array<i32>} : memref<64x128xf32, #tpu.memory_space<vmem>>, vector<1x16xf32>,
        %get3A_434 = vector.shape_cast %get3A_433 : vector<1x16xf32> to vector<16xf32>
        %mul3A_435 = arith.mulf %mul3A_430, %get3A_434 : vector<16xf32>
        %add3A_436 = arith.addf %add3A_421, %mul3A_435 : vector<16xf32>
        %lt3A = arith.constant 0 : i32
        %lt3A_437 = vector.broadcast %lt3A : i32 to vector<16xi32>
        %lt3A_438 = arith.cmpi slt, %xor3A_4, %lt3A_437 : vector<16xi32>
        %add3A_439 = arith.constant 16 : i32
        %add3A_440 = vector.broadcast %add3A_439 : i32 to vector<16xi32>
        %add3A_441 = arith.addi %xor3A_4, %add3A_440 : vector<16xi32>
        %select_n3A = arith.select %lt3A_438, %add3A_441, %xor3A_4 : vector<16xi1>, vector<16xi32>
        %broadcast_in_dim3A_442 = vector.shape_cast %select_n3A : vector<16xi32> to vector<16x1xi32>
        %gather3A = vector.shape_cast %broadcast_in_dim3A_442 : vector<16x1xi32> to vector<16xi32>
        %gather3A_443 = tpu.dynamic_gather %add3A_436[%gather3A] in [0] : vector<16xf32>, vector<16xi32> -> vector<16xf32>
        %add3A_444 = arith.addf %add3A_436, %gather3A_443 : vector<16xf32>
        %lt3A_445 = arith.constant 0 : i32
        %lt3A_446 = vector.broadcast %lt3A_445 : i32 to vector<16xi32>
        %lt3A_447 = arith.cmpi slt, %xor3A_7, %lt3A_446 : vector<16xi32>
        %add3A_448 = arith.constant 16 : i32
        %add3A_449 = vector.broadcast %add3A_448 : i32 to vector<16xi32>
        %add3A_450 = arith.addi %xor3A_7, %add3A_449 : vector<16xi32>
        %select_n3A_451 = arith.select %lt3A_447, %add3A_450, %xor3A_7 : vector<16xi1>, vector<16xi32>
        %broadcast_in_dim3A_452 = vector.shape_cast %select_n3A_451 : vector<16xi32> to vector<16x1xi32>
        %gather3A_453 = vector.shape_cast %broadcast_in_dim3A_452 : vector<16x1xi32> to vector<16xi32>
        %gather3A_454 = tpu.dynamic_gather %add3A_444[%gather3A_453] in [0] : vector<16xf32>, vector<16xi32> -> vector<16xf32>
        %add3A_455 = arith.addf %add3A_444, %gather3A_454 : vector<16xf32>
        %lt3A_456 = arith.constant 0 : i32
        %lt3A_457 = vector.broadcast %lt3A_456 : i32 to vector<16xi32>
        %lt3A_458 = arith.cmpi slt, %xor3A_10, %lt3A_457 : vector<16xi32>
        %add3A_459 = arith.constant 16 : i32
        %add3A_460 = vector.broadcast %add3A_459 : i32 to vector<16xi32>
        %add3A_461 = arith.addi %xor3A_10, %add3A_460 : vector<16xi32>
        %select_n3A_462 = arith.select %lt3A_458, %add3A_461, %xor3A_10 : vector<16xi1>, vector<16xi32>
        %broadcast_in_dim3A_463 = vector.shape_cast %select_n3A_462 : vector<16xi32> to vector<16x1xi32>
        %gather3A_464 = vector.shape_cast %broadcast_in_dim3A_463 : vector<16x1xi32> to vector<16xi32>
        %gather3A_465 = tpu.dynamic_gather %add3A_455[%gather3A_464] in [0] : vector<16xf32>, vector<16xi32> -> vector<16xf32>
        %add3A_466 = arith.addf %add3A_455, %gather3A_465 : vector<16xf32>
        %lt3A_467 = arith.constant 0 : i32
        %lt3A_468 = vector.broadcast %lt3A_467 : i32 to vector<16xi32>
        %lt3A_469 = arith.cmpi slt, %xor3A_13, %lt3A_468 : vector<16xi32>
        %add3A_470 = arith.constant 16 : i32
        %add3A_471 = vector.broadcast %add3A_470 : i32 to vector<16xi32>
        %add3A_472 = arith.addi %xor3A_13, %add3A_471 : vector<16xi32>
        %select_n3A_473 = arith.select %lt3A_469, %add3A_472, %xor3A_13 : vector<16xi1>, vector<16xi32>
        %broadcast_in_dim3A_474 = vector.shape_cast %select_n3A_473 : vector<16xi32> to vector<16x1xi32>
        %gather3A_475 = vector.shape_cast %broadcast_in_dim3A_474 : vector<16x1xi32> to vector<16xi32>
        %gather3A_476 = tpu.dynamic_gather %add3A_466[%gather3A_475] in [0] : vector<16xf32>, vector<16xi32> -> vector<16xf32>
        %add3A_477 = arith.addf %add3A_466, %gather3A_476 : vector<16xf32>
        %eq3A = vector.broadcast %scan3A_314 : i32 to vector<16xi32>
        %eq3A_478 = arith.cmpi eq, %iota3A, %eq3A : vector<16xi32>
        %select_n3A_479 = arith.select %eq3A_478, %add3A_477, %scan3A_315 : vector<16xi1>, vector<16xf32>
        scf.yield %select_n3A_479 : vector<16xf32>
      }
      %scan3A_306 = arith.constant 16 : i32
      %mul3A_307 = arith.constant 16 : i32
      %mul3A_308 = arith.muli %scan3A_299, %mul3A_307 : i32
      %add3A_309 = arith.constant 448 : i32
      %add3A_310 = arith.addi %add3A_309, %mul3A_308 : i32
      %swap3A = arith.index_cast %add3A_310 : i32 to index
      %swap3A_311 = tpu.vector_load %arg17[%swap3A] {strides = array<i32>} : memref<512xf32, #tpu.memory_space<vmem>>, vector<16xf32>,
      %swap3A_312 = vector.shape_cast %swap3A_311 : vector<16xf32> to vector<16xf32>
      %swap3A_313 = vector.shape_cast %scan3A_305 : vector<16xf32> to vector<16xf32>
      tpu.vector_store %arg17[%swap3A], %swap3A_313 {strides = array<i32>} : memref<512xf32, #tpu.memory_space<vmem>>, vector<16xf32>,
    }
    %scan3A_298 = arith.constant 4 : i32
    "tpu.region"() ({
      %run_scoped3A = tpu.sem_alloc : memref<!tpu.dma_semaphore, #tpu.memory_space<semaphore_mem>>
      %dma_start3A_299 = tpu.memref_slice %arg7[%mul3A_2] : memref<16384xf32, #tpu.memory_space<hbm>> -> memref<512xf32, #tpu.memory_space<hbm>>
      %dma_start3A_300 = tpu.memref_slice %arg7[%mul3A_2] : memref<16384xf32, #tpu.memory_space<hbm>> -> memref<512xf32, #tpu.memory_space<hbm>>
      tpu.enqueue_dma source(%arg17 : memref<512xf32, #tpu.memory_space<vmem>>) target(%dma_start3A_300 : memref<512xf32, #tpu.memory_space<hbm>>) target_semaphore(%run_scoped3A : memref<!tpu.dma_semaphore, #tpu.memory_space<semaphore_mem>>)
      %dma_wait3A_301 = tpu.memref_slice %arg7[%mul3A_2] : memref<16384xf32, #tpu.memory_space<hbm>> -> memref<512xf32, #tpu.memory_space<hbm>>
      %dma_wait3A_302 = tpu.memref_slice %arg7[%mul3A_2] : memref<16384xf32, #tpu.memory_space<hbm>> -> memref<512xf32, #tpu.memory_space<hbm>>
      tpu.wait_dma2 semaphore(%run_scoped3A : memref<!tpu.dma_semaphore, #tpu.memory_space<semaphore_mem>>) src(%arg17 : memref<512xf32, #tpu.memory_space<vmem>>) dst(%dma_wait3A_302 : memref<512xf32, #tpu.memory_space<hbm>>)
      tpu.yield
    }) : () -> ()
    return
  }
}

</mosaic_0001>

<sc_bundles>
// kernel: kernel.3.cloned.1.call-start
scs
__scs_entry_jumppad:
0x0: {  	(pc) =	sbr.rel $0x88, $3  }
0x1: {  	(tag) =	ssettag $0x0;
	lr =	simm.s32 $0x1  }
0x2: {  	[smem:$0x3F9E] =	sst lr;
	_ =	strace $0xD0000000  }
0x3: {  	_ = 	snop  }
0x4: {  	_ = 	snop  }
0x5: {  	_ = 	snop  }
0x6: {  	_ = 	snop  }
0x7: {  	_ = 	snop  }
__scs_overlays_trampoline_lowered:
0x8: {  	[smem:$0x3FAD] =	sst s0  }
0x9: {  	[smem:$0x3FAE] =	sst s1  }
0xa: {  	[smem:$0x3FAF] =	sst s2  }
0xb: {  	[smem:$0x3FB0] =	sst s3  }
0xc: {  	[smem:$0x3FB1] =	sst s4  }
0xd: {  	[smem:$0x3FB2] =	sst s5  }
0xe: {  	[smem:$0x3FB3] =	sst s6  }
0xf: {  	[smem:$0x3FB4] =	sst s7  }
0x10: {  	[smem:$0x3FB5] =	sst s8  }
0x11: {  	[smem:$0x3FB6] =	sst s9;
	s0 =	simm.s32 @!p0 $0x0  }
0x12: {  	s1 =	sld [smem:$0x3F9C];
	s0 =	simm.s32 @p0 $0x1  }
0x13: {  	[smem:$0x3FB7] =	sst s0;
	s0 =	simm.s32 @!p1 $0x0  }
0x14: {  	s2 =	sld [smem:$0x3F9B];
	s0 =	simm.s32 @p1 $0x1  }
0x15: {  	[smem:$0x3FB8] =	sst s0;
	s0 =	simm.s32 @!p2 $0x0  }
0x16: {  	s3 =	sld [smem:$0x3FDB];
	s0 =	simm.s32 @p2 $0x1  }
0x17: {  	s4 =	simm.s32 $0x1BF5;
	[smem:$0x3FBA] =	sst s0  }
0x18: {  	s0 =	sld [smem:$0x3F9D];
	_ =	swait.ge [sflag:s4], $0x0  }
0x19: {  	s7 =	sld [smem:$0x3F9E]  }
0x1a: {  	s8 =	sadd.s32 $0xFFFFE003, lr  }
0x1b: {  	s9 =	sadd.s32 $0xFFFFFEF7, lr;
	s5 =	simm.s32 $0xFFFFFFFF;
	p2 =	slt.u32 s8, $0xFFFFF086  }
0x1c: {  	p1 =	slt.u32 s9, $0xF7A;
	s5 =	simm.s32 @!p2 $0x0  }
0x1d: {  	s5 =	simm.s32 @p1 $0x1;
	p0 =	seq.s32 s7, s2  }
0x1e: {  	s7 =	smul.u32 @!p0 $0xF7A, s2;
	p2 =	seq.s32 @!p0 s5, $0x0  }
0x1f: {  	s9 =	smul.u32 $0xF7A, s1;
	s8 =	simm.s32 @!p0 $0x1BF5;
	p2 =	por !p2, p0  }
0x20: {  	[sflag:s8] =	ssyncset.s32 @!p0 $0xFFFFF086;
	s6 =	sadd.s32 @!p0 s3, s7;
	s7 =	simm.s32 @!p0 $0x108  }
0x21: {  	s3 =	sadd.s32 s3, s9;
	s6 =	sadd.s32 @!p0 $0x88, s6;
	s7 =	simm.s32 @p2 $0x1082  }
0x22: {  	[simem:s7], [sflag:s8] =	dma.local @!p0 [hbm:s6], $0xF7A  }
0x23: {  	s9 =	sor.u32 $0xD0000000, s2;
	s6 =	simm.s32 $0x108;
	_ =	swait.ge @!p0 [sflag:s8], $0x0  }
0x24: {  	s3 =	sadd.s32 $0x88, s3;
	s6 =	simm.s32 @!p1 $0x1082;
	[sflag:s4] =	ssyncset.s32 $0xFFFFF086  }
0x25: {  	[simem:s6], [sflag:s4] =	dma.local [hbm:s3], $0xF7A  }
0x26: {  	[smem:$0x3F9E] =	sst s1;
	(tag) =	ssettag s2;
	_ =	strace s9  }
0x27: {  	s1 =	sld [smem:$0x3FAE]  }
0x28: {  	s2 =	sld [smem:$0x3FAF]  }
0x29: {  	s4 =	sld [smem:$0x3FB1]  }
0x2a: {  	p0 =	seq.s32 s5, $0x0;
	s5 =	sld [smem:$0x3FB2]  }
0x2b: {  	s6 =	sld [smem:$0x3FB3]  }
0x2c: {  	s7 =	sld [smem:$0x3FB4]  }
0x2d: {  	s3 =	simm.s32 $0x108;
	s8 =	sld [smem:$0x3FB5]  }
0x2e: {  	s3 =	simm.s32 @!p0 $0x1082;
	s9 =	sld [smem:$0x3FB6]  }
0x2f: {  	lr =	sadd.s32 s0, s3;
	s0 =	sld [smem:$0x3FAD]  }
0x30: {  	s3 =	sld [smem:$0x3FB0]  }
0x31: {  	[smem:$0x3FB9] =	sst s10  }
0x32: {  	s10 =	sld [smem:$0x3FB7];
	_ =	sdelay $0x3  }
0x33: {  	p0 =	seq.s32 s10, $0x1;
	s10 =	sld [smem:$0x3FB9];
	_ =	sdelay $0x3  }
0x34: {  	[smem:$0x3FB9] =	sst s10  }
0x35: {  	s10 =	sld [smem:$0x3FB8];
	_ =	sdelay $0x3  }
0x36: {  	p1 =	seq.s32 s10, $0x1;
	s10 =	sld [smem:$0x3FB9];
	_ =	sdelay $0x3  }
0x37: {  	[smem:$0x3FB9] =	sst s10  }
0x38: {  	s10 =	sld [smem:$0x3FBA]  }
0x39: {  	_ = 	snop;
	(pc) =	sbr.ind lr, $3  }
0x3a: {  	_ = 	snop  }
0x3b: {  	_ = 	snop  }
0x3c: {  	p2 =	seq.s32 s10, $0x1;
	s10 =	sld [smem:$0x3FB9]  }
0x3d: {  	_ =	shalt  }
0x3e: {  	_ =	shalt  }
0x3f: {  	_ =	shalt  }
0x40: {  	_ =	shalt  }
0x41: {  	_ =	shalt  }
0x42: {  	_ =	shalt  }
0x43: {  	_ =	shalt  }
0x44: {  	_ =	shalt  }
0x45: {  	_ =	shalt  }
0x46: {  	_ =	shalt  }
0x47: {  	_ =	shalt  }
0x48: {  	_ =	shalt  }
0x49: {  	_ =	shalt  }
0x4a: {  	_ =	shalt  }
0x4b: {  	_ =	shalt  }
0x4c: {  	_ =	shalt  }
0x4d: {  	_ =	shalt  }
0x4e: {  	_ =	shalt  }
0x4f: {  	_ =	shalt  }
0x50: {  	_ =	shalt  }
0x51: {  	_ =	shalt  }
0x52: {  	_ =	shalt  }
0x53: {  	_ =	shalt  }
0x54: {  	_ =	shalt  }
0x55: {  	_ =	shalt  }
0x56: {  	_ =	shalt  }
0x57: {  	_ =	shalt  }
0x58: {  	_ =	shalt  }
0x59: {  	_ =	shalt  }
0x5a: {  	_ =	shalt  }
0x5b: {  	_ =	shalt  }
0x5c: {  	_ =	shalt  }
0x5d: {  	_ =	shalt  }
0x5e: {  	_ =	shalt  }
0x5f: {  	_ =	shalt  }
0x60: {  	_ =	shalt  }
0x61: {  	_ =	shalt  }
0x62: {  	_ =	shalt  }
0x63: {  	_ =	shalt  }
0x64: {  	_ =	shalt  }
0x65: {  	_ =	shalt  }
0x66: {  	_ =	shalt  }
0x67: {  	_ =	shalt  }
0x68: {  	_ =	shalt  }
0x69: {  	_ =	shalt  }
0x6a: {  	_ =	shalt  }
0x6b: {  	_ =	shalt  }
0x6c: {  	_ =	shalt  }
0x6d: {  	_ =	shalt  }
0x6e: {  	_ =	shalt  }
0x6f: {  	_ =	shalt  }
0x70: {  	_ =	shalt  }
0x71: {  	_ =	shalt  }
0x72: {  	_ =	shalt  }
0x73: {  	_ =	shalt  }
0x74: {  	_ =	shalt  }
0x75: {  	_ =	shalt  }
0x76: {  	_ =	shalt  }
0x77: {  	_ =	shalt  }
0x78: {  	_ =	shalt  }
0x79: {  	_ =	shalt  }
0x7a: {  	_ =	shalt  }
0x7b: {  	_ =	shalt  }
0x7c: {  	_ =	shalt  }
0x7d: {  	_ =	shalt  }
0x7e: {  	_ =	shalt  }
0x7f: {  	_ =	shalt  }
0x80: {  	_ =	shalt  }
0x81: {  	_ =	shalt  }
0x82: {  	_ =	shalt  }
0x83: {  	_ =	shalt  }
0x84: {  	_ =	shalt  }
0x85: {  	_ =	shalt  }
0x86: {  	_ =	shalt  }
0x87: {  	_ =	shalt  }
.Lfunc_end0:
.L_simem_size_0:
called_computation_lowered:
.L_overlay_start_0:
0x88: {  	s2 =	sld [smem:$0x3FD9]  }
0x89: {  	s3 =	sld [smem:$0x3FFE];
	_ =	sdelay $0x1  }
0x8a: {  	s1 =	srdreg.scid  }
0x8b: {  	s0 =	sand.u32 $0x1, s1  }
0x8c: {  	s17 =	sshll.u32 s0, $0xA;
	s2 =	sadd.s32 s3, s2  }
0x8d: {  	s2 =	sadd.s32 s2, s17  }
0x8e: {  	[smem:$0x3FC5] =	sst s2  }
0x8f: {  	_ = 	snop  }
0x90: {  	s2 =	sld [smem:$0x3FC8]  }
0x91: {  	s18 =	sld [smem:$0x3FC7]  }
0x92: {  	s4 =	sld [smem:$0x3FD0];
	(tm) =	ssettm $0x1  }
0x93: {  	s5 =	sld [smem:$0x3FFB];
	_ =	sdelay $0x3  }
0x94: {  	_ =	strace s5  }
0x95: {  	s5 =	sld [smem:$0x3FFC];
	_ =	sdelay $0x3  }
0x96: {  	_ =	strace s5  }
0x97: {  	s5 =	sld [smem:$0x3FFD];
	_ =	sdelay $0x3  }
0x98: {  	_ =	strace s5  }
0x99: {  	_ =	strace $0x8FFFFFFF  }
0x9a: {  	s19 =	sld [smem:$0x3FDB];
	_ =	sdelay $0x1  }
0x9b: {  	s6 =	simm.s32 $_scs_section_size  }
0x9c: {  	s7 =	simm.s32 $_size__tile_overlayer_lowered;
	s8 =	simm.s32 $_tile_overlayer_lowered  }
0x9d: {  	s22 =	simm.s32 $0x1BFF;
	s21 =	sshll.u32 s8, $0x1;
	s5 =	sadd.s32 s6, s19  }
0x9e: {  	s9 =	simm.s32 $0x0;
	s20 =	sshll.u32 s7, $0x1;
	s7 =	sadd.s32 s21, s5  }
0x9f: {  	[timem:s9], [sflag:s22] =	dma.local [hbm:s7], s20  }
0xa0: {  	_ =	swait.ge [sflag:s22], s20  }
0xa1: {  	s6 =	ssub.s32 $0x0, s20;
	[sflag:s22] =	ssyncset.done $0x0  }
0xa2: {  	[sflag:s22] =	ssyncadd.s32 s6;
	_ =	sdelay $0x1  }
0xa3: {  	s23 =	simm.s32 $0x1B8B  }
0xa4: {  	_ =	swait.ge [sflag:s23], $0x1  }
0xa5: {  	[sflag:s23] =	ssyncset.done $0x0  }
0xa6: {  	s25 =	simm.s32 $0x1B8E;
	s24 =	sld [smem:$0x3FFE];
	[sflag:s23] =	ssyncadd.s32 $0xFFFFFFFF  }
0xa7: {  	s26 =	simm.s32 $execute0_lowered;
	[smem:$0x3FD2] =	sst s25  }
0xa8: {  	s7 =	sshll.u32 s26, $0x1;
	_ =	strace $0x80000046;
	[dreg:$0x1] =	wrdreg $0xFFFFFFFF  }
0xa9: {  	s28 =	simm.s32 $_size_execute0_lowered;
	s5 =	sadd.s32 s5, s7;
	[dreg:$0x0] =	wrdreg $0x0  }
0xaa: {  	s7 =	sshll.u32 s28, $0x1;
	[dreg:$0x2] =	wrdreg s5  }
0xab: {  	[dreg:$0x3] =	wrdreg s7  }
0xac: {  	[dreg:$0x4] =	wrdreg $0xC0  }
0xad: {  	_ =	task [dreg:s9], $0x5FFFF  }
0xae: {  	[dreg:$0x1] =	wrdreg $0xFFFFFFFF  }
0xaf: {  	[dreg:$0x0] =	wrdreg $0x60  }
0xb0: {  	[dreg:$0x2] =	wrdreg s24  }
0xb1: {  	[dreg:$0x3] =	wrdreg s2  }
0xb2: {  	[dreg:$0x4] =	wrdreg s18  }
0xb3: {  	[dreg:$0x5] =	wrdreg s4  }
0xb4: {  	[dreg:$0x6] =	wrdreg $0x9  }
0xb5: {  	_ =	task.clear_ibuf [dreg:s9], $0x7FFFF;
	_ =	strace $0x90000046  }
0xb6: {  	s29 =	simm.s32 $0x9;
	_ =	strace $0x80000048  }
0xb7: {  	_ =	swait.ge [sflag:s29], $0x1  }
0xb8: {  	[sflag:s29] =	ssyncadd.s32 $0xFFFFFFFF  }
0xb9: {  	_ =	strace $0x90000048  }
0xba: {  	_ =	sfence  }
0xbb: {  	s30 =	sld [smem:$0x0];
	_ =	sdelay $0x2  }
0xbc: {  	s31 =	sshll.u32 s1, $0xD;
	s1 =	sshrl.u32 s1, $0x2  }
0xbd: {  	s3 =	sand.u32 $0x4000, s31;
	s1 =	sadd.s32 s1, s30  }
0xbe: {  	s0 =	sor.u32 s3, s0;
	s1 =	sshll.u32 s1, $0x11  }
0xbf: {  	s0 =	sor.u32 s1, s0  }
0xc0: {  	s0 =	sadd.s32 $0x8F2B, s0  }
0xc1: {  	[sflag:s0] =	ssyncadd.remote.s32 $0x1  }
0xc2: {  	_ =	sfence.sel $0xFFFF  }
0xc3: {  	[dreg:$0x0] =	wrdreg $0xFFFFFFFF;
	(pc) =	sbr.abs _section_cstart, $3  }
0xc4: {  	[dreg:$0x1] =	wrdreg $0xFFFFFFFF  }
0xc5: {  	_ =	task.clear_ibuf [dreg:s9], $0x2FFFF;
	_ =	strace $0x9FFFFFFF  }
0xc6: {  	(tm) =	ssettm $0x7FFFFFFF  }
0xc7: {  	_ =	shalt  }
tec
execute0_lowered:
.L_overlay_start_1:
0x0: {  	(tag) =	ssettag $0x1  }
0x1: {  	s0 =	rddreg [dreg:$0x0]  }
0x2: {  	s1 =	rddreg [dreg:$0x1]  }
0x3: {  	s2 =	rddreg [dreg:$0x2]  }
0x4: {  	s3 =	rddreg [dreg:$0x3];
	v0 =	vimm.s32 $0xEFCDAB89;
	s11 =	simm.s32 $0x200  }
0x5: {  	s5 =	srdreg.scid;
	s12 =	simm.s32 $0x400;
	v1 =	vimm.s32 $0x67452301;
	s14 =	simm.s32 $0x600;
	v2 =	vimm.s32 $0xDCFE98BA  }
0x6: {  	s4 =	simm.s32 $0x0;
	s6 =	stileid.u32;
	s10 =	simm.s32 $0x3;
	v3 =	vimm.s32 $0x54761032;
	v4 =	vimm.s32 $0xBA98FEDC;
	v5 =	vimm.s32 $0xFEDCBA98  }
0x7: {  	s13 =	simm.s32 $0x40;
	s15 =	simm.s32 $0x2600;
	s16 =	simm.s32 $0x4600;
	v6 =	vimm.s32 $0x32107654;
	v7 =	vimm.s32 $0x76543210;
	v0 =	vunpack.c.l.s4.s8 v0  }
0x8: {  	s17 =	simm.s32 $0x6600;
	s19 =	simm.s32 $0x8600;
	s21 =	simm.s32 $0xA600;
	v1 =	vunpack.c.l.s4.s8 v1;
	v2 =	vunpack.c.l.s4.s8 v2;
	v3 =	vunpack.c.l.s4.s8 v3  }
0x9: {  	s22 =	simm.s32 $0x1;
	s26 =	simm.s32 $0x2;
	s5 =	sand.u32 $0x1, s5;
	v5 =	vunpack.c.l.s4.s8 v5;
	v4 =	vunpack.c.l.s4.s8 v4;
	v6 =	vunpack.c.l.s4.s8 v6  }
0xa: {  	s6 =	sshll.u32 s6, $0x7;
	v7 =	vunpack.c.l.s4.s8 v7;
	s7 =	sshll.u32 s5, $0x6;
	s5 =	ssub.s32 $0x2, s5;
	v0 =	vunpack.c.0.s8.s32 v0;
	v1 =	vunpack.c.0.s8.s32 v1  }
0xb: {  	[smem:$0x7FF] =	sst s4;
	s8 =	sor.u32 s7, s6;
	s31 =	sshrl.u32 s5, $0x1;
	v2 =	vunpack.c.0.s8.s32 v2;
	v3 =	vunpack.c.0.s8.s32 v3;
	v5 =	vunpack.c.0.s8.s32 v5  }
0xc: {  	_ =	strace $0x80000047;
	v4 =	vunpack.c.0.s8.s32 v4;
	v6 =	vunpack.c.0.s8.s32 v6;
	v7 =	vunpack.c.0.s8.s32 v7;
	s0 =	sadd.s32 s8, s0;
	s9 =	ssub.s32 s5, s31  }
0xd: {  	s8 =	sadd.s32 s3, s8;
	s3 =	simm.s32 $0x0;
	s5 =	sadd.s32 $0x1600, s0;
	v0 =	vcombine.low v1, v0;
	v1 =	vcombine.low v3, v2;
	v3 =	vand.u32 $0xF, v5  }
0xe: {  	s6 =	sadd.s32 $0xE00, s0;
	s7 =	sadd.s32 $0x600, s0;
	s9 =	smax.u32 s9, $0x1;
	v2 =	vcombine.low v6, v4;
	v4 =	vlaneseq.u32;
	v3 =	vcombine.low v3, v7  }
.LBB2_1:
0xf: {  	[tilespmem:s4], [sflag:$0x3] =	stream.linear.gather [hbm4b:s5+s4], $0x200, $0x38;
	[tilespmem:$0xC800] =	vst v63  }
0x10: {  	_ =	swait.ge [sflag:s10], $0x200  }
0x11: {  	[sflag:s10] =	ssyncset.done $0x0  }
0x12: {  	[sflag:s10] =	ssyncadd.s32 $0xFFFFFE00  }
0x13: {  	[tilespmem:s11], [sflag:$0x3] =	stream.linear.gather [hbm4b:s6+s4], $0x200, $0x38;
	[tilespmem:$0xC800] =	vst v63  }
0x14: {  	_ =	swait.ge [sflag:s10], $0x200  }
0x15: {  	[sflag:s10] =	ssyncset.done $0x0  }
0x16: {  	[sflag:s10] =	ssyncadd.s32 $0xFFFFFE00  }
0x17: {  	[tilespmem:s12], [sflag:$0x3] =	stream.linear.gather [hbm4b:s7+s4], $0x200, $0x38;
	[tilespmem:$0xC800] =	vst v63  }
0x18: {  	_ =	swait.ge [sflag:s10], $0x200  }
0x19: {  	[sflag:s10] =	ssyncset.done $0x0  }
0x1a: {  	[sflag:s10] =	ssyncadd.s32 $0xFFFFFE00  }
0x1b: {  	[tilespmem:s14], [sflag:$0x1] =	stream.indirect.gather [hbm4b:s1+s13], $0x80, s4, s13, $0xb8;
	[tilespmem:$0xC800] =	vst v63  }
0x1c: {  	_ = 	snop  }
0x1d: {  	[tilespmem:s15], [sflag:$0x1] =	stream.indirect.gather [hbm4b:s2+s13], $0x80, s11, s13, $0xb8;
	[tilespmem:$0xC800] =	vst v63  }
0x1e: {  	_ = 	snop  }
0x1f: {  	[tilespmem:s16], [sflag:$0x1] =	stream.indirect.gather [hbm4b:s1+s13], $0x80, s12, s13, $0xb8;
	[tilespmem:$0xC800] =	vst v63  }
0x20: {  	_ = 	snop  }
0x21: {  	[tilespmem:s17], [sflag:$0x2] =	stream.indirect.gather [hbm4b:s1+s13], $0x80, s13, s13, $0xb8;
	[tilespmem:$0xC800] =	vst v63  }
0x22: {  	s0 =	simm.s32 $0x240  }
0x23: {  	[tilespmem:s19], [sflag:$0x2] =	stream.indirect.gather [hbm4b:s2+s13], $0x80, s0, s13, $0xb8;
	[tilespmem:$0xC800] =	vst v63  }
0x24: {  	s31 =	simm.s32 $0x440  }
0x25: {  	[tilespmem:s21], [sflag:$0x2] =	stream.indirect.gather [hbm4b:s1+s13], $0x80, s31, s13, $0xb8;
	[tilespmem:$0xC800] =	vst v63  }
0x26: {  	_ =	swait.ge [sflag:s22], $0x2000  }
0x27: {  	[sflag:s22] =	ssyncset.done $0x0  }
0x28: {  	[sflag:s22] =	ssyncadd.s32 $0xFFFFE000  }
0x29: {  	_ =	swait.ge [sflag:s22], $0x2000  }
0x2a: {  	[sflag:s22] =	ssyncset.done $0x0  }
0x2b: {  	[sflag:s22] =	ssyncadd.s32 $0xFFFFE000  }
0x2c: {  	_ =	swait.ge [sflag:s22], $0x2000  }
0x2d: {  	s18 =	simm.s32 $0x640;
	s20 =	simm.s32 $0x2640;
	[sflag:s22] =	ssyncset.done $0x0  }
0x2e: {  	s23 =	simm.s32 $0x4640;
	s24 =	simm.s32 $0x0;
	[sflag:s22] =	ssyncadd.s32 $0xFFFFE000  }
.LBB2_2:
0x2f: {  	v5 =	vld [tilespmem:s23+$0x20]  }
0x30: {  	v8 =	vld [tilespmem:s18+$0x20]  }
0x31: {  	v6 =	vld [tilespmem:s18+$0x10]  }
0x32: {  	v7 =	vld [tilespmem:s18+$0x0]  }
0x33: {  	v9 =	vld [tilespmem:s18+$0xFFFFFFF0]  }
0x34: {  	v10 =	vld [tilespmem:s23+$0xFFFFFFC0]  }
0x35: {  	v11 =	vld [tilespmem:s18+$0xFFFFFFE0]  }
0x36: {  	v12 =	vld [tilespmem:s18+$0xFFFFFFC0]  }
0x37: {  	v13 =	vld [tilespmem:s20+$0xFFFFFFC0]  }
0x38: {  	v14 =	vld [tilespmem:s18+$0xFFFFFFD0]  }
0x39: {  	v15 =	vld [tilespmem:s20+$0xFFFFFFD0]  }
0x3a: {  	v16 =	vld [tilespmem:s20+$0xFFFFFFE0]  }
0x3b: {  	v17 =	vld [tilespmem:s23+$0xFFFFFFD0]  }
0x3c: {  	v18 =	vld [tilespmem:s20+$0xFFFFFFF0]  }
0x3d: {  	v19 =	vld [tilespmem:s23+$0xFFFFFFE0]  }
0x3e: {  	v12 =	vmul.f32 v13, v12;
	v13 =	vld [tilespmem:s20+$0x0];
	v14 =	vmul.f32 v15, v14  }
0x3f: {  	v15 =	vld [tilespmem:s23+$0xFFFFFFF0];
	v11 =	vmul.f32 v16, v11  }
0x40: {  	v16 =	vld [tilespmem:s23+$0x0];
	v10 =	vmul.f32 v10, v12;
	v14 =	vmul.f32 v17, v14  }
0x41: {  	v12 =	vld [tilespmem:s20+$0x10]  }
0x42: {  	v9 =	vmul.f32 v18, v9;
	v17 =	vld [tilespmem:s20+$0x20];
	v11 =	vmul.f32 v19, v11;
	v10 =	vadd.f32 v14, v10  }
0x43: {  	v14 =	vld [tilespmem:s23+$0x10]  }
0x44: {  	v18 =	vld [tilespmem:s18+$0x30];
	v7 =	vmul.f32 v13, v7;
	v9 =	vmul.f32 v15, v9;
	v10 =	vadd.f32 v11, v10  }
0x45: {  	v11 =	vld [tilespmem:s20+$0x30]  }
0x46: {  	s25 =	sadd.s32 $0x80, s23;
	v13 =	vld [tilespmem:s23+$0x30];
	v12 =	vmul.f32 v12, v6;
	v9 =	vadd.f32 v9, v10;
	v10 =	vmul.f32 v16, v7  }
0x47: {  	s30 =	sadd.s32 $0x80, s18;
	v6 =	vld [tilespmem:s25+$0x20]  }
0x48: {  	s31 =	sadd.s32 $0x80, s20;
	v15 =	vmul.f32 v17, v8;
	v8 =	vld [tilespmem:s30+$0x10];
	v12 =	vmul.f32 v14, v12;
	v10 =	vadd.f32 v10, v9  }
0x49: {  	v17 =	vld [tilespmem:s31+$0xFFFFFFC0]  }
0x4a: {  	v7 =	vld [tilespmem:s30+$0x20];
	v5 =	vmul.f32 v5, v15;
	v11 =	vmul.f32 v11, v18;
	v14 =	vadd.f32 v12, v10  }
0x4b: {  	v16 =	vld [tilespmem:s30+$0xFFFFFFD0]  }
0x4c: {  	v15 =	vld [tilespmem:s30+$0xFFFFFFC0];
	v11 =	vmul.f32 v13, v11;
	v5 =	vadd.f32 v5, v14  }
0x4d: {  	v9 =	vld [tilespmem:s30+$0x0]  }
0x4e: {  	v18 =	vld [tilespmem:s31+$0xFFFFFFD0];
	v11 =	vadd.f32 v11, v5  }
0x4f: {  	v10 =	vld [tilespmem:s30+$0xFFFFFFF0]  }
0x50: {  	v12 =	vld [tilespmem:s25+$0xFFFFFFC0];
	v14 =	vperm.xlane v11, v0  }
0x51: {  	s29 =	simm.s32 $0x0;
	s28 =	simm.s32 $0x1;
	s0 =	simm.s32 $0x2;
	v13 =	vld [tilespmem:s30+$0xFFFFFFE0];
	v5 =	vimm.f32 $0.0e+00  }
.LBB2_3:
0x52: {  	p0 =	sne.s32 s0, $0xF;
	v19 =	vld [tilespmem:s31+$0xFFFFFFE0];
	v11 =	vadd.f32 v11, v14  }
0x53: {  	v14 =	vld [tilespmem:s25+$0xFFFFFFD0]  }
0x54: {  	v20 =	vld [tilespmem:s31+$0xFFFFFFF0];
	v21 =	vperm.xlane v11, v1  }
0x55: {  	v15 =	vmul.f32 v17, v15;
	v17 =	vld [tilespmem:s25+$0xFFFFFFE0]  }
0x56: {  	v16 =	vmul.f32 v18, v16;
	v18 =	vld [tilespmem:s31+$0x0];
	v11 =	vadd.f32 v11, v21  }
0x57: {  	v12 =	vmul.f32 v12, v15;
	v13 =	vmul.f32 v19, v13;
	v15 =	vld [tilespmem:s25+$0xFFFFFFF0]  }
0x58: {  	v14 =	vmul.f32 v14, v16;
	v16 =	vld [tilespmem:s31+$0x10];
	v19 =	vperm.xlane v11, v2  }
0x59: {  	v10 =	vmul.f32 v20, v10;
	v20 =	vld [tilespmem:s25+$0x0]  }
0x5a: {  	v12 =	vadd.f32 v14, v12;
	v13 =	vmul.f32 v17, v13;
	v14 =	vld [tilespmem:s31+$0x20];
	v11 =	vadd.f32 v11, v19  }
0x5b: {  	v9 =	vmul.f32 v18, v9;
	v17 =	vld [tilespmem:s25+$0x10]  }
0x5c: {  	v12 =	vadd.f32 v13, v12;
	v10 =	vmul.f32 v15, v10;
	v13 =	vld [tilespmem:s30+$0x30];
	v15 =	vperm.xlane v11, v3  }
0x5d: {  	v18 =	vmov s29;
	s29 =	smov.u32 s28;
	s28 =	smov.u32 s0;
	v8 =	vmul.f32 v16, v8;
	v16 =	vld [tilespmem:s31+$0x30]  }
0x5e: {  	v10 =	vadd.f32 v10, v12;
	v9 =	vmul.f32 v20, v9;
	v19 =	vld [tilespmem:s25+$0x30];
	s25 =	sadd.s32 $0x80, s25;
	v11 =	vadd.f32 v11, v15  }
0x5f: {  	s30 =	sadd.s32 $0x80, s30;
	vm0 =	veq.s32 v18, v4;
	v15 =	vld [tilespmem:s25+$0x20];
	v12 =	vmul.f32 v14, v7  }
0x60: {  	v7 =	vld [tilespmem:s30+$0x20];
	v10 =	vadd.f32 v9, v10;
	v14 =	vmul.f32 v17, v8;
	v5 =	vsel vm0, v11, v5  }
0x61: {  	v8 =	vld [tilespmem:s30+$0x10]  }
0x62: {  	v17 =	vmul.f32 v6, v12;
	v9 =	vld [tilespmem:s30+$0x0];
	v11 =	vadd.f32 v14, v10;
	v13 =	vmul.f32 v16, v13  }
0x63: {  	v10 =	vld [tilespmem:s30+$0xFFFFFFF0]  }
0x64: {  	v12 =	vld [tilespmem:s25+$0xFFFFFFC0];
	v11 =	vadd.f32 v17, v11;
	v14 =	vmul.f32 v19, v13;
	v6 =	vmov v15  }
.Ltmp0:
0x65: {  	v13 =	vld [tilespmem:s30+$0xFFFFFFE0];
	(pc) =	sbr.rel @p0 .LBB2_3-.Ltmp0, $4  }
0x66: {  	s31 =	sadd.s32 $0x80, s31;
	v15 =	vld [tilespmem:s30+$0xFFFFFFC0];
	v11 =	vadd.f32 v14, v11  }
0x67: {  	v17 =	vld [tilespmem:s31+$0xFFFFFFC0]  }
0x68: {  	v16 =	vld [tilespmem:s30+$0xFFFFFFD0];
	v14 =	vperm.xlane v11, v0  }
0x69: {  	s0 =	sadd.s32 $0x1, s0;
	v18 =	vld [tilespmem:s31+$0xFFFFFFD0]  }
0x6a: {  	v19 =	vld [tilespmem:s31+$0xFFFFFFE0]  }
0x6b: {  	v20 =	vld [tilespmem:s25+$0xFFFFFFD0]  }
0x6c: {  	v21 =	vld [tilespmem:s31+$0xFFFFFFF0]  }
0x6d: {  	v50 =	vld [tilespmem:s25+$0xFFFFFFE0];
	v15 =	vmul.f32 v17, v15  }
0x6e: {  	v51 =	vld [tilespmem:s31+$0x0];
	v16 =	vmul.f32 v18, v16  }
0x6f: {  	v52 =	vld [tilespmem:s25+$0xFFFFFFF0];
	v12 =	vmul.f32 v12, v15  }
0x70: {  	v53 =	vld [tilespmem:s31+$0x10];
	v13 =	vmul.f32 v19, v13;
	v16 =	vmul.f32 v20, v16  }
0x71: {  	v54 =	vld [tilespmem:s25+$0x0]  }
0x72: {  	v55 =	vld [tilespmem:s31+$0x20];
	v10 =	vmul.f32 v21, v10;
	v13 =	vmul.f32 v50, v13;
	v12 =	vadd.f32 v16, v12  }
0x73: {  	v56 =	vld [tilespmem:s25+$0x10]  }
0x74: {  	v57 =	vld [tilespmem:s30+$0x30];
	v9 =	vmul.f32 v51, v9;
	v10 =	vmul.f32 v52, v10;
	v12 =	vadd.f32 v13, v12  }
0x75: {  	v58 =	vld [tilespmem:s31+$0x30]  }
0x76: {  	v8 =	vmul.f32 v53, v8;
	v9 =	vmul.f32 v54, v9;
	v10 =	vadd.f32 v10, v12  }
0x77: {  	v59 =	vld [tilespmem:s25+$0x30]  }
0x78: {  	v7 =	vmul.f32 v55, v7;
	v8 =	vmul.f32 v56, v8;
	v9 =	vadd.f32 v9, v10;
	_ =	sdelay $0x1  }
0x79: {  	v6 =	vmul.f32 v6, v7;
	v7 =	vmul.f32 v58, v57;
	v8 =	vadd.f32 v8, v9;
	_ =	sdelay $0x1  }
0x7a: {  	v7 =	vmul.f32 v59, v7;
	v6 =	vadd.f32 v6, v8;
	_ =	sdelay $0x1  }
0x7b: {  	v6 =	vadd.f32 v7, v6;
	_ =	sdelay $0x1  }
0x7c: {  	v7 =	vperm.xlane v6, v0  }
0x7d: {  	v60 =	vadd.f32 v11, v14  }
0x7e: {  	v6 =	vadd.f32 v6, v7  }
0x7f: {  	v7 =	vperm.xlane v60, v1  }
0x80: {  	v61 =	vperm.xlane v6, v1  }
0x81: {  	v7 =	vadd.f32 v60, v7  }
0x82: {  	v6 =	vadd.f32 v6, v61  }
0x83: {  	v8 =	vperm.xlane v7, v2  }
0x84: {  	v9 =	vperm.xlane v6, v2  }
0x85: {  	v7 =	vadd.f32 v7, v8  }
0x86: {  	v6 =	vadd.f32 v6, v9  }
0x87: {  	s0 =	sshll.u32 s24, $0x4;
	s24 =	sadd.s32 $0x1, s24;
	v8 =	vperm.xlane v7, v3  }
0x88: {  	p0 =	sne.s32 s24, $0x4;
	v9 =	vperm.xlane v6, v3  }
.Ltmp1:
0x89: {  	v62 =	vmov s29;
	v7 =	vadd.f32 v7, v8;
	(pc) =	sbr.rel @p0 .LBB2_2-.Ltmp1, $4  }
0x8a: {  	v63 =	vmov s28;
	vm0 =	veq.s32 v62, v4;
	v6 =	vadd.f32 v6, v9  }
0x8b: {  	vm15 =	veq.s32 v63, v4;
	v5 =	vsel vm0, v7, v5  }
0x8c: {  	s0 =	sand.u32 $0x3FFFFFF0, s0;
	v5 =	vsel vm15, v6, v5  }
0x8d: {  	s18 =	sadd.s32 $0x800, s18;
	s20 =	sadd.s32 $0x800, s20;
	s23 =	sadd.s32 $0x800, s23;
	[tilespmem:s0+$0xC600] =	vst v5  }
0x8e: {  	s0 =	simm.s32 $0x80  }
0x8f: {  	[tilespmem:s14], [sflag:$0x1] =	stream.indirect.gather [hbm4b:s1+s13], $0x80, s0, s13, $0xb8;
	[tilespmem:$0xC800] =	vst v63  }
0x90: {  	s30 =	simm.s32 $0x280  }
0x91: {  	[tilespmem:s15], [sflag:$0x1] =	stream.indirect.gather [hbm4b:s2+s13], $0x80, s30, s13, $0xb8;
	[tilespmem:$0xC800] =	vst v63  }
0x92: {  	s31 =	simm.s32 $0x480  }
0x93: {  	[tilespmem:s16], [sflag:$0x1] =	stream.indirect.gather [hbm4b:s1+s13], $0x80, s31, s13, $0xb8;
	[tilespmem:$0xC800] =	vst v63  }
0x94: {  	_ =	swait.ge [sflag:s26], $0x2000  }
0x95: {  	[sflag:s26] =	ssyncset.done $0x0  }
0x96: {  	[sflag:s26] =	ssyncadd.s32 $0xFFFFE000  }
0x97: {  	_ =	swait.ge [sflag:s26], $0x2000  }
0x98: {  	[sflag:s26] =	ssyncset.done $0x0  }
0x99: {  	[sflag:s26] =	ssyncadd.s32 $0xFFFFE000  }
0x9a: {  	_ =	swait.ge [sflag:s26], $0x2000  }
0x9b: {  	s18 =	simm.s32 $0x0;
	s20 =	simm.s32 $0x6640;
	[sflag:s26] =	ssyncset.done $0x0  }
0x9c: {  	s23 =	simm.s32 $0x8640;
	s24 =	simm.s32 $0xA640;
	[sflag:s26] =	ssyncadd.s32 $0xFFFFE000  }
.LBB2_6:
0x9d: {  	v5 =	vld [tilespmem:s24+$0x20]  }
0x9e: {  	v8 =	vld [tilespmem:s20+$0x20]  }
0x9f: {  	v6 =	vld [tilespmem:s20+$0x10]  }
0xa0: {  	v7 =	vld [tilespmem:s20+$0x0]  }
0xa1: {  	v9 =	vld [tilespmem:s20+$0xFFFFFFF0]  }
0xa2: {  	v10 =	vld [tilespmem:s24+$0xFFFFFFC0]  }
0xa3: {  	v11 =	vld [tilespmem:s20+$0xFFFFFFE0]  }
0xa4: {  	v12 =	vld [tilespmem:s20+$0xFFFFFFC0]  }
0xa5: {  	v13 =	vld [tilespmem:s23+$0xFFFFFFC0]  }
0xa6: {  	v14 =	vld [tilespmem:s20+$0xFFFFFFD0]  }
0xa7: {  	v15 =	vld [tilespmem:s23+$0xFFFFFFD0]  }
0xa8: {  	v16 =	vld [tilespmem:s23+$0xFFFFFFE0]  }
0xa9: {  	v17 =	vld [tilespmem:s24+$0xFFFFFFD0]  }
0xaa: {  	v18 =	vld [tilespmem:s23+$0xFFFFFFF0]  }
0xab: {  	v19 =	vld [tilespmem:s24+$0xFFFFFFE0]  }
0xac: {  	v12 =	vmul.f32 v13, v12;
	v13 =	vld [tilespmem:s23+$0x0];
	v14 =	vmul.f32 v15, v14  }
0xad: {  	v15 =	vld [tilespmem:s24+$0xFFFFFFF0];
	v11 =	vmul.f32 v16, v11  }
0xae: {  	v16 =	vld [tilespmem:s24+$0x0];
	v10 =	vmul.f32 v10, v12;
	v14 =	vmul.f32 v17, v14  }
0xaf: {  	v12 =	vld [tilespmem:s23+$0x10]  }
0xb0: {  	v9 =	vmul.f32 v18, v9;
	v17 =	vld [tilespmem:s23+$0x20];
	v11 =	vmul.f32 v19, v11;
	v10 =	vadd.f32 v14, v10  }
0xb1: {  	v14 =	vld [tilespmem:s24+$0x10]  }
0xb2: {  	v18 =	vld [tilespmem:s20+$0x30];
	v7 =	vmul.f32 v13, v7;
	v9 =	vmul.f32 v15, v9;
	v10 =	vadd.f32 v11, v10  }
0xb3: {  	v11 =	vld [tilespmem:s23+$0x30]  }
0xb4: {  	s25 =	sadd.s32 $0x80, s24;
	v13 =	vld [tilespmem:s24+$0x30];
	v12 =	vmul.f32 v12, v6;
	v9 =	vadd.f32 v9, v10;
	v10 =	vmul.f32 v16, v7  }
0xb5: {  	s30 =	sadd.s32 $0x80, s20;
	v6 =	vld [tilespmem:s25+$0x20]  }
0xb6: {  	s31 =	sadd.s32 $0x80, s23;
	v15 =	vmul.f32 v17, v8;
	v8 =	vld [tilespmem:s30+$0x10];
	v12 =	vmul.f32 v14, v12;
	v10 =	vadd.f32 v10, v9  }
0xb7: {  	v17 =	vld [tilespmem:s31+$0xFFFFFFC0]  }
0xb8: {  	v7 =	vld [tilespmem:s30+$0x20];
	v5 =	vmul.f32 v5, v15;
	v11 =	vmul.f32 v11, v18;
	v14 =	vadd.f32 v12, v10  }
0xb9: {  	v16 =	vld [tilespmem:s30+$0xFFFFFFD0]  }
0xba: {  	v15 =	vld [tilespmem:s30+$0xFFFFFFC0];
	v11 =	vmul.f32 v13, v11;
	v5 =	vadd.f32 v5, v14  }
0xbb: {  	v9 =	vld [tilespmem:s30+$0x0]  }
0xbc: {  	v18 =	vld [tilespmem:s31+$0xFFFFFFD0];
	v11 =	vadd.f32 v11, v5  }
0xbd: {  	v10 =	vld [tilespmem:s30+$0xFFFFFFF0]  }
0xbe: {  	v12 =	vld [tilespmem:s25+$0xFFFFFFC0];
	v14 =	vperm.xlane v11, v0  }
0xbf: {  	s28 =	simm.s32 $0x1;
	s0 =	simm.s32 $0x2;
	s29 =	simm.s32 $0x0;
	v13 =	vld [tilespmem:s30+$0xFFFFFFE0];
	v5 =	vimm.f32 $0.0e+00  }
.LBB2_7:
0xc0: {  	p0 =	sne.s32 s0, $0xF;
	v19 =	vld [tilespmem:s31+$0xFFFFFFE0];
	v11 =	vadd.f32 v11, v14  }
0xc1: {  	v14 =	vld [tilespmem:s25+$0xFFFFFFD0]  }
0xc2: {  	v20 =	vld [tilespmem:s31+$0xFFFFFFF0];
	v21 =	vperm.xlane v11, v1  }
0xc3: {  	v15 =	vmul.f32 v17, v15;
	v17 =	vld [tilespmem:s25+$0xFFFFFFE0]  }
0xc4: {  	v16 =	vmul.f32 v18, v16;
	v18 =	vld [tilespmem:s31+$0x0];
	v11 =	vadd.f32 v11, v21  }
0xc5: {  	v12 =	vmul.f32 v12, v15;
	v13 =	vmul.f32 v19, v13;
	v15 =	vld [tilespmem:s25+$0xFFFFFFF0]  }
0xc6: {  	v14 =	vmul.f32 v14, v16;
	v16 =	vld [tilespmem:s31+$0x10];
	v19 =	vperm.xlane v11, v2  }
0xc7: {  	v10 =	vmul.f32 v20, v10;
	v20 =	vld [tilespmem:s25+$0x0]  }
0xc8: {  	v12 =	vadd.f32 v14, v12;
	v13 =	vmul.f32 v17, v13;
	v14 =	vld [tilespmem:s31+$0x20];
	v11 =	vadd.f32 v11, v19  }
0xc9: {  	v9 =	vmul.f32 v18, v9;
	v17 =	vld [tilespmem:s25+$0x10]  }
0xca: {  	v12 =	vadd.f32 v13, v12;
	v10 =	vmul.f32 v15, v10;
	v13 =	vld [tilespmem:s30+$0x30];
	v15 =	vperm.xlane v11, v3  }
0xcb: {  	v18 =	vmov s29;
	s29 =	smov.u32 s28;
	s28 =	smov.u32 s0;
	v8 =	vmul.f32 v16, v8;
	v16 =	vld [tilespmem:s31+$0x30]  }
0xcc: {  	v10 =	vadd.f32 v10, v12;
	v9 =	vmul.f32 v20, v9;
	v19 =	vld [tilespmem:s25+$0x30];
	s25 =	sadd.s32 $0x80, s25;
	v11 =	vadd.f32 v11, v15  }
0xcd: {  	s30 =	sadd.s32 $0x80, s30;
	vm0 =	veq.s32 v18, v4;
	v15 =	vld [tilespmem:s25+$0x20];
	v12 =	vmul.f32 v14, v7  }
0xce: {  	v7 =	vld [tilespmem:s30+$0x20];
	v10 =	vadd.f32 v9, v10;
	v14 =	vmul.f32 v17, v8;
	v5 =	vsel vm0, v11, v5  }
0xcf: {  	v8 =	vld [tilespmem:s30+$0x10]  }
0xd0: {  	v17 =	vmul.f32 v6, v12;
	v9 =	vld [tilespmem:s30+$0x0];
	v11 =	vadd.f32 v14, v10;
	v13 =	vmul.f32 v16, v13  }
0xd1: {  	v10 =	vld [tilespmem:s30+$0xFFFFFFF0]  }
0xd2: {  	v12 =	vld [tilespmem:s25+$0xFFFFFFC0];
	v11 =	vadd.f32 v17, v11;
	v14 =	vmul.f32 v19, v13;
	v6 =	vmov v15  }
.Ltmp2:
0xd3: {  	v13 =	vld [tilespmem:s30+$0xFFFFFFE0];
	(pc) =	sbr.rel @p0 .LBB2_7-.Ltmp2, $4  }
0xd4: {  	s31 =	sadd.s32 $0x80, s31;
	v15 =	vld [tilespmem:s30+$0xFFFFFFC0];
	v11 =	vadd.f32 v14, v11  }
0xd5: {  	v17 =	vld [tilespmem:s31+$0xFFFFFFC0]  }
0xd6: {  	v16 =	vld [tilespmem:s30+$0xFFFFFFD0];
	v14 =	vperm.xlane v11, v0  }
0xd7: {  	s0 =	sadd.s32 $0x1, s0;
	v18 =	vld [tilespmem:s31+$0xFFFFFFD0]  }
0xd8: {  	v19 =	vld [tilespmem:s31+$0xFFFFFFE0]  }
0xd9: {  	v20 =	vld [tilespmem:s25+$0xFFFFFFD0]  }
0xda: {  	v21 =	vld [tilespmem:s31+$0xFFFFFFF0]  }
0xdb: {  	v50 =	vld [tilespmem:s25+$0xFFFFFFE0];
	v15 =	vmul.f32 v17, v15  }
0xdc: {  	v51 =	vld [tilespmem:s31+$0x0];
	v16 =	vmul.f32 v18, v16  }
0xdd: {  	v52 =	vld [tilespmem:s25+$0xFFFFFFF0];
	v12 =	vmul.f32 v12, v15  }
0xde: {  	v53 =	vld [tilespmem:s31+$0x10];
	v13 =	vmul.f32 v19, v13;
	v16 =	vmul.f32 v20, v16  }
0xdf: {  	v54 =	vld [tilespmem:s25+$0x0]  }
0xe0: {  	v55 =	vld [tilespmem:s31+$0x20];
	v10 =	vmul.f32 v21, v10;
	v13 =	vmul.f32 v50, v13;
	v12 =	vadd.f32 v16, v12  }
0xe1: {  	v56 =	vld [tilespmem:s25+$0x10]  }
0xe2: {  	v57 =	vld [tilespmem:s30+$0x30];
	v9 =	vmul.f32 v51, v9;
	v10 =	vmul.f32 v52, v10;
	v12 =	vadd.f32 v13, v12  }
0xe3: {  	v58 =	vld [tilespmem:s31+$0x30]  }
0xe4: {  	v8 =	vmul.f32 v53, v8;
	v9 =	vmul.f32 v54, v9;
	v10 =	vadd.f32 v10, v12  }
0xe5: {  	v59 =	vld [tilespmem:s25+$0x30]  }
0xe6: {  	v7 =	vmul.f32 v55, v7;
	v8 =	vmul.f32 v56, v8;
	v9 =	vadd.f32 v9, v10;
	_ =	sdelay $0x1  }
0xe7: {  	v6 =	vmul.f32 v6, v7;
	v7 =	vmul.f32 v58, v57;
	v8 =	vadd.f32 v8, v9;
	_ =	sdelay $0x1  }
0xe8: {  	v7 =	vmul.f32 v59, v7;
	v6 =	vadd.f32 v6, v8;
	_ =	sdelay $0x1  }
0xe9: {  	v6 =	vadd.f32 v7, v6;
	_ =	sdelay $0x1  }
0xea: {  	v7 =	vperm.xlane v6, v0  }
0xeb: {  	v60 =	vadd.f32 v11, v14  }
0xec: {  	v6 =	vadd.f32 v6, v7  }
0xed: {  	v7 =	vperm.xlane v60, v1  }
0xee: {  	v61 =	vperm.xlane v6, v1  }
0xef: {  	v7 =	vadd.f32 v60, v7  }
0xf0: {  	v6 =	vadd.f32 v6, v61  }
0xf1: {  	v8 =	vperm.xlane v7, v2  }
0xf2: {  	v9 =	vperm.xlane v6, v2  }
0xf3: {  	v7 =	vadd.f32 v7, v8  }
0xf4: {  	v6 =	vadd.f32 v6, v9  }
0xf5: {  	s0 =	sshll.u32 s18, $0x4;
	s18 =	sadd.s32 $0x1, s18;
	v8 =	vperm.xlane v7, v3  }
0xf6: {  	p0 =	sne.s32 s18, $0x4;
	v9 =	vperm.xlane v6, v3  }
.Ltmp3:
0xf7: {  	v62 =	vmov s29;
	v7 =	vadd.f32 v7, v8;
	(pc) =	sbr.rel @p0 .LBB2_6-.Ltmp3, $4  }
0xf8: {  	v63 =	vmov s28;
	vm0 =	veq.s32 v62, v4;
	v6 =	vadd.f32 v6, v9  }
0xf9: {  	vm15 =	veq.s32 v63, v4;
	v5 =	vsel vm0, v7, v5  }
0xfa: {  	s0 =	sand.u32 $0x3FFFFFF0, s0;
	v5 =	vsel vm15, v6, v5  }
0xfb: {  	s20 =	sadd.s32 $0x800, s20;
	s23 =	sadd.s32 $0x800, s23;
	s24 =	sadd.s32 $0x800, s24;
	[tilespmem:s0+$0xC640] =	vst v5  }
0xfc: {  	s0 =	simm.s32 $0xC0  }
0xfd: {  	[tilespmem:s17], [sflag:$0x2] =	stream.indirect.gather [hbm4b:s1+s13], $0x80, s0, s13, $0xb8;
	[tilespmem:$0xC800] =	vst v63  }
0xfe: {  	s30 =	simm.s32 $0x2C0  }
0xff: {  	[tilespmem:s19], [sflag:$0x2] =	stream.indirect.gather [hbm4b:s2+s13], $0x80, s30, s13, $0xb8;
	[tilespmem:$0xC800] =	vst v63  }
0x100: {  	s31 =	simm.s32 $0x4C0  }
0x101: {  	[tilespmem:s21], [sflag:$0x2] =	stream.indirect.gather [hbm4b:s1+s13], $0x80, s31, s13, $0xb8;
	[tilespmem:$0xC800] =	vst v63  }
0x102: {  	_ =	swait.ge [sflag:s22], $0x2000  }
0x103: {  	[sflag:s22] =	ssyncset.done $0x0  }
0x104: {  	[sflag:s22] =	ssyncadd.s32 $0xFFFFE000  }
0x105: {  	_ =	swait.ge [sflag:s22], $0x2000  }
0x106: {  	[sflag:s22] =	ssyncset.done $0x0  }
0x107: {  	[sflag:s22] =	ssyncadd.s32 $0xFFFFE000  }
0x108: {  	_ =	swait.ge [sflag:s22], $0x2000  }
0x109: {  	s18 =	simm.s32 $0x0;
	s20 =	simm.s32 $0x640;
	[sflag:s22] =	ssyncset.done $0x0  }
0x10a: {  	s23 =	simm.s32 $0x2640;
	s24 =	simm.s32 $0x4640;
	[sflag:s22] =	ssyncadd.s32 $0xFFFFE000  }
.LBB2_10:
0x10b: {  	v5 =	vld [tilespmem:s24+$0x20]  }
0x10c: {  	v8 =	vld [tilespmem:s20+$0x20]  }
0x10d: {  	v6 =	vld [tilespmem:s20+$0x10]  }
0x10e: {  	v7 =	vld [tilespmem:s20+$0x0]  }
0x10f: {  	v9 =	vld [tilespmem:s20+$0xFFFFFFF0]  }
0x110: {  	v10 =	vld [tilespmem:s24+$0xFFFFFFC0]  }
0x111: {  	v11 =	vld [tilespmem:s20+$0xFFFFFFE0]  }
0x112: {  	v12 =	vld [tilespmem:s20+$0xFFFFFFC0]  }
0x113: {  	v13 =	vld [tilespmem:s23+$0xFFFFFFC0]  }
0x114: {  	v14 =	vld [tilespmem:s20+$0xFFFFFFD0]  }
0x115: {  	v15 =	vld [tilespmem:s23+$0xFFFFFFD0]  }
0x116: {  	v16 =	vld [tilespmem:s23+$0xFFFFFFE0]  }
0x117: {  	v17 =	vld [tilespmem:s24+$0xFFFFFFD0]  }
0x118: {  	v18 =	vld [tilespmem:s23+$0xFFFFFFF0]  }
0x119: {  	v19 =	vld [tilespmem:s24+$0xFFFFFFE0]  }
0x11a: {  	v12 =	vmul.f32 v13, v12;
	v13 =	vld [tilespmem:s23+$0x0];
	v14 =	vmul.f32 v15, v14  }
0x11b: {  	v15 =	vld [tilespmem:s24+$0xFFFFFFF0];
	v11 =	vmul.f32 v16, v11  }
0x11c: {  	v16 =	vld [tilespmem:s24+$0x0];
	v10 =	vmul.f32 v10, v12;
	v14 =	vmul.f32 v17, v14  }
0x11d: {  	v12 =	vld [tilespmem:s23+$0x10]  }
0x11e: {  	v9 =	vmul.f32 v18, v9;
	v17 =	vld [tilespmem:s23+$0x20];
	v11 =	vmul.f32 v19, v11;
	v10 =	vadd.f32 v14, v10  }
0x11f: {  	v14 =	vld [tilespmem:s24+$0x10]  }
0x120: {  	v18 =	vld [tilespmem:s20+$0x30];
	v7 =	vmul.f32 v13, v7;
	v9 =	vmul.f32 v15, v9;
	v10 =	vadd.f32 v11, v10  }
0x121: {  	v11 =	vld [tilespmem:s23+$0x30]  }
0x122: {  	s25 =	sadd.s32 $0x80, s24;
	v13 =	vld [tilespmem:s24+$0x30];
	v12 =	vmul.f32 v12, v6;
	v9 =	vadd.f32 v9, v10;
	v10 =	vmul.f32 v16, v7  }
0x123: {  	s30 =	sadd.s32 $0x80, s20;
	v6 =	vld [tilespmem:s25+$0x20]  }
0x124: {  	s31 =	sadd.s32 $0x80, s23;
	v15 =	vmul.f32 v17, v8;
	v8 =	vld [tilespmem:s30+$0x10];
	v12 =	vmul.f32 v14, v12;
	v10 =	vadd.f32 v10, v9  }
0x125: {  	v17 =	vld [tilespmem:s31+$0xFFFFFFC0]  }
0x126: {  	v7 =	vld [tilespmem:s30+$0x20];
	v5 =	vmul.f32 v5, v15;
	v11 =	vmul.f32 v11, v18;
	v14 =	vadd.f32 v12, v10  }
0x127: {  	v16 =	vld [tilespmem:s30+$0xFFFFFFD0]  }
0x128: {  	v15 =	vld [tilespmem:s30+$0xFFFFFFC0];
	v11 =	vmul.f32 v13, v11;
	v5 =	vadd.f32 v5, v14  }
0x129: {  	v9 =	vld [tilespmem:s30+$0x0]  }
0x12a: {  	v18 =	vld [tilespmem:s31+$0xFFFFFFD0];
	v11 =	vadd.f32 v11, v5  }
0x12b: {  	v10 =	vld [tilespmem:s30+$0xFFFFFFF0]  }
0x12c: {  	v12 =	vld [tilespmem:s25+$0xFFFFFFC0];
	v14 =	vperm.xlane v11, v0  }
0x12d: {  	s28 =	simm.s32 $0x1;
	s0 =	simm.s32 $0x2;
	s29 =	simm.s32 $0x0;
	v13 =	vld [tilespmem:s30+$0xFFFFFFE0];
	v5 =	vimm.f32 $0.0e+00  }
.LBB2_11:
0x12e: {  	p0 =	sne.s32 s0, $0xF;
	v19 =	vld [tilespmem:s31+$0xFFFFFFE0];
	v11 =	vadd.f32 v11, v14  }
0x12f: {  	v14 =	vld [tilespmem:s25+$0xFFFFFFD0]  }
0x130: {  	v20 =	vld [tilespmem:s31+$0xFFFFFFF0];
	v21 =	vperm.xlane v11, v1  }
0x131: {  	v15 =	vmul.f32 v17, v15;
	v17 =	vld [tilespmem:s25+$0xFFFFFFE0]  }
0x132: {  	v16 =	vmul.f32 v18, v16;
	v18 =	vld [tilespmem:s31+$0x0];
	v11 =	vadd.f32 v11, v21  }
0x133: {  	v12 =	vmul.f32 v12, v15;
	v13 =	vmul.f32 v19, v13;
	v15 =	vld [tilespmem:s25+$0xFFFFFFF0]  }
0x134: {  	v14 =	vmul.f32 v14, v16;
	v16 =	vld [tilespmem:s31+$0x10];
	v19 =	vperm.xlane v11, v2  }
0x135: {  	v10 =	vmul.f32 v20, v10;
	v20 =	vld [tilespmem:s25+$0x0]  }
0x136: {  	v12 =	vadd.f32 v14, v12;
	v13 =	vmul.f32 v17, v13;
	v14 =	vld [tilespmem:s31+$0x20];
	v11 =	vadd.f32 v11, v19  }
0x137: {  	v9 =	vmul.f32 v18, v9;
	v17 =	vld [tilespmem:s25+$0x10]  }
0x138: {  	v12 =	vadd.f32 v13, v12;
	v10 =	vmul.f32 v15, v10;
	v13 =	vld [tilespmem:s30+$0x30];
	v15 =	vperm.xlane v11, v3  }
0x139: {  	v18 =	vmov s29;
	s29 =	smov.u32 s28;
	s28 =	smov.u32 s0;
	v8 =	vmul.f32 v16, v8;
	v16 =	vld [tilespmem:s31+$0x30]  }
0x13a: {  	v10 =	vadd.f32 v10, v12;
	v9 =	vmul.f32 v20, v9;
	v19 =	vld [tilespmem:s25+$0x30];
	s25 =	sadd.s32 $0x80, s25;
	v11 =	vadd.f32 v11, v15  }
0x13b: {  	s30 =	sadd.s32 $0x80, s30;
	vm0 =	veq.s32 v18, v4;
	v15 =	vld [tilespmem:s25+$0x20];
	v12 =	vmul.f32 v14, v7  }
0x13c: {  	v7 =	vld [tilespmem:s30+$0x20];
	v10 =	vadd.f32 v9, v10;
	v14 =	vmul.f32 v17, v8;
	v5 =	vsel vm0, v11, v5  }
0x13d: {  	v8 =	vld [tilespmem:s30+$0x10]  }
0x13e: {  	v17 =	vmul.f32 v6, v12;
	v9 =	vld [tilespmem:s30+$0x0];
	v11 =	vadd.f32 v14, v10;
	v13 =	vmul.f32 v16, v13  }
0x13f: {  	v10 =	vld [tilespmem:s30+$0xFFFFFFF0]  }
0x140: {  	v12 =	vld [tilespmem:s25+$0xFFFFFFC0];
	v11 =	vadd.f32 v17, v11;
	v14 =	vmul.f32 v19, v13;
	v6 =	vmov v15  }
.Ltmp4:
0x141: {  	v13 =	vld [tilespmem:s30+$0xFFFFFFE0];
	(pc) =	sbr.rel @p0 .LBB2_11-.Ltmp4, $4  }
0x142: {  	s31 =	sadd.s32 $0x80, s31;
	v15 =	vld [tilespmem:s30+$0xFFFFFFC0];
	v11 =	vadd.f32 v14, v11  }
0x143: {  	v17 =	vld [tilespmem:s31+$0xFFFFFFC0]  }
0x144: {  	v16 =	vld [tilespmem:s30+$0xFFFFFFD0];
	v14 =	vperm.xlane v11, v0  }
0x145: {  	s0 =	sadd.s32 $0x1, s0;
	v18 =	vld [tilespmem:s31+$0xFFFFFFD0]  }
0x146: {  	v19 =	vld [tilespmem:s31+$0xFFFFFFE0]  }
0x147: {  	v20 =	vld [tilespmem:s25+$0xFFFFFFD0]  }
0x148: {  	v21 =	vld [tilespmem:s31+$0xFFFFFFF0]  }
0x149: {  	v50 =	vld [tilespmem:s25+$0xFFFFFFE0];
	v15 =	vmul.f32 v17, v15  }
0x14a: {  	v51 =	vld [tilespmem:s31+$0x0];
	v16 =	vmul.f32 v18, v16  }
0x14b: {  	v52 =	vld [tilespmem:s25+$0xFFFFFFF0];
	v12 =	vmul.f32 v12, v15  }
0x14c: {  	v53 =	vld [tilespmem:s31+$0x10];
	v13 =	vmul.f32 v19, v13;
	v16 =	vmul.f32 v20, v16  }
0x14d: {  	v54 =	vld [tilespmem:s25+$0x0]  }
0x14e: {  	v55 =	vld [tilespmem:s31+$0x20];
	v10 =	vmul.f32 v21, v10;
	v13 =	vmul.f32 v50, v13;
	v12 =	vadd.f32 v16, v12  }
0x14f: {  	v56 =	vld [tilespmem:s25+$0x10]  }
0x150: {  	v57 =	vld [tilespmem:s30+$0x30];
	v9 =	vmul.f32 v51, v9;
	v10 =	vmul.f32 v52, v10;
	v12 =	vadd.f32 v13, v12  }
0x151: {  	v58 =	vld [tilespmem:s31+$0x30]  }
0x152: {  	v8 =	vmul.f32 v53, v8;
	v9 =	vmul.f32 v54, v9;
	v10 =	vadd.f32 v10, v12  }
0x153: {  	v59 =	vld [tilespmem:s25+$0x30]  }
0x154: {  	v7 =	vmul.f32 v55, v7;
	v8 =	vmul.f32 v56, v8;
	v9 =	vadd.f32 v9, v10;
	_ =	sdelay $0x1  }
0x155: {  	v6 =	vmul.f32 v6, v7;
	v7 =	vmul.f32 v58, v57;
	v8 =	vadd.f32 v8, v9;
	_ =	sdelay $0x1  }
0x156: {  	v7 =	vmul.f32 v59, v7;
	v6 =	vadd.f32 v6, v8;
	_ =	sdelay $0x1  }
0x157: {  	v6 =	vadd.f32 v7, v6;
	_ =	sdelay $0x1  }
0x158: {  	v7 =	vperm.xlane v6, v0  }
0x159: {  	v60 =	vadd.f32 v11, v14  }
0x15a: {  	v6 =	vadd.f32 v6, v7  }
0x15b: {  	v7 =	vperm.xlane v60, v1  }
0x15c: {  	v61 =	vperm.xlane v6, v1  }
0x15d: {  	v7 =	vadd.f32 v60, v7  }
0x15e: {  	v6 =	vadd.f32 v6, v61  }
0x15f: {  	v8 =	vperm.xlane v7, v2  }
0x160: {  	v9 =	vperm.xlane v6, v2  }
0x161: {  	v7 =	vadd.f32 v7, v8  }
0x162: {  	v6 =	vadd.f32 v6, v9  }
0x163: {  	s0 =	sshll.u32 s18, $0x4;
	s18 =	sadd.s32 $0x1, s18;
	v8 =	vperm.xlane v7, v3  }
0x164: {  	p0 =	sne.s32 s18, $0x4;
	v9 =	vperm.xlane v6, v3  }
.Ltmp5:
0x165: {  	v62 =	vmov s29;
	v7 =	vadd.f32 v7, v8;
	(pc) =	sbr.rel @p0 .LBB2_10-.Ltmp5, $4  }
0x166: {  	v63 =	vmov s28;
	vm0 =	veq.s32 v62, v4;
	v6 =	vadd.f32 v6, v9  }
0x167: {  	vm15 =	veq.s32 v63, v4;
	v5 =	vsel vm0, v7, v5  }
0x168: {  	s0 =	sand.u32 $0x3FFFFFF0, s0;
	v5 =	vsel vm15, v6, v5  }
0x169: {  	s20 =	sadd.s32 $0x800, s20;
	s23 =	sadd.s32 $0x800, s23;
	s24 =	sadd.s32 $0x800, s24;
	[tilespmem:s0+$0xC680] =	vst v5  }
0x16a: {  	s0 =	simm.s32 $0x100  }
0x16b: {  	[tilespmem:s14], [sflag:$0x1] =	stream.indirect.gather [hbm4b:s1+s13], $0x80, s0, s13, $0xb8;
	[tilespmem:$0xC800] =	vst v63  }
0x16c: {  	s30 =	simm.s32 $0x300  }
0x16d: {  	[tilespmem:s15], [sflag:$0x1] =	stream.indirect.gather [hbm4b:s2+s13], $0x80, s30, s13, $0xb8;
	[tilespmem:$0xC800] =	vst v63  }
0x16e: {  	s31 =	simm.s32 $0x500  }
0x16f: {  	[tilespmem:s16], [sflag:$0x1] =	stream.indirect.gather [hbm4b:s1+s13], $0x80, s31, s13, $0xb8;
	[tilespmem:$0xC800] =	vst v63  }
0x170: {  	_ =	swait.ge [sflag:s26], $0x2000  }
0x171: {  	[sflag:s26] =	ssyncset.done $0x0  }
0x172: {  	[sflag:s26] =	ssyncadd.s32 $0xFFFFE000  }
0x173: {  	_ =	swait.ge [sflag:s26], $0x2000  }
0x174: {  	[sflag:s26] =	ssyncset.done $0x0  }
0x175: {  	[sflag:s26] =	ssyncadd.s32 $0xFFFFE000  }
0x176: {  	_ =	swait.ge [sflag:s26], $0x2000  }
0x177: {  	s18 =	simm.s32 $0x0;
	s20 =	simm.s32 $0x6640;
	[sflag:s26] =	ssyncset.done $0x0  }
0x178: {  	s23 =	simm.s32 $0x8640;
	s24 =	simm.s32 $0xA640;
	[sflag:s26] =	ssyncadd.s32 $0xFFFFE000  }
.LBB2_14:
0x179: {  	v5 =	vld [tilespmem:s24+$0x20]  }
0x17a: {  	v8 =	vld [tilespmem:s20+$0x20]  }
0x17b: {  	v6 =	vld [tilespmem:s20+$0x10]  }
0x17c: {  	v7 =	vld [tilespmem:s20+$0x0]  }
0x17d: {  	v9 =	vld [tilespmem:s20+$0xFFFFFFF0]  }
0x17e: {  	v10 =	vld [tilespmem:s24+$0xFFFFFFC0]  }
0x17f: {  	v11 =	vld [tilespmem:s20+$0xFFFFFFE0]  }
0x180: {  	v12 =	vld [tilespmem:s20+$0xFFFFFFC0]  }
0x181: {  	v13 =	vld [tilespmem:s23+$0xFFFFFFC0]  }
0x182: {  	v14 =	vld [tilespmem:s20+$0xFFFFFFD0]  }
0x183: {  	v15 =	vld [tilespmem:s23+$0xFFFFFFD0]  }
0x184: {  	v16 =	vld [tilespmem:s23+$0xFFFFFFE0]  }
0x185: {  	v17 =	vld [tilespmem:s24+$0xFFFFFFD0]  }
0x186: {  	v18 =	vld [tilespmem:s23+$0xFFFFFFF0]  }
0x187: {  	v19 =	vld [tilespmem:s24+$0xFFFFFFE0]  }
0x188: {  	v12 =	vmul.f32 v13, v12;
	v13 =	vld [tilespmem:s23+$0x0];
	v14 =	vmul.f32 v15, v14  }
0x189: {  	v15 =	vld [tilespmem:s24+$0xFFFFFFF0];
	v11 =	vmul.f32 v16, v11  }
0x18a: {  	v16 =	vld [tilespmem:s24+$0x0];
	v10 =	vmul.f32 v10, v12;
	v14 =	vmul.f32 v17, v14  }
0x18b: {  	v12 =	vld [tilespmem:s23+$0x10]  }
0x18c: {  	v9 =	vmul.f32 v18, v9;
	v17 =	vld [tilespmem:s23+$0x20];
	v11 =	vmul.f32 v19, v11;
	v10 =	vadd.f32 v14, v10  }
0x18d: {  	v14 =	vld [tilespmem:s24+$0x10]  }
0x18e: {  	v18 =	vld [tilespmem:s20+$0x30];
	v7 =	vmul.f32 v13, v7;
	v9 =	vmul.f32 v15, v9;
	v10 =	vadd.f32 v11, v10  }
0x18f: {  	v11 =	vld [tilespmem:s23+$0x30]  }
0x190: {  	s25 =	sadd.s32 $0x80, s24;
	v13 =	vld [tilespmem:s24+$0x30];
	v12 =	vmul.f32 v12, v6;
	v9 =	vadd.f32 v9, v10;
	v10 =	vmul.f32 v16, v7  }
0x191: {  	s30 =	sadd.s32 $0x80, s20;
	v6 =	vld [tilespmem:s25+$0x20]  }
0x192: {  	s31 =	sadd.s32 $0x80, s23;
	v15 =	vmul.f32 v17, v8;
	v8 =	vld [tilespmem:s30+$0x10];
	v12 =	vmul.f32 v14, v12;
	v10 =	vadd.f32 v10, v9  }
0x193: {  	v17 =	vld [tilespmem:s31+$0xFFFFFFC0]  }
0x194: {  	v7 =	vld [tilespmem:s30+$0x20];
	v5 =	vmul.f32 v5, v15;
	v11 =	vmul.f32 v11, v18;
	v14 =	vadd.f32 v12, v10  }
0x195: {  	v16 =	vld [tilespmem:s30+$0xFFFFFFD0]  }
0x196: {  	v15 =	vld [tilespmem:s30+$0xFFFFFFC0];
	v11 =	vmul.f32 v13, v11;
	v5 =	vadd.f32 v5, v14  }
0x197: {  	v9 =	vld [tilespmem:s30+$0x0]  }
0x198: {  	v18 =	vld [tilespmem:s31+$0xFFFFFFD0];
	v11 =	vadd.f32 v11, v5  }
0x199: {  	v10 =	vld [tilespmem:s30+$0xFFFFFFF0]  }
0x19a: {  	v12 =	vld [tilespmem:s25+$0xFFFFFFC0];
	v14 =	vperm.xlane v11, v0  }
0x19b: {  	s28 =	simm.s32 $0x1;
	s0 =	simm.s32 $0x2;
	s29 =	simm.s32 $0x0;
	v13 =	vld [tilespmem:s30+$0xFFFFFFE0];
	v5 =	vimm.f32 $0.0e+00  }
.LBB2_15:
0x19c: {  	p0 =	sne.s32 s0, $0xF;
	v19 =	vld [tilespmem:s31+$0xFFFFFFE0];
	v11 =	vadd.f32 v11, v14  }
0x19d: {  	v14 =	vld [tilespmem:s25+$0xFFFFFFD0]  }
0x19e: {  	v20 =	vld [tilespmem:s31+$0xFFFFFFF0];
	v21 =	vperm.xlane v11, v1  }
0x19f: {  	v15 =	vmul.f32 v17, v15;
	v17 =	vld [tilespmem:s25+$0xFFFFFFE0]  }
0x1a0: {  	v16 =	vmul.f32 v18, v16;
	v18 =	vld [tilespmem:s31+$0x0];
	v11 =	vadd.f32 v11, v21  }
0x1a1: {  	v12 =	vmul.f32 v12, v15;
	v13 =	vmul.f32 v19, v13;
	v15 =	vld [tilespmem:s25+$0xFFFFFFF0]  }
0x1a2: {  	v14 =	vmul.f32 v14, v16;
	v16 =	vld [tilespmem:s31+$0x10];
	v19 =	vperm.xlane v11, v2  }
0x1a3: {  	v10 =	vmul.f32 v20, v10;
	v20 =	vld [tilespmem:s25+$0x0]  }
0x1a4: {  	v12 =	vadd.f32 v14, v12;
	v13 =	vmul.f32 v17, v13;
	v14 =	vld [tilespmem:s31+$0x20];
	v11 =	vadd.f32 v11, v19  }
0x1a5: {  	v9 =	vmul.f32 v18, v9;
	v17 =	vld [tilespmem:s25+$0x10]  }
0x1a6: {  	v12 =	vadd.f32 v13, v12;
	v10 =	vmul.f32 v15, v10;
	v13 =	vld [tilespmem:s30+$0x30];
	v15 =	vperm.xlane v11, v3  }
0x1a7: {  	v18 =	vmov s29;
	s29 =	smov.u32 s28;
	s28 =	smov.u32 s0;
	v8 =	vmul.f32 v16, v8;
	v16 =	vld [tilespmem:s31+$0x30]  }
0x1a8: {  	v10 =	vadd.f32 v10, v12;
	v9 =	vmul.f32 v20, v9;
	v19 =	vld [tilespmem:s25+$0x30];
	s25 =	sadd.s32 $0x80, s25;
	v11 =	vadd.f32 v11, v15  }
0x1a9: {  	s30 =	sadd.s32 $0x80, s30;
	vm0 =	veq.s32 v18, v4;
	v15 =	vld [tilespmem:s25+$0x20];
	v12 =	vmul.f32 v14, v7  }
0x1aa: {  	v7 =	vld [tilespmem:s30+$0x20];
	v10 =	vadd.f32 v9, v10;
	v14 =	vmul.f32 v17, v8;
	v5 =	vsel vm0, v11, v5  }
0x1ab: {  	v8 =	vld [tilespmem:s30+$0x10]  }
0x1ac: {  	v17 =	vmul.f32 v6, v12;
	v9 =	vld [tilespmem:s30+$0x0];
	v11 =	vadd.f32 v14, v10;
	v13 =	vmul.f32 v16, v13  }
0x1ad: {  	v10 =	vld [tilespmem:s30+$0xFFFFFFF0]  }
0x1ae: {  	v12 =	vld [tilespmem:s25+$0xFFFFFFC0];
	v11 =	vadd.f32 v17, v11;
	v14 =	vmul.f32 v19, v13;
	v6 =	vmov v15  }
.Ltmp6:
0x1af: {  	v13 =	vld [tilespmem:s30+$0xFFFFFFE0];
	(pc) =	sbr.rel @p0 .LBB2_15-.Ltmp6, $4  }
0x1b0: {  	s31 =	sadd.s32 $0x80, s31;
	v15 =	vld [tilespmem:s30+$0xFFFFFFC0];
	v11 =	vadd.f32 v14, v11  }
0x1b1: {  	v17 =	vld [tilespmem:s31+$0xFFFFFFC0]  }
0x1b2: {  	v16 =	vld [tilespmem:s30+$0xFFFFFFD0];
	v14 =	vperm.xlane v11, v0  }
0x1b3: {  	s0 =	sadd.s32 $0x1, s0;
	v18 =	vld [tilespmem:s31+$0xFFFFFFD0]  }
0x1b4: {  	v19 =	vld [tilespmem:s31+$0xFFFFFFE0]  }
0x1b5: {  	v20 =	vld [tilespmem:s25+$0xFFFFFFD0]  }
0x1b6: {  	v21 =	vld [tilespmem:s31+$0xFFFFFFF0]  }
0x1b7: {  	v50 =	vld [tilespmem:s25+$0xFFFFFFE0];
	v15 =	vmul.f32 v17, v15  }
0x1b8: {  	v51 =	vld [tilespmem:s31+$0x0];
	v16 =	vmul.f32 v18, v16  }
0x1b9: {  	v52 =	vld [tilespmem:s25+$0xFFFFFFF0];
	v12 =	vmul.f32 v12, v15  }
0x1ba: {  	v53 =	vld [tilespmem:s31+$0x10];
	v13 =	vmul.f32 v19, v13;
	v16 =	vmul.f32 v20, v16  }
0x1bb: {  	v54 =	vld [tilespmem:s25+$0x0]  }
0x1bc: {  	v55 =	vld [tilespmem:s31+$0x20];
	v10 =	vmul.f32 v21, v10;
	v13 =	vmul.f32 v50, v13;
	v12 =	vadd.f32 v16, v12  }
0x1bd: {  	v56 =	vld [tilespmem:s25+$0x10]  }
0x1be: {  	v57 =	vld [tilespmem:s30+$0x30];
	v9 =	vmul.f32 v51, v9;
	v10 =	vmul.f32 v52, v10;
	v12 =	vadd.f32 v13, v12  }
0x1bf: {  	v58 =	vld [tilespmem:s31+$0x30]  }
0x1c0: {  	v8 =	vmul.f32 v53, v8;
	v9 =	vmul.f32 v54, v9;
	v10 =	vadd.f32 v10, v12  }
0x1c1: {  	v59 =	vld [tilespmem:s25+$0x30]  }
0x1c2: {  	v7 =	vmul.f32 v55, v7;
	v8 =	vmul.f32 v56, v8;
	v9 =	vadd.f32 v9, v10;
	_ =	sdelay $0x1  }
0x1c3: {  	v6 =	vmul.f32 v6, v7;
	v7 =	vmul.f32 v58, v57;
	v8 =	vadd.f32 v8, v9;
	_ =	sdelay $0x1  }
0x1c4: {  	v7 =	vmul.f32 v59, v7;
	v6 =	vadd.f32 v6, v8;
	_ =	sdelay $0x1  }
0x1c5: {  	v6 =	vadd.f32 v7, v6;
	_ =	sdelay $0x1  }
0x1c6: {  	v7 =	vperm.xlane v6, v0  }
0x1c7: {  	v60 =	vadd.f32 v11, v14  }
0x1c8: {  	v6 =	vadd.f32 v6, v7  }
0x1c9: {  	v7 =	vperm.xlane v60, v1  }
0x1ca: {  	v61 =	vperm.xlane v6, v1  }
0x1cb: {  	v7 =	vadd.f32 v60, v7  }
0x1cc: {  	v6 =	vadd.f32 v6, v61  }
0x1cd: {  	v8 =	vperm.xlane v7, v2  }
0x1ce: {  	v9 =	vperm.xlane v6, v2  }
0x1cf: {  	v7 =	vadd.f32 v7, v8  }
0x1d0: {  	v6 =	vadd.f32 v6, v9  }
0x1d1: {  	s0 =	sshll.u32 s18, $0x4;
	s18 =	sadd.s32 $0x1, s18;
	v8 =	vperm.xlane v7, v3  }
0x1d2: {  	p0 =	sne.s32 s18, $0x4;
	v9 =	vperm.xlane v6, v3  }
.Ltmp7:
0x1d3: {  	v62 =	vmov s29;
	v7 =	vadd.f32 v7, v8;
	(pc) =	sbr.rel @p0 .LBB2_14-.Ltmp7, $4  }
0x1d4: {  	v63 =	vmov s28;
	vm0 =	veq.s32 v62, v4;
	v6 =	vadd.f32 v6, v9  }
0x1d5: {  	vm15 =	veq.s32 v63, v4;
	v5 =	vsel vm0, v7, v5  }
0x1d6: {  	s0 =	sand.u32 $0x3FFFFFF0, s0;
	v5 =	vsel vm15, v6, v5  }
0x1d7: {  	s20 =	sadd.s32 $0x800, s20;
	s23 =	sadd.s32 $0x800, s23;
	s24 =	sadd.s32 $0x800, s24;
	[tilespmem:s0+$0xC6C0] =	vst v5  }
0x1d8: {  	s0 =	simm.s32 $0x140  }
0x1d9: {  	[tilespmem:s17], [sflag:$0x2] =	stream.indirect.gather [hbm4b:s1+s13], $0x80, s0, s13, $0xb8;
	[tilespmem:$0xC800] =	vst v63  }
0x1da: {  	s30 =	simm.s32 $0x340  }
0x1db: {  	[tilespmem:s19], [sflag:$0x2] =	stream.indirect.gather [hbm4b:s2+s13], $0x80, s30, s13, $0xb8;
	[tilespmem:$0xC800] =	vst v63  }
0x1dc: {  	s31 =	simm.s32 $0x540  }
0x1dd: {  	[tilespmem:s21], [sflag:$0x2] =	stream.indirect.gather [hbm4b:s1+s13], $0x80, s31, s13, $0xb8;
	[tilespmem:$0xC800] =	vst v63  }
0x1de: {  	_ =	swait.ge [sflag:s22], $0x2000  }
0x1df: {  	[sflag:s22] =	ssyncset.done $0x0  }
0x1e0: {  	[sflag:s22] =	ssyncadd.s32 $0xFFFFE000  }
0x1e1: {  	_ =	swait.ge [sflag:s22], $0x2000  }
0x1e2: {  	[sflag:s22] =	ssyncset.done $0x0  }
0x1e3: {  	[sflag:s22] =	ssyncadd.s32 $0xFFFFE000  }
0x1e4: {  	_ =	swait.ge [sflag:s22], $0x2000  }
0x1e5: {  	s18 =	simm.s32 $0x0;
	s20 =	simm.s32 $0x640;
	[sflag:s22] =	ssyncset.done $0x0  }
0x1e6: {  	s23 =	simm.s32 $0x2640;
	s24 =	simm.s32 $0x4640;
	[sflag:s22] =	ssyncadd.s32 $0xFFFFE000  }
.LBB2_18:
0x1e7: {  	v5 =	vld [tilespmem:s24+$0x20]  }
0x1e8: {  	v8 =	vld [tilespmem:s20+$0x20]  }
0x1e9: {  	v6 =	vld [tilespmem:s20+$0x10]  }
0x1ea: {  	v7 =	vld [tilespmem:s20+$0x0]  }
0x1eb: {  	v9 =	vld [tilespmem:s20+$0xFFFFFFF0]  }
0x1ec: {  	v10 =	vld [tilespmem:s24+$0xFFFFFFC0]  }
0x1ed: {  	v11 =	vld [tilespmem:s20+$0xFFFFFFE0]  }
0x1ee: {  	v12 =	vld [tilespmem:s20+$0xFFFFFFC0]  }
0x1ef: {  	v13 =	vld [tilespmem:s23+$0xFFFFFFC0]  }
0x1f0: {  	v14 =	vld [tilespmem:s20+$0xFFFFFFD0]  }
0x1f1: {  	v15 =	vld [tilespmem:s23+$0xFFFFFFD0]  }
0x1f2: {  	v16 =	vld [tilespmem:s23+$0xFFFFFFE0]  }
0x1f3: {  	v17 =	vld [tilespmem:s24+$0xFFFFFFD0]  }
0x1f4: {  	v18 =	vld [tilespmem:s23+$0xFFFFFFF0]  }
0x1f5: {  	v19 =	vld [tilespmem:s24+$0xFFFFFFE0]  }
0x1f6: {  	v12 =	vmul.f32 v13, v12;
	v13 =	vld [tilespmem:s23+$0x0];
	v14 =	vmul.f32 v15, v14  }
0x1f7: {  	v15 =	vld [tilespmem:s24+$0xFFFFFFF0];
	v11 =	vmul.f32 v16, v11  }
0x1f8: {  	v16 =	vld [tilespmem:s24+$0x0];
	v10 =	vmul.f32 v10, v12;
	v14 =	vmul.f32 v17, v14  }
0x1f9: {  	v12 =	vld [tilespmem:s23+$0x10]  }
0x1fa: {  	v9 =	vmul.f32 v18, v9;
	v17 =	vld [tilespmem:s23+$0x20];
	v11 =	vmul.f32 v19, v11;
	v10 =	vadd.f32 v14, v10  }
0x1fb: {  	v14 =	vld [tilespmem:s24+$0x10]  }
0x1fc: {  	v18 =	vld [tilespmem:s20+$0x30];
	v7 =	vmul.f32 v13, v7;
	v9 =	vmul.f32 v15, v9;
	v10 =	vadd.f32 v11, v10  }
0x1fd: {  	v11 =	vld [tilespmem:s23+$0x30]  }
0x1fe: {  	s25 =	sadd.s32 $0x80, s24;
	v13 =	vld [tilespmem:s24+$0x30];
	v12 =	vmul.f32 v12, v6;
	v9 =	vadd.f32 v9, v10;
	v10 =	vmul.f32 v16, v7  }
0x1ff: {  	s30 =	sadd.s32 $0x80, s20;
	v6 =	vld [tilespmem:s25+$0x20]  }
0x200: {  	s31 =	sadd.s32 $0x80, s23;
	v15 =	vmul.f32 v17, v8;
	v8 =	vld [tilespmem:s30+$0x10];
	v12 =	vmul.f32 v14, v12;
	v10 =	vadd.f32 v10, v9  }
0x201: {  	v17 =	vld [tilespmem:s31+$0xFFFFFFC0]  }
0x202: {  	v7 =	vld [tilespmem:s30+$0x20];
	v5 =	vmul.f32 v5, v15;
	v11 =	vmul.f32 v11, v18;
	v14 =	vadd.f32 v12, v10  }
0x203: {  	v16 =	vld [tilespmem:s30+$0xFFFFFFD0]  }
0x204: {  	v15 =	vld [tilespmem:s30+$0xFFFFFFC0];
	v11 =	vmul.f32 v13, v11;
	v5 =	vadd.f32 v5, v14  }
0x205: {  	v9 =	vld [tilespmem:s30+$0x0]  }
0x206: {  	v18 =	vld [tilespmem:s31+$0xFFFFFFD0];
	v11 =	vadd.f32 v11, v5  }
0x207: {  	v10 =	vld [tilespmem:s30+$0xFFFFFFF0]  }
0x208: {  	v12 =	vld [tilespmem:s25+$0xFFFFFFC0];
	v14 =	vperm.xlane v11, v0  }
0x209: {  	s28 =	simm.s32 $0x1;
	s0 =	simm.s32 $0x2;
	s29 =	simm.s32 $0x0;
	v13 =	vld [tilespmem:s30+$0xFFFFFFE0];
	v5 =	vimm.f32 $0.0e+00  }
.LBB2_19:
0x20a: {  	p0 =	sne.s32 s0, $0xF;
	v19 =	vld [tilespmem:s31+$0xFFFFFFE0];
	v11 =	vadd.f32 v11, v14  }
0x20b: {  	v14 =	vld [tilespmem:s25+$0xFFFFFFD0]  }
0x20c: {  	v20 =	vld [tilespmem:s31+$0xFFFFFFF0];
	v21 =	vperm.xlane v11, v1  }
0x20d: {  	v15 =	vmul.f32 v17, v15;
	v17 =	vld [tilespmem:s25+$0xFFFFFFE0]  }
0x20e: {  	v16 =	vmul.f32 v18, v16;
	v18 =	vld [tilespmem:s31+$0x0];
	v11 =	vadd.f32 v11, v21  }
0x20f: {  	v12 =	vmul.f32 v12, v15;
	v13 =	vmul.f32 v19, v13;
	v15 =	vld [tilespmem:s25+$0xFFFFFFF0]  }
0x210: {  	v14 =	vmul.f32 v14, v16;
	v16 =	vld [tilespmem:s31+$0x10];
	v19 =	vperm.xlane v11, v2  }
0x211: {  	v10 =	vmul.f32 v20, v10;
	v20 =	vld [tilespmem:s25+$0x0]  }
0x212: {  	v12 =	vadd.f32 v14, v12;
	v13 =	vmul.f32 v17, v13;
	v14 =	vld [tilespmem:s31+$0x20];
	v11 =	vadd.f32 v11, v19  }
0x213: {  	v9 =	vmul.f32 v18, v9;
	v17 =	vld [tilespmem:s25+$0x10]  }
0x214: {  	v12 =	vadd.f32 v13, v12;
	v10 =	vmul.f32 v15, v10;
	v13 =	vld [tilespmem:s30+$0x30];
	v15 =	vperm.xlane v11, v3  }
0x215: {  	v18 =	vmov s29;
	s29 =	smov.u32 s28;
	s28 =	smov.u32 s0;
	v8 =	vmul.f32 v16, v8;
	v16 =	vld [tilespmem:s31+$0x30]  }
0x216: {  	v10 =	vadd.f32 v10, v12;
	v9 =	vmul.f32 v20, v9;
	v19 =	vld [tilespmem:s25+$0x30];
	s25 =	sadd.s32 $0x80, s25;
	v11 =	vadd.f32 v11, v15  }
0x217: {  	s30 =	sadd.s32 $0x80, s30;
	vm0 =	veq.s32 v18, v4;
	v15 =	vld [tilespmem:s25+$0x20];
	v12 =	vmul.f32 v14, v7  }
0x218: {  	v7 =	vld [tilespmem:s30+$0x20];
	v10 =	vadd.f32 v9, v10;
	v14 =	vmul.f32 v17, v8;
	v5 =	vsel vm0, v11, v5  }
0x219: {  	v8 =	vld [tilespmem:s30+$0x10]  }
0x21a: {  	v17 =	vmul.f32 v6, v12;
	v9 =	vld [tilespmem:s30+$0x0];
	v11 =	vadd.f32 v14, v10;
	v13 =	vmul.f32 v16, v13  }
0x21b: {  	v10 =	vld [tilespmem:s30+$0xFFFFFFF0]  }
0x21c: {  	v12 =	vld [tilespmem:s25+$0xFFFFFFC0];
	v11 =	vadd.f32 v17, v11;
	v14 =	vmul.f32 v19, v13;
	v6 =	vmov v15  }
.Ltmp8:
0x21d: {  	v13 =	vld [tilespmem:s30+$0xFFFFFFE0];
	(pc) =	sbr.rel @p0 .LBB2_19-.Ltmp8, $4  }
0x21e: {  	s31 =	sadd.s32 $0x80, s31;
	v15 =	vld [tilespmem:s30+$0xFFFFFFC0];
	v11 =	vadd.f32 v14, v11  }
0x21f: {  	v17 =	vld [tilespmem:s31+$0xFFFFFFC0]  }
0x220: {  	v16 =	vld [tilespmem:s30+$0xFFFFFFD0];
	v14 =	vperm.xlane v11, v0  }
0x221: {  	s0 =	sadd.s32 $0x1, s0;
	v18 =	vld [tilespmem:s31+$0xFFFFFFD0]  }
0x222: {  	v19 =	vld [tilespmem:s31+$0xFFFFFFE0]  }
0x223: {  	v20 =	vld [tilespmem:s25+$0xFFFFFFD0]  }
0x224: {  	v21 =	vld [tilespmem:s31+$0xFFFFFFF0]  }
0x225: {  	v50 =	vld [tilespmem:s25+$0xFFFFFFE0];
	v15 =	vmul.f32 v17, v15  }
0x226: {  	v51 =	vld [tilespmem:s31+$0x0];
	v16 =	vmul.f32 v18, v16  }
0x227: {  	v52 =	vld [tilespmem:s25+$0xFFFFFFF0];
	v12 =	vmul.f32 v12, v15  }
0x228: {  	v53 =	vld [tilespmem:s31+$0x10];
	v13 =	vmul.f32 v19, v13;
	v16 =	vmul.f32 v20, v16  }
0x229: {  	v54 =	vld [tilespmem:s25+$0x0]  }
0x22a: {  	v55 =	vld [tilespmem:s31+$0x20];
	v10 =	vmul.f32 v21, v10;
	v13 =	vmul.f32 v50, v13;
	v12 =	vadd.f32 v16, v12  }
0x22b: {  	v56 =	vld [tilespmem:s25+$0x10]  }
0x22c: {  	v57 =	vld [tilespmem:s30+$0x30];
	v9 =	vmul.f32 v51, v9;
	v10 =	vmul.f32 v52, v10;
	v12 =	vadd.f32 v13, v12  }
0x22d: {  	v58 =	vld [tilespmem:s31+$0x30]  }
0x22e: {  	v8 =	vmul.f32 v53, v8;
	v9 =	vmul.f32 v54, v9;
	v10 =	vadd.f32 v10, v12  }
0x22f: {  	v59 =	vld [tilespmem:s25+$0x30]  }
0x230: {  	v7 =	vmul.f32 v55, v7;
	v8 =	vmul.f32 v56, v8;
	v9 =	vadd.f32 v9, v10;
	_ =	sdelay $0x1  }
0x231: {  	v6 =	vmul.f32 v6, v7;
	v7 =	vmul.f32 v58, v57;
	v8 =	vadd.f32 v8, v9;
	_ =	sdelay $0x1  }
0x232: {  	v7 =	vmul.f32 v59, v7;
	v6 =	vadd.f32 v6, v8;
	_ =	sdelay $0x1  }
0x233: {  	v6 =	vadd.f32 v7, v6;
	_ =	sdelay $0x1  }
0x234: {  	v7 =	vperm.xlane v6, v0  }
0x235: {  	v60 =	vadd.f32 v11, v14  }
0x236: {  	v6 =	vadd.f32 v6, v7  }
0x237: {  	v7 =	vperm.xlane v60, v1  }
0x238: {  	v61 =	vperm.xlane v6, v1  }
0x239: {  	v7 =	vadd.f32 v60, v7  }
0x23a: {  	v6 =	vadd.f32 v6, v61  }
0x23b: {  	v8 =	vperm.xlane v7, v2  }
0x23c: {  	v9 =	vperm.xlane v6, v2  }
0x23d: {  	v7 =	vadd.f32 v7, v8  }
0x23e: {  	v6 =	vadd.f32 v6, v9  }
0x23f: {  	s0 =	sshll.u32 s18, $0x4;
	s18 =	sadd.s32 $0x1, s18;
	v8 =	vperm.xlane v7, v3  }
0x240: {  	p0 =	sne.s32 s18, $0x4;
	v9 =	vperm.xlane v6, v3  }
.Ltmp9:
0x241: {  	v62 =	vmov s29;
	v7 =	vadd.f32 v7, v8;
	(pc) =	sbr.rel @p0 .LBB2_18-.Ltmp9, $4  }
0x242: {  	v63 =	vmov s28;
	vm0 =	veq.s32 v62, v4;
	v6 =	vadd.f32 v6, v9  }
0x243: {  	vm15 =	veq.s32 v63, v4;
	v5 =	vsel vm0, v7, v5  }
0x244: {  	s0 =	sand.u32 $0x3FFFFFF0, s0;
	v5 =	vsel vm15, v6, v5  }
0x245: {  	s20 =	sadd.s32 $0x800, s20;
	s23 =	sadd.s32 $0x800, s23;
	s24 =	sadd.s32 $0x800, s24;
	[tilespmem:s0+$0xC700] =	vst v5  }
0x246: {  	s0 =	simm.s32 $0x180  }
0x247: {  	[tilespmem:s14], [sflag:$0x1] =	stream.indirect.gather [hbm4b:s1+s13], $0x80, s0, s13, $0xb8;
	[tilespmem:$0xC800] =	vst v63  }
0x248: {  	s30 =	simm.s32 $0x380  }
0x249: {  	[tilespmem:s15], [sflag:$0x1] =	stream.indirect.gather [hbm4b:s2+s13], $0x80, s30, s13, $0xb8;
	[tilespmem:$0xC800] =	vst v63  }
0x24a: {  	s31 =	simm.s32 $0x580  }
0x24b: {  	[tilespmem:s16], [sflag:$0x1] =	stream.indirect.gather [hbm4b:s1+s13], $0x80, s31, s13, $0xb8;
	[tilespmem:$0xC800] =	vst v63  }
0x24c: {  	_ =	swait.ge [sflag:s26], $0x2000  }
0x24d: {  	[sflag:s26] =	ssyncset.done $0x0  }
0x24e: {  	[sflag:s26] =	ssyncadd.s32 $0xFFFFE000  }
0x24f: {  	_ =	swait.ge [sflag:s26], $0x2000  }
0x250: {  	[sflag:s26] =	ssyncset.done $0x0  }
0x251: {  	[sflag:s26] =	ssyncadd.s32 $0xFFFFE000  }
0x252: {  	_ =	swait.ge [sflag:s26], $0x2000  }
0x253: {  	s18 =	simm.s32 $0x0;
	s20 =	simm.s32 $0x6640;
	[sflag:s26] =	ssyncset.done $0x0  }
0x254: {  	s23 =	simm.s32 $0x8640;
	s24 =	simm.s32 $0xA640;
	[sflag:s26] =	ssyncadd.s32 $0xFFFFE000  }
.LBB2_22:
0x255: {  	v5 =	vld [tilespmem:s24+$0x20]  }
0x256: {  	v8 =	vld [tilespmem:s20+$0x20]  }
0x257: {  	v6 =	vld [tilespmem:s20+$0x10]  }
0x258: {  	v7 =	vld [tilespmem:s20+$0x0]  }
0x259: {  	v9 =	vld [tilespmem:s20+$0xFFFFFFF0]  }
0x25a: {  	v10 =	vld [tilespmem:s24+$0xFFFFFFC0]  }
0x25b: {  	v11 =	vld [tilespmem:s20+$0xFFFFFFE0]  }
0x25c: {  	v12 =	vld [tilespmem:s20+$0xFFFFFFC0]  }
0x25d: {  	v13 =	vld [tilespmem:s23+$0xFFFFFFC0]  }
0x25e: {  	v14 =	vld [tilespmem:s20+$0xFFFFFFD0]  }
0x25f: {  	v15 =	vld [tilespmem:s23+$0xFFFFFFD0]  }
0x260: {  	v16 =	vld [tilespmem:s23+$0xFFFFFFE0]  }
0x261: {  	v17 =	vld [tilespmem:s24+$0xFFFFFFD0]  }
0x262: {  	v18 =	vld [tilespmem:s23+$0xFFFFFFF0]  }
0x263: {  	v19 =	vld [tilespmem:s24+$0xFFFFFFE0]  }
0x264: {  	v12 =	vmul.f32 v13, v12;
	v13 =	vld [tilespmem:s23+$0x0];
	v14 =	vmul.f32 v15, v14  }
0x265: {  	v15 =	vld [tilespmem:s24+$0xFFFFFFF0];
	v11 =	vmul.f32 v16, v11  }
0x266: {  	v16 =	vld [tilespmem:s24+$0x0];
	v10 =	vmul.f32 v10, v12;
	v14 =	vmul.f32 v17, v14  }
0x267: {  	v12 =	vld [tilespmem:s23+$0x10]  }
0x268: {  	v9 =	vmul.f32 v18, v9;
	v17 =	vld [tilespmem:s23+$0x20];
	v11 =	vmul.f32 v19, v11;
	v10 =	vadd.f32 v14, v10  }
0x269: {  	v14 =	vld [tilespmem:s24+$0x10]  }
0x26a: {  	v18 =	vld [tilespmem:s20+$0x30];
	v7 =	vmul.f32 v13, v7;
	v9 =	vmul.f32 v15, v9;
	v10 =	vadd.f32 v11, v10  }
0x26b: {  	v11 =	vld [tilespmem:s23+$0x30]  }
0x26c: {  	s25 =	sadd.s32 $0x80, s24;
	v13 =	vld [tilespmem:s24+$0x30];
	v12 =	vmul.f32 v12, v6;
	v9 =	vadd.f32 v9, v10;
	v10 =	vmul.f32 v16, v7  }
0x26d: {  	s30 =	sadd.s32 $0x80, s20;
	v6 =	vld [tilespmem:s25+$0x20]  }
0x26e: {  	s31 =	sadd.s32 $0x80, s23;
	v15 =	vmul.f32 v17, v8;
	v8 =	vld [tilespmem:s30+$0x10];
	v12 =	vmul.f32 v14, v12;
	v10 =	vadd.f32 v10, v9  }
0x26f: {  	v17 =	vld [tilespmem:s31+$0xFFFFFFC0]  }
0x270: {  	v7 =	vld [tilespmem:s30+$0x20];
	v5 =	vmul.f32 v5, v15;
	v11 =	vmul.f32 v11, v18;
	v14 =	vadd.f32 v12, v10  }
0x271: {  	v16 =	vld [tilespmem:s30+$0xFFFFFFD0]  }
0x272: {  	v15 =	vld [tilespmem:s30+$0xFFFFFFC0];
	v11 =	vmul.f32 v13, v11;
	v5 =	vadd.f32 v5, v14  }
0x273: {  	v9 =	vld [tilespmem:s30+$0x0]  }
0x274: {  	v18 =	vld [tilespmem:s31+$0xFFFFFFD0];
	v11 =	vadd.f32 v11, v5  }
0x275: {  	v10 =	vld [tilespmem:s30+$0xFFFFFFF0]  }
0x276: {  	v12 =	vld [tilespmem:s25+$0xFFFFFFC0];
	v14 =	vperm.xlane v11, v0  }
0x277: {  	s28 =	simm.s32 $0x1;
	s0 =	simm.s32 $0x2;
	s29 =	simm.s32 $0x0;
	v13 =	vld [tilespmem:s30+$0xFFFFFFE0];
	v5 =	vimm.f32 $0.0e+00  }
.LBB2_23:
0x278: {  	p0 =	sne.s32 s0, $0xF;
	v19 =	vld [tilespmem:s31+$0xFFFFFFE0];
	v11 =	vadd.f32 v11, v14  }
0x279: {  	v14 =	vld [tilespmem:s25+$0xFFFFFFD0]  }
0x27a: {  	v20 =	vld [tilespmem:s31+$0xFFFFFFF0];
	v21 =	vperm.xlane v11, v1  }
0x27b: {  	v15 =	vmul.f32 v17, v15;
	v17 =	vld [tilespmem:s25+$0xFFFFFFE0]  }
0x27c: {  	v16 =	vmul.f32 v18, v16;
	v18 =	vld [tilespmem:s31+$0x0];
	v11 =	vadd.f32 v11, v21  }
0x27d: {  	v12 =	vmul.f32 v12, v15;
	v13 =	vmul.f32 v19, v13;
	v15 =	vld [tilespmem:s25+$0xFFFFFFF0]  }
0x27e: {  	v14 =	vmul.f32 v14, v16;
	v16 =	vld [tilespmem:s31+$0x10];
	v19 =	vperm.xlane v11, v2  }
0x27f: {  	v10 =	vmul.f32 v20, v10;
	v20 =	vld [tilespmem:s25+$0x0]  }
0x280: {  	v12 =	vadd.f32 v14, v12;
	v13 =	vmul.f32 v17, v13;
	v14 =	vld [tilespmem:s31+$0x20];
	v11 =	vadd.f32 v11, v19  }
0x281: {  	v9 =	vmul.f32 v18, v9;
	v17 =	vld [tilespmem:s25+$0x10]  }
0x282: {  	v12 =	vadd.f32 v13, v12;
	v10 =	vmul.f32 v15, v10;
	v13 =	vld [tilespmem:s30+$0x30];
	v15 =	vperm.xlane v11, v3  }
0x283: {  	v18 =	vmov s29;
	s29 =	smov.u32 s28;
	s28 =	smov.u32 s0;
	v8 =	vmul.f32 v16, v8;
	v16 =	vld [tilespmem:s31+$0x30]  }
0x284: {  	v10 =	vadd.f32 v10, v12;
	v9 =	vmul.f32 v20, v9;
	v19 =	vld [tilespmem:s25+$0x30];
	s25 =	sadd.s32 $0x80, s25;
	v11 =	vadd.f32 v11, v15  }
0x285: {  	s30 =	sadd.s32 $0x80, s30;
	vm0 =	veq.s32 v18, v4;
	v15 =	vld [tilespmem:s25+$0x20];
	v12 =	vmul.f32 v14, v7  }
0x286: {  	v7 =	vld [tilespmem:s30+$0x20];
	v10 =	vadd.f32 v9, v10;
	v14 =	vmul.f32 v17, v8;
	v5 =	vsel vm0, v11, v5  }
0x287: {  	v8 =	vld [tilespmem:s30+$0x10]  }
0x288: {  	v17 =	vmul.f32 v6, v12;
	v9 =	vld [tilespmem:s30+$0x0];
	v11 =	vadd.f32 v14, v10;
	v13 =	vmul.f32 v16, v13  }
0x289: {  	v10 =	vld [tilespmem:s30+$0xFFFFFFF0]  }
0x28a: {  	v12 =	vld [tilespmem:s25+$0xFFFFFFC0];
	v11 =	vadd.f32 v17, v11;
	v14 =	vmul.f32 v19, v13;
	v6 =	vmov v15  }
.Ltmp10:
0x28b: {  	v13 =	vld [tilespmem:s30+$0xFFFFFFE0];
	(pc) =	sbr.rel @p0 .LBB2_23-.Ltmp10, $4  }
0x28c: {  	s31 =	sadd.s32 $0x80, s31;
	v15 =	vld [tilespmem:s30+$0xFFFFFFC0];
	v11 =	vadd.f32 v14, v11  }
0x28d: {  	v17 =	vld [tilespmem:s31+$0xFFFFFFC0]  }
0x28e: {  	v16 =	vld [tilespmem:s30+$0xFFFFFFD0];
	v14 =	vperm.xlane v11, v0  }
0x28f: {  	s0 =	sadd.s32 $0x1, s0;
	v18 =	vld [tilespmem:s31+$0xFFFFFFD0]  }
0x290: {  	v19 =	vld [tilespmem:s31+$0xFFFFFFE0]  }
0x291: {  	v20 =	vld [tilespmem:s25+$0xFFFFFFD0]  }
0x292: {  	v21 =	vld [tilespmem:s31+$0xFFFFFFF0]  }
0x293: {  	v50 =	vld [tilespmem:s25+$0xFFFFFFE0];
	v15 =	vmul.f32 v17, v15  }
0x294: {  	v51 =	vld [tilespmem:s31+$0x0];
	v16 =	vmul.f32 v18, v16  }
0x295: {  	v52 =	vld [tilespmem:s25+$0xFFFFFFF0];
	v12 =	vmul.f32 v12, v15  }
0x296: {  	v53 =	vld [tilespmem:s31+$0x10];
	v13 =	vmul.f32 v19, v13;
	v16 =	vmul.f32 v20, v16  }
0x297: {  	v54 =	vld [tilespmem:s25+$0x0]  }
0x298: {  	v55 =	vld [tilespmem:s31+$0x20];
	v10 =	vmul.f32 v21, v10;
	v13 =	vmul.f32 v50, v13;
	v12 =	vadd.f32 v16, v12  }
0x299: {  	v56 =	vld [tilespmem:s25+$0x10]  }
0x29a: {  	v57 =	vld [tilespmem:s30+$0x30];
	v9 =	vmul.f32 v51, v9;
	v10 =	vmul.f32 v52, v10;
	v12 =	vadd.f32 v13, v12  }
0x29b: {  	v58 =	vld [tilespmem:s31+$0x30]  }
0x29c: {  	v8 =	vmul.f32 v53, v8;
	v9 =	vmul.f32 v54, v9;
	v10 =	vadd.f32 v10, v12  }
0x29d: {  	v59 =	vld [tilespmem:s25+$0x30]  }
0x29e: {  	v7 =	vmul.f32 v55, v7;
	v8 =	vmul.f32 v56, v8;
	v9 =	vadd.f32 v9, v10;
	_ =	sdelay $0x1  }
0x29f: {  	v6 =	vmul.f32 v6, v7;
	v7 =	vmul.f32 v58, v57;
	v8 =	vadd.f32 v8, v9;
	_ =	sdelay $0x1  }
0x2a0: {  	v7 =	vmul.f32 v59, v7;
	v6 =	vadd.f32 v6, v8;
	_ =	sdelay $0x1  }
0x2a1: {  	v6 =	vadd.f32 v7, v6;
	_ =	sdelay $0x1  }
0x2a2: {  	v7 =	vperm.xlane v6, v0  }
0x2a3: {  	v60 =	vadd.f32 v11, v14  }
0x2a4: {  	v6 =	vadd.f32 v6, v7  }
0x2a5: {  	v7 =	vperm.xlane v60, v1  }
0x2a6: {  	v61 =	vperm.xlane v6, v1  }
0x2a7: {  	v7 =	vadd.f32 v60, v7  }
0x2a8: {  	v6 =	vadd.f32 v6, v61  }
0x2a9: {  	v8 =	vperm.xlane v7, v2  }
0x2aa: {  	v9 =	vperm.xlane v6, v2  }
0x2ab: {  	v7 =	vadd.f32 v7, v8  }
0x2ac: {  	v6 =	vadd.f32 v6, v9  }
0x2ad: {  	s0 =	sshll.u32 s18, $0x4;
	s18 =	sadd.s32 $0x1, s18;
	v8 =	vperm.xlane v7, v3  }
0x2ae: {  	p0 =	sne.s32 s18, $0x4;
	v9 =	vperm.xlane v6, v3  }
.Ltmp11:
0x2af: {  	v62 =	vmov s29;
	v7 =	vadd.f32 v7, v8;
	(pc) =	sbr.rel @p0 .LBB2_22-.Ltmp11, $4  }
0x2b0: {  	v63 =	vmov s28;
	vm0 =	veq.s32 v62, v4;
	v6 =	vadd.f32 v6, v9  }
0x2b1: {  	vm15 =	veq.s32 v63, v4;
	v5 =	vsel vm0, v7, v5  }
0x2b2: {  	s0 =	sand.u32 $0x3FFFFFF0, s0;
	v5 =	vsel vm15, v6, v5  }
0x2b3: {  	s20 =	sadd.s32 $0x800, s20;
	s23 =	sadd.s32 $0x800, s23;
	s24 =	sadd.s32 $0x800, s24;
	[tilespmem:s0+$0xC740] =	vst v5  }
0x2b4: {  	s0 =	simm.s32 $0x1C0  }
0x2b5: {  	[tilespmem:s17], [sflag:$0x2] =	stream.indirect.gather [hbm4b:s1+s13], $0x80, s0, s13, $0xb8;
	[tilespmem:$0xC800] =	vst v63  }
0x2b6: {  	s30 =	simm.s32 $0x3C0  }
0x2b7: {  	[tilespmem:s19], [sflag:$0x2] =	stream.indirect.gather [hbm4b:s2+s13], $0x80, s30, s13, $0xb8;
	[tilespmem:$0xC800] =	vst v63  }
0x2b8: {  	s31 =	simm.s32 $0x5C0  }
0x2b9: {  	[tilespmem:s21], [sflag:$0x2] =	stream.indirect.gather [hbm4b:s1+s13], $0x80, s31, s13, $0xb8;
	[tilespmem:$0xC800] =	vst v63  }
0x2ba: {  	_ =	swait.ge [sflag:s22], $0x2000  }
0x2bb: {  	[sflag:s22] =	ssyncset.done $0x0  }
0x2bc: {  	[sflag:s22] =	ssyncadd.s32 $0xFFFFE000  }
0x2bd: {  	_ =	swait.ge [sflag:s22], $0x2000  }
0x2be: {  	[sflag:s22] =	ssyncset.done $0x0  }
0x2bf: {  	[sflag:s22] =	ssyncadd.s32 $0xFFFFE000  }
0x2c0: {  	_ =	swait.ge [sflag:s22], $0x2000  }
0x2c1: {  	s18 =	simm.s32 $0x0;
	s20 =	simm.s32 $0x640;
	[sflag:s22] =	ssyncset.done $0x0  }
0x2c2: {  	s23 =	simm.s32 $0x2640;
	s24 =	simm.s32 $0x4640;
	[sflag:s22] =	ssyncadd.s32 $0xFFFFE000  }
.LBB2_26:
0x2c3: {  	v5 =	vld [tilespmem:s24+$0x20]  }
0x2c4: {  	v8 =	vld [tilespmem:s20+$0x20]  }
0x2c5: {  	v6 =	vld [tilespmem:s20+$0x10]  }
0x2c6: {  	v7 =	vld [tilespmem:s20+$0x0]  }
0x2c7: {  	v9 =	vld [tilespmem:s20+$0xFFFFFFF0]  }
0x2c8: {  	v10 =	vld [tilespmem:s24+$0xFFFFFFC0]  }
0x2c9: {  	v11 =	vld [tilespmem:s20+$0xFFFFFFE0]  }
0x2ca: {  	v12 =	vld [tilespmem:s20+$0xFFFFFFC0]  }
0x2cb: {  	v13 =	vld [tilespmem:s23+$0xFFFFFFC0]  }
0x2cc: {  	v14 =	vld [tilespmem:s20+$0xFFFFFFD0]  }
0x2cd: {  	v15 =	vld [tilespmem:s23+$0xFFFFFFD0]  }
0x2ce: {  	v16 =	vld [tilespmem:s23+$0xFFFFFFE0]  }
0x2cf: {  	v17 =	vld [tilespmem:s24+$0xFFFFFFD0]  }
0x2d0: {  	v18 =	vld [tilespmem:s23+$0xFFFFFFF0]  }
0x2d1: {  	v19 =	vld [tilespmem:s24+$0xFFFFFFE0]  }
0x2d2: {  	v12 =	vmul.f32 v13, v12;
	v13 =	vld [tilespmem:s23+$0x0];
	v14 =	vmul.f32 v15, v14  }
0x2d3: {  	v15 =	vld [tilespmem:s24+$0xFFFFFFF0];
	v11 =	vmul.f32 v16, v11  }
0x2d4: {  	v16 =	vld [tilespmem:s24+$0x0];
	v10 =	vmul.f32 v10, v12;
	v14 =	vmul.f32 v17, v14  }
0x2d5: {  	v12 =	vld [tilespmem:s23+$0x10]  }
0x2d6: {  	v9 =	vmul.f32 v18, v9;
	v17 =	vld [tilespmem:s23+$0x20];
	v11 =	vmul.f32 v19, v11;
	v10 =	vadd.f32 v14, v10  }
0x2d7: {  	v14 =	vld [tilespmem:s24+$0x10]  }
0x2d8: {  	v18 =	vld [tilespmem:s20+$0x30];
	v7 =	vmul.f32 v13, v7;
	v9 =	vmul.f32 v15, v9;
	v10 =	vadd.f32 v11, v10  }
0x2d9: {  	v11 =	vld [tilespmem:s23+$0x30]  }
0x2da: {  	s25 =	sadd.s32 $0x80, s24;
	v13 =	vld [tilespmem:s24+$0x30];
	v12 =	vmul.f32 v12, v6;
	v9 =	vadd.f32 v9, v10;
	v10 =	vmul.f32 v16, v7  }
0x2db: {  	s30 =	sadd.s32 $0x80, s20;
	v6 =	vld [tilespmem:s25+$0x20]  }
0x2dc: {  	s31 =	sadd.s32 $0x80, s23;
	v15 =	vmul.f32 v17, v8;
	v8 =	vld [tilespmem:s30+$0x10];
	v12 =	vmul.f32 v14, v12;
	v10 =	vadd.f32 v10, v9  }
0x2dd: {  	v17 =	vld [tilespmem:s31+$0xFFFFFFC0]  }
0x2de: {  	v7 =	vld [tilespmem:s30+$0x20];
	v5 =	vmul.f32 v5, v15;
	v11 =	vmul.f32 v11, v18;
	v14 =	vadd.f32 v12, v10  }
0x2df: {  	v16 =	vld [tilespmem:s30+$0xFFFFFFD0]  }
0x2e0: {  	v15 =	vld [tilespmem:s30+$0xFFFFFFC0];
	v11 =	vmul.f32 v13, v11;
	v5 =	vadd.f32 v5, v14  }
0x2e1: {  	v9 =	vld [tilespmem:s30+$0x0]  }
0x2e2: {  	v18 =	vld [tilespmem:s31+$0xFFFFFFD0];
	v11 =	vadd.f32 v11, v5  }
0x2e3: {  	v10 =	vld [tilespmem:s30+$0xFFFFFFF0]  }
0x2e4: {  	v12 =	vld [tilespmem:s25+$0xFFFFFFC0];
	v14 =	vperm.xlane v11, v0  }
0x2e5: {  	s28 =	simm.s32 $0x1;
	s0 =	simm.s32 $0x2;
	s29 =	simm.s32 $0x0;
	v13 =	vld [tilespmem:s30+$0xFFFFFFE0];
	v5 =	vimm.f32 $0.0e+00  }
.LBB2_27:
0x2e6: {  	p0 =	sne.s32 s0, $0xF;
	v19 =	vld [tilespmem:s31+$0xFFFFFFE0];
	v11 =	vadd.f32 v11, v14  }
0x2e7: {  	v14 =	vld [tilespmem:s25+$0xFFFFFFD0]  }
0x2e8: {  	v20 =	vld [tilespmem:s31+$0xFFFFFFF0];
	v21 =	vperm.xlane v11, v1  }
0x2e9: {  	v15 =	vmul.f32 v17, v15;
	v17 =	vld [tilespmem:s25+$0xFFFFFFE0]  }
0x2ea: {  	v16 =	vmul.f32 v18, v16;
	v18 =	vld [tilespmem:s31+$0x0];
	v11 =	vadd.f32 v11, v21  }
0x2eb: {  	v12 =	vmul.f32 v12, v15;
	v13 =	vmul.f32 v19, v13;
	v15 =	vld [tilespmem:s25+$0xFFFFFFF0]  }
0x2ec: {  	v14 =	vmul.f32 v14, v16;
	v16 =	vld [tilespmem:s31+$0x10];
	v19 =	vperm.xlane v11, v2  }
0x2ed: {  	v10 =	vmul.f32 v20, v10;
	v20 =	vld [tilespmem:s25+$0x0]  }
0x2ee: {  	v12 =	vadd.f32 v14, v12;
	v13 =	vmul.f32 v17, v13;
	v14 =	vld [tilespmem:s31+$0x20];
	v11 =	vadd.f32 v11, v19  }
0x2ef: {  	v9 =	vmul.f32 v18, v9;
	v17 =	vld [tilespmem:s25+$0x10]  }
0x2f0: {  	v12 =	vadd.f32 v13, v12;
	v10 =	vmul.f32 v15, v10;
	v13 =	vld [tilespmem:s30+$0x30];
	v15 =	vperm.xlane v11, v3  }
0x2f1: {  	v18 =	vmov s29;
	s29 =	smov.u32 s28;
	s28 =	smov.u32 s0;
	v8 =	vmul.f32 v16, v8;
	v16 =	vld [tilespmem:s31+$0x30]  }
0x2f2: {  	v10 =	vadd.f32 v10, v12;
	v9 =	vmul.f32 v20, v9;
	v19 =	vld [tilespmem:s25+$0x30];
	s25 =	sadd.s32 $0x80, s25;
	v11 =	vadd.f32 v11, v15  }
0x2f3: {  	s30 =	sadd.s32 $0x80, s30;
	vm0 =	veq.s32 v18, v4;
	v15 =	vld [tilespmem:s25+$0x20];
	v12 =	vmul.f32 v14, v7  }
0x2f4: {  	v7 =	vld [tilespmem:s30+$0x20];
	v10 =	vadd.f32 v9, v10;
	v14 =	vmul.f32 v17, v8;
	v5 =	vsel vm0, v11, v5  }
0x2f5: {  	v8 =	vld [tilespmem:s30+$0x10]  }
0x2f6: {  	v17 =	vmul.f32 v6, v12;
	v9 =	vld [tilespmem:s30+$0x0];
	v11 =	vadd.f32 v14, v10;
	v13 =	vmul.f32 v16, v13  }
0x2f7: {  	v10 =	vld [tilespmem:s30+$0xFFFFFFF0]  }
0x2f8: {  	v12 =	vld [tilespmem:s25+$0xFFFFFFC0];
	v11 =	vadd.f32 v17, v11;
	v14 =	vmul.f32 v19, v13;
	v6 =	vmov v15  }
.Ltmp12:
0x2f9: {  	v13 =	vld [tilespmem:s30+$0xFFFFFFE0];
	(pc) =	sbr.rel @p0 .LBB2_27-.Ltmp12, $4  }
0x2fa: {  	s31 =	sadd.s32 $0x80, s31;
	v15 =	vld [tilespmem:s30+$0xFFFFFFC0];
	v11 =	vadd.f32 v14, v11  }
0x2fb: {  	v17 =	vld [tilespmem:s31+$0xFFFFFFC0]  }
0x2fc: {  	v16 =	vld [tilespmem:s30+$0xFFFFFFD0];
	v14 =	vperm.xlane v11, v0  }
0x2fd: {  	s0 =	sadd.s32 $0x1, s0;
	v18 =	vld [tilespmem:s31+$0xFFFFFFD0]  }
0x2fe: {  	v19 =	vld [tilespmem:s31+$0xFFFFFFE0]  }
0x2ff: {  	v20 =	vld [tilespmem:s25+$0xFFFFFFD0]  }
0x300: {  	v21 =	vld [tilespmem:s31+$0xFFFFFFF0]  }
0x301: {  	v50 =	vld [tilespmem:s25+$0xFFFFFFE0];
	v15 =	vmul.f32 v17, v15  }
0x302: {  	v51 =	vld [tilespmem:s31+$0x0];
	v16 =	vmul.f32 v18, v16  }
0x303: {  	v52 =	vld [tilespmem:s25+$0xFFFFFFF0];
	v12 =	vmul.f32 v12, v15  }
0x304: {  	v53 =	vld [tilespmem:s31+$0x10];
	v13 =	vmul.f32 v19, v13;
	v16 =	vmul.f32 v20, v16  }
0x305: {  	v54 =	vld [tilespmem:s25+$0x0]  }
0x306: {  	v55 =	vld [tilespmem:s31+$0x20];
	v10 =	vmul.f32 v21, v10;
	v13 =	vmul.f32 v50, v13;
	v12 =	vadd.f32 v16, v12  }
0x307: {  	v56 =	vld [tilespmem:s25+$0x10]  }
0x308: {  	v57 =	vld [tilespmem:s30+$0x30];
	v9 =	vmul.f32 v51, v9;
	v10 =	vmul.f32 v52, v10;
	v12 =	vadd.f32 v13, v12  }
0x309: {  	v58 =	vld [tilespmem:s31+$0x30]  }
0x30a: {  	v8 =	vmul.f32 v53, v8;
	v9 =	vmul.f32 v54, v9;
	v10 =	vadd.f32 v10, v12  }
0x30b: {  	v59 =	vld [tilespmem:s25+$0x30]  }
0x30c: {  	v7 =	vmul.f32 v55, v7;
	v8 =	vmul.f32 v56, v8;
	v9 =	vadd.f32 v9, v10;
	_ =	sdelay $0x1  }
0x30d: {  	v6 =	vmul.f32 v6, v7;
	v7 =	vmul.f32 v58, v57;
	v8 =	vadd.f32 v8, v9;
	_ =	sdelay $0x1  }
0x30e: {  	v7 =	vmul.f32 v59, v7;
	v6 =	vadd.f32 v6, v8;
	_ =	sdelay $0x1  }
0x30f: {  	v6 =	vadd.f32 v7, v6;
	_ =	sdelay $0x1  }
0x310: {  	v7 =	vperm.xlane v6, v0  }
0x311: {  	v60 =	vadd.f32 v11, v14  }
0x312: {  	v6 =	vadd.f32 v6, v7  }
0x313: {  	v7 =	vperm.xlane v60, v1  }
0x314: {  	v61 =	vperm.xlane v6, v1  }
0x315: {  	v7 =	vadd.f32 v60, v7  }
0x316: {  	v6 =	vadd.f32 v6, v61  }
0x317: {  	v8 =	vperm.xlane v7, v2  }
0x318: {  	v9 =	vperm.xlane v6, v2  }
0x319: {  	v7 =	vadd.f32 v7, v8  }
0x31a: {  	v6 =	vadd.f32 v6, v9  }
0x31b: {  	s0 =	sshll.u32 s18, $0x4;
	s18 =	sadd.s32 $0x1, s18;
	v8 =	vperm.xlane v7, v3  }
0x31c: {  	p0 =	sne.s32 s18, $0x4;
	v9 =	vperm.xlane v6, v3  }
.Ltmp13:
0x31d: {  	v62 =	vmov s29;
	v7 =	vadd.f32 v7, v8;
	(pc) =	sbr.rel @p0 .LBB2_26-.Ltmp13, $4  }
0x31e: {  	v63 =	vmov s28;
	vm0 =	veq.s32 v62, v4;
	v6 =	vadd.f32 v6, v9  }
0x31f: {  	vm15 =	veq.s32 v63, v4;
	v5 =	vsel vm0, v7, v5  }
0x320: {  	s0 =	sand.u32 $0x3FFFFFF0, s0;
	v5 =	vsel vm15, v6, v5  }
0x321: {  	s20 =	sadd.s32 $0x800, s20;
	s23 =	sadd.s32 $0x800, s23;
	s24 =	sadd.s32 $0x800, s24;
	[tilespmem:s0+$0xC780] =	vst v5  }
0x322: {  	_ =	swait.ge [sflag:s26], $0x2000  }
0x323: {  	[sflag:s26] =	ssyncset.done $0x0  }
0x324: {  	[sflag:s26] =	ssyncadd.s32 $0xFFFFE000  }
0x325: {  	_ =	swait.ge [sflag:s26], $0x2000  }
0x326: {  	[sflag:s26] =	ssyncset.done $0x0  }
0x327: {  	[sflag:s26] =	ssyncadd.s32 $0xFFFFE000  }
0x328: {  	_ =	swait.ge [sflag:s26], $0x2000  }
0x329: {  	s18 =	simm.s32 $0x0;
	s20 =	simm.s32 $0x6640;
	[sflag:s26] =	ssyncset.done $0x0  }
0x32a: {  	s23 =	simm.s32 $0x8640;
	s24 =	simm.s32 $0xA640;
	[sflag:s26] =	ssyncadd.s32 $0xFFFFE000  }
.LBB2_30:
0x32b: {  	v5 =	vld [tilespmem:s24+$0x20]  }
0x32c: {  	v8 =	vld [tilespmem:s20+$0x20]  }
0x32d: {  	v6 =	vld [tilespmem:s20+$0x10]  }
0x32e: {  	v7 =	vld [tilespmem:s20+$0x0]  }
0x32f: {  	v9 =	vld [tilespmem:s20+$0xFFFFFFF0]  }
0x330: {  	v10 =	vld [tilespmem:s24+$0xFFFFFFC0]  }
0x331: {  	v11 =	vld [tilespmem:s20+$0xFFFFFFE0]  }
0x332: {  	v12 =	vld [tilespmem:s20+$0xFFFFFFC0]  }
0x333: {  	v13 =	vld [tilespmem:s23+$0xFFFFFFC0]  }
0x334: {  	v14 =	vld [tilespmem:s20+$0xFFFFFFD0]  }
0x335: {  	v15 =	vld [tilespmem:s23+$0xFFFFFFD0]  }
0x336: {  	v16 =	vld [tilespmem:s23+$0xFFFFFFE0]  }
0x337: {  	v17 =	vld [tilespmem:s24+$0xFFFFFFD0]  }
0x338: {  	v18 =	vld [tilespmem:s23+$0xFFFFFFF0]  }
0x339: {  	v19 =	vld [tilespmem:s24+$0xFFFFFFE0]  }
0x33a: {  	v12 =	vmul.f32 v13, v12;
	v13 =	vld [tilespmem:s23+$0x0];
	v14 =	vmul.f32 v15, v14  }
0x33b: {  	v15 =	vld [tilespmem:s24+$0xFFFFFFF0];
	v11 =	vmul.f32 v16, v11  }
0x33c: {  	v16 =	vld [tilespmem:s24+$0x0];
	v10 =	vmul.f32 v10, v12;
	v14 =	vmul.f32 v17, v14  }
0x33d: {  	v12 =	vld [tilespmem:s23+$0x10]  }
0x33e: {  	v9 =	vmul.f32 v18, v9;
	v17 =	vld [tilespmem:s23+$0x20];
	v11 =	vmul.f32 v19, v11;
	v10 =	vadd.f32 v14, v10  }
0x33f: {  	v14 =	vld [tilespmem:s24+$0x10]  }
0x340: {  	v18 =	vld [tilespmem:s20+$0x30];
	v7 =	vmul.f32 v13, v7;
	v9 =	vmul.f32 v15, v9;
	v10 =	vadd.f32 v11, v10  }
0x341: {  	v11 =	vld [tilespmem:s23+$0x30]  }
0x342: {  	s25 =	sadd.s32 $0x80, s24;
	v13 =	vld [tilespmem:s24+$0x30];
	v12 =	vmul.f32 v12, v6;
	v9 =	vadd.f32 v9, v10;
	v10 =	vmul.f32 v16, v7  }
0x343: {  	s30 =	sadd.s32 $0x80, s20;
	v6 =	vld [tilespmem:s25+$0x20]  }
0x344: {  	s31 =	sadd.s32 $0x80, s23;
	v15 =	vmul.f32 v17, v8;
	v8 =	vld [tilespmem:s30+$0x10];
	v12 =	vmul.f32 v14, v12;
	v10 =	vadd.f32 v10, v9  }
0x345: {  	v17 =	vld [tilespmem:s31+$0xFFFFFFC0]  }
0x346: {  	v7 =	vld [tilespmem:s30+$0x20];
	v5 =	vmul.f32 v5, v15;
	v11 =	vmul.f32 v11, v18;
	v14 =	vadd.f32 v12, v10  }
0x347: {  	v16 =	vld [tilespmem:s30+$0xFFFFFFD0]  }
0x348: {  	v15 =	vld [tilespmem:s30+$0xFFFFFFC0];
	v11 =	vmul.f32 v13, v11;
	v5 =	vadd.f32 v5, v14  }
0x349: {  	v9 =	vld [tilespmem:s30+$0x0]  }
0x34a: {  	v18 =	vld [tilespmem:s31+$0xFFFFFFD0];
	v11 =	vadd.f32 v11, v5  }
0x34b: {  	v10 =	vld [tilespmem:s30+$0xFFFFFFF0]  }
0x34c: {  	v12 =	vld [tilespmem:s25+$0xFFFFFFC0];
	v14 =	vperm.xlane v11, v0  }
0x34d: {  	s28 =	simm.s32 $0x1;
	s0 =	simm.s32 $0x2;
	s29 =	simm.s32 $0x0;
	v13 =	vld [tilespmem:s30+$0xFFFFFFE0];
	v5 =	vimm.f32 $0.0e+00  }
.LBB2_31:
0x34e: {  	p0 =	sne.s32 s0, $0xF;
	v19 =	vld [tilespmem:s31+$0xFFFFFFE0];
	v11 =	vadd.f32 v11, v14  }
0x34f: {  	v14 =	vld [tilespmem:s25+$0xFFFFFFD0]  }
0x350: {  	v20 =	vld [tilespmem:s31+$0xFFFFFFF0];
	v21 =	vperm.xlane v11, v1  }
0x351: {  	v15 =	vmul.f32 v17, v15;
	v17 =	vld [tilespmem:s25+$0xFFFFFFE0]  }
0x352: {  	v16 =	vmul.f32 v18, v16;
	v18 =	vld [tilespmem:s31+$0x0];
	v11 =	vadd.f32 v11, v21  }
0x353: {  	v12 =	vmul.f32 v12, v15;
	v13 =	vmul.f32 v19, v13;
	v15 =	vld [tilespmem:s25+$0xFFFFFFF0]  }
0x354: {  	v14 =	vmul.f32 v14, v16;
	v16 =	vld [tilespmem:s31+$0x10];
	v19 =	vperm.xlane v11, v2  }
0x355: {  	v10 =	vmul.f32 v20, v10;
	v20 =	vld [tilespmem:s25+$0x0]  }
0x356: {  	v12 =	vadd.f32 v14, v12;
	v13 =	vmul.f32 v17, v13;
	v14 =	vld [tilespmem:s31+$0x20];
	v11 =	vadd.f32 v11, v19  }
0x357: {  	v9 =	vmul.f32 v18, v9;
	v17 =	vld [tilespmem:s25+$0x10]  }
0x358: {  	v12 =	vadd.f32 v13, v12;
	v10 =	vmul.f32 v15, v10;
	v13 =	vld [tilespmem:s30+$0x30];
	v15 =	vperm.xlane v11, v3  }
0x359: {  	v18 =	vmov s29;
	s29 =	smov.u32 s28;
	s28 =	smov.u32 s0;
	v8 =	vmul.f32 v16, v8;
	v16 =	vld [tilespmem:s31+$0x30]  }
0x35a: {  	v10 =	vadd.f32 v10, v12;
	v9 =	vmul.f32 v20, v9;
	v19 =	vld [tilespmem:s25+$0x30];
	s25 =	sadd.s32 $0x80, s25;
	v11 =	vadd.f32 v11, v15  }
0x35b: {  	s30 =	sadd.s32 $0x80, s30;
	vm0 =	veq.s32 v18, v4;
	v15 =	vld [tilespmem:s25+$0x20];
	v12 =	vmul.f32 v14, v7  }
0x35c: {  	v7 =	vld [tilespmem:s30+$0x20];
	v10 =	vadd.f32 v9, v10;
	v14 =	vmul.f32 v17, v8;
	v5 =	vsel vm0, v11, v5  }
0x35d: {  	v8 =	vld [tilespmem:s30+$0x10]  }
0x35e: {  	v17 =	vmul.f32 v6, v12;
	v9 =	vld [tilespmem:s30+$0x0];
	v11 =	vadd.f32 v14, v10;
	v13 =	vmul.f32 v16, v13  }
0x35f: {  	v10 =	vld [tilespmem:s30+$0xFFFFFFF0]  }
0x360: {  	v12 =	vld [tilespmem:s25+$0xFFFFFFC0];
	v11 =	vadd.f32 v17, v11;
	v14 =	vmul.f32 v19, v13;
	v6 =	vmov v15  }
.Ltmp14:
0x361: {  	v13 =	vld [tilespmem:s30+$0xFFFFFFE0];
	(pc) =	sbr.rel @p0 .LBB2_31-.Ltmp14, $4  }
0x362: {  	s31 =	sadd.s32 $0x80, s31;
	v15 =	vld [tilespmem:s30+$0xFFFFFFC0];
	v11 =	vadd.f32 v14, v11  }
0x363: {  	v17 =	vld [tilespmem:s31+$0xFFFFFFC0]  }
0x364: {  	v16 =	vld [tilespmem:s30+$0xFFFFFFD0];
	v14 =	vperm.xlane v11, v0  }
0x365: {  	s0 =	sadd.s32 $0x1, s0;
	v18 =	vld [tilespmem:s31+$0xFFFFFFD0]  }
0x366: {  	v19 =	vld [tilespmem:s31+$0xFFFFFFE0]  }
0x367: {  	v20 =	vld [tilespmem:s25+$0xFFFFFFD0]  }
0x368: {  	v21 =	vld [tilespmem:s31+$0xFFFFFFF0]  }
0x369: {  	v50 =	vld [tilespmem:s25+$0xFFFFFFE0];
	v15 =	vmul.f32 v17, v15  }
0x36a: {  	v51 =	vld [tilespmem:s31+$0x0];
	v16 =	vmul.f32 v18, v16  }
0x36b: {  	v52 =	vld [tilespmem:s25+$0xFFFFFFF0];
	v12 =	vmul.f32 v12, v15  }
0x36c: {  	v53 =	vld [tilespmem:s31+$0x10];
	v13 =	vmul.f32 v19, v13;
	v16 =	vmul.f32 v20, v16  }
0x36d: {  	v54 =	vld [tilespmem:s25+$0x0]  }
0x36e: {  	v55 =	vld [tilespmem:s31+$0x20];
	v10 =	vmul.f32 v21, v10;
	v13 =	vmul.f32 v50, v13;
	v12 =	vadd.f32 v16, v12  }
0x36f: {  	v56 =	vld [tilespmem:s25+$0x10]  }
0x370: {  	v57 =	vld [tilespmem:s30+$0x30];
	v9 =	vmul.f32 v51, v9;
	v10 =	vmul.f32 v52, v10;
	v12 =	vadd.f32 v13, v12  }
0x371: {  	v58 =	vld [tilespmem:s31+$0x30]  }
0x372: {  	v8 =	vmul.f32 v53, v8;
	v9 =	vmul.f32 v54, v9;
	v10 =	vadd.f32 v10, v12  }
0x373: {  	v59 =	vld [tilespmem:s25+$0x30]  }
0x374: {  	v7 =	vmul.f32 v55, v7;
	v8 =	vmul.f32 v56, v8;
	v9 =	vadd.f32 v9, v10;
	_ =	sdelay $0x1  }
0x375: {  	v6 =	vmul.f32 v6, v7;
	v7 =	vmul.f32 v58, v57;
	v8 =	vadd.f32 v8, v9;
	_ =	sdelay $0x1  }
0x376: {  	v7 =	vmul.f32 v59, v7;
	v6 =	vadd.f32 v6, v8;
	_ =	sdelay $0x1  }
0x377: {  	v6 =	vadd.f32 v7, v6;
	_ =	sdelay $0x1  }
0x378: {  	v7 =	vperm.xlane v6, v0  }
0x379: {  	v60 =	vadd.f32 v11, v14  }
0x37a: {  	v6 =	vadd.f32 v6, v7  }
0x37b: {  	v7 =	vperm.xlane v60, v1  }
0x37c: {  	v61 =	vperm.xlane v6, v1  }
0x37d: {  	v7 =	vadd.f32 v60, v7  }
0x37e: {  	v6 =	vadd.f32 v6, v61  }
0x37f: {  	v8 =	vperm.xlane v7, v2  }
0x380: {  	v9 =	vperm.xlane v6, v2  }
0x381: {  	v7 =	vadd.f32 v7, v8  }
0x382: {  	v6 =	vadd.f32 v6, v9  }
0x383: {  	s0 =	sshll.u32 s18, $0x4;
	s18 =	sadd.s32 $0x1, s18;
	v8 =	vperm.xlane v7, v3  }
0x384: {  	p0 =	sne.s32 s18, $0x4;
	v9 =	vperm.xlane v6, v3  }
.Ltmp15:
0x385: {  	v62 =	vmov s29;
	v7 =	vadd.f32 v7, v8;
	(pc) =	sbr.rel @p0 .LBB2_30-.Ltmp15, $4  }
0x386: {  	v63 =	vmov s28;
	vm0 =	veq.s32 v62, v4;
	v6 =	vadd.f32 v6, v9  }
0x387: {  	vm15 =	veq.s32 v63, v4;
	v5 =	vsel vm0, v7, v5  }
0x388: {  	s0 =	sand.u32 $0x3FFFFFF0, s0;
	v5 =	vsel vm15, v6, v5  }
0x389: {  	s20 =	sadd.s32 $0x800, s20;
	s23 =	sadd.s32 $0x800, s23;
	s24 =	sadd.s32 $0x800, s24;
	[tilespmem:s0+$0xC7C0] =	vst v5  }
0x38a: {  	s3 =	sadd.s32 $0x1, s3  }
0x38b: {  	p0 =	sne.s32 s3, s9  }
.Ltmp16:
0x38c: {  	s0 =	simm.s32 $0xC600;
	(pc) =	sbr.rel @p0 .LBB2_1-.Ltmp16, $4  }
0x38d: {  	[hbm4b:s8+s4] =	stream.linear.scatter [tilespmem:s0], [sflag:$0x3], $0x200, $0x38;
	[tilespmem:$0xC800] =	vst v63  }
0x38e: {  	_ =	swait.ge [sflag:s10], $0x200  }
0x38f: {  	[sflag:s10] =	ssyncset.done $0x0  }
0x390: {  	[sflag:s10] =	ssyncadd.s32 $0xFFFFFE00  }
0x391: {  	_ =	sfence.sel $0x180000  }
0x392: {  	[bflag:$0x0] =	sbarrier.arrive $0xFFFF  }
0x393: {  	_ =	strace $0x90000047  }
0x394: {  	s0 =	stileid.u32;
	[bflag:$0x2] =	sbarrier.arrive $0xFFFF  }
0x395: {  	p0 =	sne.s32 s0, $0x0;
	s0 =	rddreg [dreg:$0x4]  }
0x396: {  	s0 =	sadd.s32 @!p0 $0x100000, s0  }
0x397: {  	[sflag:s0] =	ssyncadd.tile.s32 @!p0 $0x1;
	_ =	shalt  }
.Lfunc_end2:
_tile_overlayer_lowered:
.L_overlay_start_2:
0x398: {  	(tag) =	ssettag $0x2  }
0x399: {  	s0 =	rddreg [dreg:$0x0];
	s2 =	stileid.u32  }
0x39a: {  	s1 =	rddreg [dreg:$0x1];
	p0 =	sne.s32 s2, $0x0  }
0x39b: {  	s3 =	rddreg [dreg:$0x2];
	[bflag:$0x3] =	sbarrier.arrive $0xFFFF;
	s2 =	simm.s32 @!p0 $0x1C03  }
0x39c: {  	[timem:s3], [sflag:s2] =	dma.local @!p0 [hbm:s0], s1  }
0x39d: {  	s0 =	simm.s32 @!p0 $0x3  }
0x39e: {  	_ =	swait.ge @!p0 [sflag:s0], s1  }
0x39f: {  	s1 =	ssub.s32 @!p0 $0x0, s1;
	[sflag:s0] =	ssyncset.done @!p0 $0x0  }
0x3a0: {  	[sflag:s0] =	ssyncadd.s32 @!p0 s1  }
0x3a1: {  	[bflag:$0x3] =	sbarrier.arrive $0xFFFF  }
0x3a2: {  	_ =	shalt  }

</sc_bundles>
